<compile_context>
chip_gen: v7x
topology: tpu7x:2x2x1
jax: 0.10.2.dev20260603
libtpu: 0.0.44.dev20260713+nightly
codegen_flags: <defaults>
</compile_context>

<pallas_src>
import functools

import jax
import jax.numpy as jnp
from jax import lax
from jax.experimental import pallas as pl
from jax.experimental.pallas import tpu as pltpu
from jax.experimental.pallas import tpu_sc as plsc

_NUM_FREQ = 32
_MAX_POS = 10000.0
_EMB = 3 * _NUM_FREQ * 2
_NW = 32
_C = 128
_TN = 1024
_TE = 1024


def _round_up(a, b):
    return (a + b - 1) // b * b


def _gelu(u):
    return 0.5 * u * (1.0 + lax.erf(u * 0.7071067811865476))


def _pack_bf16(v):

    def rn(b):
        return lax.shift_right_logical(
            b + 0x7FFF + (lax.shift_right_logical(b, 16) & 1), 16)

    lo = rn(lax.bitcast_convert_type(v[:, :64], jnp.int32))
    hi = rn(lax.bitcast_convert_type(v[:, 64:], jnp.int32))
    return lo | lax.shift_left(hi, 16)


def _unpack_bf16(w):
    lo = lax.bitcast_convert_type(lax.shift_left(w, 16), jnp.float32)
    hi = lax.bitcast_convert_type(
        lax.shift_left(lax.shift_right_logical(w, 16), 16), jnp.float32)
    return jnp.concatenate([lo, hi], axis=1)


def _embed(pts):
    t = pts.shape[0]
    col = lax.broadcasted_iota(jnp.int32, (t, _EMB), 1)
    k = ((col % (2 * _NUM_FREQ)) // 2).astype(jnp.float32)
    fr = jnp.exp(k * (-jnp.log(_MAX_POS) / _NUM_FREQ))
    coord = col // (2 * _NUM_FREQ)
    p = jnp.where(coord == 0, pts[:, 0:1],
                  jnp.where(coord == 1, pts[:, 1:2], pts[:, 2:3]))
    ph = p * fr
    return jnp.where(col % 2 == 0, jnp.sin(ph), jnp.cos(ph))



def _node_kernel(y_ref, x_ref, f_ref, w1_ref, b1_ref, af_ref, b_ref):
    ey = _embed(y_ref[...])
    ex = _embed(x_ref[...])
    w1 = w1_ref[...]
    a = jnp.dot(ey, w1[0:_EMB, :], preferred_element_type=jnp.float32)
    b = jnp.dot(ex, w1[_EMB:2 * _EMB, :],
                preferred_element_type=jnp.float32) + b1_ref[...]
    af_ref[...] = jnp.concatenate(
        [_pack_bf16(a), _pack_bf16(f_ref[...])], axis=1)
    b_ref[...] = b


def _node_precompute(y_pad, x_pad, f_pad, W1, b1, n_pad):
    grid = (n_pad // _TN,)
    return pl.pallas_call(
        _node_kernel,
        grid=grid,
        in_specs=[
            pl.BlockSpec((_TN, 3), lambda i: (i, 0)),
            pl.BlockSpec((_TN, 3), lambda i: (i, 0)),
            pl.BlockSpec((_TN, 128), lambda i: (i, 0)),
            pl.BlockSpec((2 * _EMB, 128), lambda i: (0, 0)),
            pl.BlockSpec((1, 128), lambda i: (0, 0)),
        ],
        out_specs=[
            pl.BlockSpec((_TN, 128), lambda i: (i, 0)),
            pl.BlockSpec((_TN, 128), lambda i: (i, 0)),
        ],
        out_shape=[
            jax.ShapeDtypeStruct((n_pad, 128), jnp.int32),
            jax.ShapeDtypeStruct((n_pad, 128), jnp.float32),
        ],
    )(y_pad, x_pad, f_pad, W1, b1.reshape(1, 128))



def _seg_ids(splits_pad, n, e_pad, spl_pad):
    epw = e_pad // _NW
    ngroups = epw // 16
    n_iter = max(1, (n - 1).bit_length())
    mesh = plsc.VectorSubcoreMesh(core_axis_name="c", subcore_axis_name="s")

    @functools.partial(
        pl.kernel, mesh=mesh,
        out_type=jax.ShapeDtypeStruct((e_pad,), jnp.int32),
        scratch_types=[
            pltpu.VMEM((epw,), jnp.int32),
            pltpu.VMEM((spl_pad,), jnp.int32),
        ],
        compiler_params=pltpu.CompilerParams(needs_layout_passes=False),
    )
    def seg_kernel(spl_hbm, seg_hbm, sidx_v, spl_v):
        wid = lax.axis_index("s") * 2 + lax.axis_index("c")
        base = wid * epw
        pltpu.sync_copy(spl_hbm, spl_v)

        def seg_group(g, carry):
            e = lax.broadcasted_iota(jnp.int32, (16,), 0) + (base + g * 16)
            lo = jnp.zeros((16,), jnp.int32)
            hi = jnp.full((16,), n, jnp.int32)
            for _ in range(n_iter):
                mid = (lo + hi) // 2
                sv = plsc.load_gather(spl_v, [mid + 1])
                le = sv <= e
                lo = jnp.where(le, mid + 1, lo)
                hi = jnp.where(le, hi, mid)
            sidx_v[pl.ds(g * 16, 16)] = lo
            return carry

        lax.fori_loop(0, ngroups, seg_group, 0)
        pltpu.sync_copy(sidx_v, seg_hbm.at[pl.ds(base, epw)])

    return seg_kernel(splits_pad)



def _edge_gather(nbr_pad, seg, A, B, e0, e_half):
    epw = e_half // _NW
    npairs = epw // (2 * _C)
    mesh = plsc.VectorSubcoreMesh(core_axis_name="c", subcore_axis_name="s")

    @functools.partial(
        pl.kernel, mesh=mesh,
        out_type=[
            jax.ShapeDtypeStruct((e_half, 128), jnp.int32),
            jax.ShapeDtypeStruct((e_half, 128), jnp.float32),
        ],
        scratch_types=[
            pltpu.VMEM((epw,), jnp.int32),
            pltpu.VMEM((epw,), jnp.int32),
            pltpu.VMEM((_C, 128), jnp.int32),
            pltpu.VMEM((_C, 128), jnp.float32),
            pltpu.VMEM((_C, 128), jnp.int32),
            pltpu.VMEM((_C, 128), jnp.float32),
            pltpu.SemaphoreType.DMA,
            pltpu.SemaphoreType.DMA,
            pltpu.SemaphoreType.DMA,
        ],
        compiler_params=pltpu.CompilerParams(needs_layout_passes=False),
    )
    def gather_kernel(nbr_hbm, seg_hbm, af_hbm, b_hbm,
                      afg_hbm, bg_hbm,
                      jidx_v, sidx_v, af0, b0, af1, b1,
                      sem0, sem1, wsem):
        wid = lax.axis_index("s") * 2 + lax.axis_index("c")
        base = wid * epw
        pltpu.sync_copy(nbr_hbm.at[pl.ds(e0 + base, epw)], jidx_v)
        pltpu.sync_copy(seg_hbm.at[pl.ds(e0 + base, epw)], sidx_v)

        def pair(p, carry):
            ci = 2 * p
            cj = ci + 1
            offi = base + ci * _C
            offj = base + cj * _C
            jsi = jidx_v.at[pl.ds(ci * _C, _C)]
            ssi = sidx_v.at[pl.ds(ci * _C, _C)]
            jsj = jidx_v.at[pl.ds(cj * _C, _C)]
            ssj = sidx_v.at[pl.ds(cj * _C, _C)]
            g0 = pltpu.async_copy(af_hbm.at[jsi], af0, sem0)
            g1 = pltpu.async_copy(b_hbm.at[ssi], b0, sem0)
            g2 = pltpu.async_copy(af_hbm.at[jsj], af1, sem1)
            g3 = pltpu.async_copy(b_hbm.at[ssj], b1, sem1)
            g0.wait()
            g1.wait()
            w0 = pltpu.async_copy(af0, afg_hbm.at[pl.ds(offi, _C)], wsem)
            w1 = pltpu.async_copy(b0, bg_hbm.at[pl.ds(offi, _C)], wsem)
            g2.wait()
            g3.wait()
            w2 = pltpu.async_copy(af1, afg_hbm.at[pl.ds(offj, _C)], wsem)
            w3 = pltpu.async_copy(b1, bg_hbm.at[pl.ds(offj, _C)], wsem)
            w0.wait()
            w1.wait()
            w2.wait()
            w3.wait()
            return carry

        lax.fori_loop(0, npairs, pair, 0)

    return gather_kernel(nbr_pad, seg, A, B)



def _mlp_kernel(af_ref, bg_ref, w2_ref, b2_ref, w3_ref, b3_ref, o_ref):
    af = af_ref[...]
    h = _gelu(_unpack_bf16(af[:, :64]) + bg_ref[...])
    h = _gelu(jnp.dot(h.astype(jnp.bfloat16), w2_ref[...],
                      preferred_element_type=jnp.float32) + b2_ref[...])
    h = jnp.dot(h.astype(jnp.bfloat16), w3_ref[...],
                preferred_element_type=jnp.float32) + b3_ref[...]
    o_ref[...] = h * _unpack_bf16(af[:, 64:])


def _edge_mlp(AFg, Bgb, W2, b2, W3, b3, e_half):
    grid = (e_half // _TE,)
    return pl.pallas_call(
        _mlp_kernel,
        grid=grid,
        in_specs=[
            pl.BlockSpec((_TE, 128), lambda i: (i, 0)),
            pl.BlockSpec((_TE, 128), lambda i: (i, 0)),
            pl.BlockSpec((128, 256), lambda i: (0, 0)),
            pl.BlockSpec((1, 256), lambda i: (0, 0)),
            pl.BlockSpec((256, 128), lambda i: (0, 0)),
            pl.BlockSpec((1, 128), lambda i: (0, 0)),
        ],
        out_specs=pl.BlockSpec((_TE, 128), lambda i: (i, 0)),
        out_shape=jax.ShapeDtypeStruct((e_half, 128), jnp.float32),
    )(AFg, Bgb, W2.astype(jnp.bfloat16), b2.reshape(1, 256),
      W3.astype(jnp.bfloat16), b3.reshape(1, 128))



def _segment_sum(E, seg, e0, e_half, ns):
    epw = e_half // _NW
    nchunks = epw // _C
    nspt = ns // 16
    nz = nspt // _C
    mesh = plsc.VectorSubcoreMesh(core_axis_name="c", subcore_axis_name="s")

    @functools.partial(
        pl.kernel, mesh=mesh,
        out_type=jax.ShapeDtypeStruct((2, ns, 128), jnp.float32),
        scratch_types=[
            pltpu.VMEM_SHARED((ns, 128), jnp.float32),
            pltpu.VMEM((_C, 128), jnp.float32),
            pltpu.VMEM((nchunks, _C), jnp.int32),
        ],
        compiler_params=pltpu.CompilerParams(needs_layout_passes=False),
    )
    def scatter_kernel(e_hbm, seg_hbm, out_hbm, shared, rows_v, sidx2):
        c = lax.axis_index("c")
        s = lax.axis_index("s")
        wid = c * 16 + s

        def zrow(r, carry):
            for l in range(8):
                rows_v[r, pl.ds(l * 16, 16)] = jnp.zeros((16,), jnp.float32)
            return carry

        lax.fori_loop(0, _C, zrow, 0)
        for kk in range(nz):
            pltpu.sync_copy(rows_v, shared.at[pl.ds(s * nspt + kk * _C, _C)])
        plsc.subcore_barrier()

        def chunk(ci, carry):
            off = wid * epw + ci * _C
            pltpu.sync_copy(seg_hbm.at[pl.ds(e0 + off, _C)], sidx2.at[ci])
            pltpu.sync_copy(e_hbm.at[pl.ds(off, _C)], rows_v)
            pltpu.sync_copy(rows_v, shared.at[sidx2.at[ci]], add=True)
            return carry

        lax.fori_loop(0, nchunks, chunk, 0)
        plsc.subcore_barrier()

        for kk in range(nz):
            r0 = s * nspt + kk * _C
            pltpu.sync_copy(shared.at[pl.ds(r0, _C)], out_hbm.at[c, pl.ds(r0, _C)])

    return scatter_kernel(E, seg)



def _combine_kernel(*refs):
    o_ref = refs[-1]
    acc = None
    for r in refs[:-1]:
        t = r[0] + r[1]
        acc = t if acc is None else acc + t
    o_ref[...] = acc


def _combine(parts, ns):
    tb = 1024
    grid = (ns // tb,)
    return pl.pallas_call(
        _combine_kernel,
        grid=grid,
        in_specs=[pl.BlockSpec((2, tb, 128), lambda i: (0, i, 0))
                  for _ in parts],
        out_specs=pl.BlockSpec((tb, 128), lambda i: (i, 0)),
        out_shape=jax.ShapeDtypeStruct((ns, 128), jnp.float32),
    )(*parts)


def kernel(y, x, f_y, neighbors_index, neighbors_row_splits, W1, b1, W2, b2, W3, b3):
    n = y.shape[0]
    nnz = neighbors_index.shape[0]
    n_pad = _round_up(n + 1, _TN)
    e_pad = _round_up(nnz, _NW * _C * 2 * 2)
    ns = _round_up(n + 1, 16 * _C)
    spl_pad = _round_up(n + 1, 64)

    y_pad = jnp.zeros((n_pad, 3), jnp.float32).at[:n].set(y)
    x_pad = jnp.zeros((n_pad, 3), jnp.float32).at[:n].set(x)
    f_pad = jnp.zeros((n_pad, 128), jnp.float32).at[:n].set(f_y)
    nbr_pad = jnp.zeros((e_pad,), jnp.int32).at[:nnz].set(
        neighbors_index.astype(jnp.int32))
    splits_pad = jnp.zeros((spl_pad,), jnp.int32).at[:n + 1].set(
        neighbors_row_splits.astype(jnp.int32))

    seg = _seg_ids(splits_pad, n, e_pad, spl_pad)
    AF, Bb = _node_precompute(y_pad, x_pad, f_pad, W1, b1, n_pad)
    nsl = 2
    e_sl = e_pad // nsl
    es, ps = [], []
    for k in range(nsl):
        afg, bg = _edge_gather(nbr_pad, seg, AF, Bb, k * e_sl, e_sl)
        es.append(_edge_mlp(afg, bg, W2, b2, W3, b3, e_sl))
    for k in range(nsl):
        ps.append(_segment_sum(es[k], seg, k * e_sl, e_sl, ns))
    out = _combine(ps, ns)
    return out[:n]

# --- scband reference (transcript-rebuilt; emitter-appended) ---
"""Pipeline reference for scband-modified-gnoblock-37838661877947 (READ-ONLY COPY).

The authoritative reference and input builder live on the scoring server;
editing this copy changes nothing except your own understanding.
"""

import jax, jax.numpy as jnp
import numpy as np

NUM_FREQ = 32
MAX_POS = 10000
RADIUS = 0.09
N = 10000
IN_CH = 128


def sinusoidal_embedding(pts):
    # neuralop SinusoidalEmbedding, embedding_type='transformer'
    k = jnp.arange(NUM_FREQ, dtype=pts.dtype)
    freqs = (1.0 / MAX_POS) ** (k / NUM_FREQ)
    prod = pts[..., None] * freqs  # (n, coord_dim, F)
    emb = jnp.stack([jnp.sin(prod), jnp.cos(prod)], axis=-1)  # (n, coord_dim, F, 2)
    return emb.reshape(pts.shape[0], -1)  # (n, coord_dim*F*2)


def _init_linear(rng, fan_in, fan_out):
    bound = 1.0 / np.sqrt(fan_in)
    W = rng.uniform(-bound, bound, size=(fan_in, fan_out)).astype(np.float32)
    b = rng.uniform(-bound, bound, size=(fan_out,)).astype(np.float32)
    return jnp.asarray(W), jnp.asarray(b)


def setup_inputs() -> dict:
    rng = np.random.default_rng(0)
    y = rng.random((N, 3), dtype=np.float32)
    x = rng.random((N, 3), dtype=np.float32)
    f_y = rng.standard_normal((N, IN_CH)).astype(np.float32)
    # brute-force radius neighbor search (deterministic replacement for sklearn KDTree;
    # the torch module caches this data-dependent structure, so we precompute it here)
    counts = np.zeros(N, dtype=np.int64)
    idx_chunks = []
    r2 = RADIUS * RADIUS
    for s in range(0, N, 1000):
        q = x[s:s + 1000]
        d2 = ((q[:, None, :] - y[None, :, :]) ** 2).sum(-1)
        mask = d2 <= r2
        for i in range(q.shape[0]):
            nb = np.nonzero(mask[i])[0]
            idx_chunks.append(nb)
            counts[s + i] = nb.size
    neighbors_index = np.concatenate(idx_chunks).astype(np.int64)
    splits = np.concatenate([np.zeros(1, dtype=np.int64), np.cumsum(counts)]).astype(np.int64)
    kernel_in = 2 * (3 * NUM_FREQ * 2)  # dim(y_embed) + dim(x_embed) = 384
    W1, b1 = _init_linear(rng, kernel_in, 128)
    W2, b2 = _init_linear(rng, 128, 256)
    W3, b3 = _init_linear(rng, 256, IN_CH)
    return {"y": jnp.asarray(y), "x": jnp.asarray(x), "f_y": jnp.asarray(f_y),
            "neighbors_index": jnp.asarray(neighbors_index),
            "neighbors_row_splits": jnp.asarray(splits),
            "W1": W1, "b1": b1, "W2": W2, "b2": b2, "W3": W3, "b3": b3}


def reference(y, x, f_y, neighbors_index, neighbors_row_splits, W1, b1, W2, b2, W3, b3):
    y_embed = sinusoidal_embedding(y)
    x_embed = sinusoidal_embedding(x)
    nnz = neighbors_index.shape[0]
    # segment id (query index) of every edge, from row_splits
    seg_ids = jnp.searchsorted(neighbors_row_splits[1:], jnp.arange(nnz), side='right')
    rep_features = jnp.take(y_embed, neighbors_index, axis=0)       # y[neighbors_index]
    self_features = jnp.take(x_embed, seg_ids, axis=0)              # repeat_interleave(x, counts)
    agg = jnp.concatenate([rep_features, self_features], axis=-1)
    # LinearChannelMLP layers [384, 128, 256, 128] with GELU between layers
    h = jax.nn.gelu(agg @ W1 + b1, approximate=False)
    h = jax.nn.gelu(h @ W2 + b2, approximate=False)
    h = h @ W3 + b3
    # transform_type='linear': kernel(x_i, y_j) * f_y[j]
    h = h * jnp.take(f_y, neighbors_index, axis=0)
    # reduction='sum' over each query's neighborhood
    out = jax.ops.segment_sum(h, seg_ids, num_segments=x.shape[0])
    return out

if __name__ == "__main__":
    import jax
    _d = setup_inputs()
    print(jax.jit(kernel)(*tuple(_d.values())))

</pallas_src>

<mosaic_0001>
#map = affine_map<(d0, d1) -> (0)>
module attributes {stable_mosaic.version = 14 : i64} {
  func.func @seg_kernel(%arg0: i32, %arg1: i32, %arg2: memref<10048xi32, #tpu.memory_space<hbm>>, %arg3: memref<278528xi32, #tpu.memory_space<hbm>>, %arg4: memref<8704xi32, #tpu.memory_space<vmem>>, %arg5: memref<10048xi32, #tpu.memory_space<vmem>>) attributes {dimension_semantics = [#tpu.dimension_semantics<core_parallel>, #tpu.dimension_semantics<subcore_parallel>], iteration_bounds = array<i64: 2, 16>, scalar_prefetch = 0 : i64, scratch_operands = 2 : i64, tpu.core_type = #tpu.core_type<sc_vector_subcore>, window_params = [{transform_indices = #map}, {transform_indices = #map}]} {
    %mul3A = arith.constant 2 : i32
    %mul3A_0 = arith.muli %arg1, %mul3A : i32
    %add3A = arith.addi %mul3A_0, %arg0 : i32
    %mul3A_1 = arith.constant 8704 : i32
    %mul3A_2 = arith.muli %add3A, %mul3A_1 : i32
    "tpu.region"() ({
      %run_scoped3A = tpu.sem_alloc : memref<!tpu.dma_semaphore, #tpu.memory_space<semaphore_mem>>
      tpu.enqueue_dma source(%arg2 : memref<10048xi32, #tpu.memory_space<hbm>>) target(%arg5 : memref<10048xi32, #tpu.memory_space<vmem>>) target_semaphore(%run_scoped3A : memref<!tpu.dma_semaphore, #tpu.memory_space<semaphore_mem>>)
      tpu.wait_dma2 semaphore(%run_scoped3A : memref<!tpu.dma_semaphore, #tpu.memory_space<semaphore_mem>>) src(%arg2 : memref<10048xi32, #tpu.memory_space<hbm>>) dst(%arg5 : memref<10048xi32, #tpu.memory_space<vmem>>)
      tpu.yield
    }) : () -> ()
    %scan3A = arith.constant 0 : i32
    %scan3A_3 = arith.constant 0 : i32
    %scan3A_4 = arith.constant 544 : i32
    %scan3A_5 = arith.addi %scan3A_3, %scan3A_4 : i32
    %scan3A_6 = arith.constant 1 : i32
    scf.for %scan3A_8 = %scan3A_3 to %scan3A_5 step %scan3A_6  : i32 {
      %iota3A = tpu.iota {dimensions = array<i32: 0>} : vector<16xi32>
      %mul3A_9 = arith.constant 16 : i32
      %mul3A_10 = arith.muli %scan3A_8, %mul3A_9 : i32
      %add3A_11 = arith.addi %mul3A_2, %mul3A_10 : i32
      %add3A_12 = vector.broadcast %add3A_11 : i32 to vector<16xi32>
      %add3A_13 = arith.addi %iota3A, %add3A_12 : vector<16xi32>
      %broadcast_in_dim3A = arith.constant 0 : i32
      %broadcast_in_dim3A_14 = vector.broadcast %broadcast_in_dim3A : i32 to vector<16xi32>
      %broadcast_in_dim3A_15 = arith.constant 10000 : i32
      %broadcast_in_dim3A_16 = vector.broadcast %broadcast_in_dim3A_15 : i32 to vector<16xi32>
      %add3A_17 = arith.addi %broadcast_in_dim3A_14, %broadcast_in_dim3A_16 : vector<16xi32>
      %jit3A = arith.constant 2 : i32
      %div3A = vector.broadcast %jit3A : i32 to vector<16xi32>
      %div3A_18 = arith.divsi %add3A_17, %div3A : vector<16xi32>
      %sign3A = arith.constant 0 : i32
      %sign3A_19 = vector.broadcast %sign3A : i32 to vector<16xi32>
      %sign3A_20 = arith.cmpi sgt, %add3A_17, %sign3A_19 : vector<16xi32>
      %sign3A_21 = arith.extui %sign3A_20 : vector<16xi1> to vector<16xi32>
      %sign3A_22 = arith.constant 0 : i32
      %sign3A_23 = vector.broadcast %sign3A_22 : i32 to vector<16xi32>
      %sign3A_24 = arith.cmpi slt, %add3A_17, %sign3A_23 : vector<16xi32>
      %sign3A_25 = arith.extui %sign3A_24 : vector<16xi1> to vector<16xi32>
      %sign3A_26 = arith.subi %sign3A_21, %sign3A_25 : vector<16xi32>
      %sign3A_27 = arith.constant 0 : i32
      %sign3A_28 = arith.cmpi sgt, %jit3A, %sign3A_27 : i32
      %sign3A_29 = arith.extui %sign3A_28 : i1 to i32
      %sign3A_30 = arith.constant 0 : i32
      %sign3A_31 = arith.cmpi slt, %jit3A, %sign3A_30 : i32
      %sign3A_32 = arith.extui %sign3A_31 : i1 to i32
      %sign3A_33 = arith.subi %sign3A_29, %sign3A_32 : i32
      %ne3A = vector.broadcast %sign3A_33 : i32 to vector<16xi32>
      %ne3A_34 = arith.cmpi ne, %sign3A_26, %ne3A : vector<16xi32>
      %rem3A = vector.broadcast %jit3A : i32 to vector<16xi32>
      %rem3A_35 = arith.remsi %add3A_17, %rem3A : vector<16xi32>
      %ne3A_36 = arith.constant 0 : i32
      %ne3A_37 = vector.broadcast %ne3A_36 : i32 to vector<16xi32>
      %ne3A_38 = arith.cmpi ne, %rem3A_35, %ne3A_37 : vector<16xi32>
      %and3A = arith.andi %ne3A_34, %ne3A_38 : vector<16xi1>
      %sub3A = arith.constant 1 : i32
      %sub3A_39 = vector.broadcast %sub3A : i32 to vector<16xi32>
      %sub3A_40 = arith.subi %div3A_18, %sub3A_39 : vector<16xi32>
      %select_n3A = arith.select %and3A, %sub3A_40, %div3A_18 : vector<16xi1>, vector<16xi32>
      %add3A_41 = arith.constant 1 : i32
      %add3A_42 = vector.broadcast %add3A_41 : i32 to vector<16xi32>
      %add3A_43 = arith.addi %select_n3A, %add3A_42 : vector<16xi32>
      %gather3A = tpu.vector_load_idx %arg5[%add3A_43] : memref<10048xi32, #tpu.memory_space<vmem>>[vector<16xi32>], vector<16xi32>,
      %le3A = arith.cmpi sle, %gather3A, %add3A_13 : vector<16xi32>
      %add3A_44 = arith.constant 1 : i32
      %add3A_45 = vector.broadcast %add3A_44 : i32 to vector<16xi32>
      %add3A_46 = arith.addi %select_n3A, %add3A_45 : vector<16xi32>
      %select_n3A_47 = arith.select %le3A, %add3A_46, %broadcast_in_dim3A_14 : vector<16xi1>, vector<16xi32>
      %select_n3A_48 = arith.select %le3A, %broadcast_in_dim3A_16, %select_n3A : vector<16xi1>, vector<16xi32>
      %add3A_49 = arith.addi %select_n3A_47, %select_n3A_48 : vector<16xi32>
      %jit3A_50 = arith.constant 2 : i32
      %div3A_51 = vector.broadcast %jit3A_50 : i32 to vector<16xi32>
      %div3A_52 = arith.divsi %add3A_49, %div3A_51 : vector<16xi32>
      %sign3A_53 = arith.constant 0 : i32
      %sign3A_54 = vector.broadcast %sign3A_53 : i32 to vector<16xi32>
      %sign3A_55 = arith.cmpi sgt, %add3A_49, %sign3A_54 : vector<16xi32>
      %sign3A_56 = arith.extui %sign3A_55 : vector<16xi1> to vector<16xi32>
      %sign3A_57 = arith.constant 0 : i32
      %sign3A_58 = vector.broadcast %sign3A_57 : i32 to vector<16xi32>
      %sign3A_59 = arith.cmpi slt, %add3A_49, %sign3A_58 : vector<16xi32>
      %sign3A_60 = arith.extui %sign3A_59 : vector<16xi1> to vector<16xi32>
      %sign3A_61 = arith.subi %sign3A_56, %sign3A_60 : vector<16xi32>
      %sign3A_62 = arith.constant 0 : i32
      %sign3A_63 = arith.cmpi sgt, %jit3A_50, %sign3A_62 : i32
      %sign3A_64 = arith.extui %sign3A_63 : i1 to i32
      %sign3A_65 = arith.constant 0 : i32
      %sign3A_66 = arith.cmpi slt, %jit3A_50, %sign3A_65 : i32
      %sign3A_67 = arith.extui %sign3A_66 : i1 to i32
      %sign3A_68 = arith.subi %sign3A_64, %sign3A_67 : i32
      %ne3A_69 = vector.broadcast %sign3A_68 : i32 to vector<16xi32>
      %ne3A_70 = arith.cmpi ne, %sign3A_61, %ne3A_69 : vector<16xi32>
      %rem3A_71 = vector.broadcast %jit3A_50 : i32 to vector<16xi32>
      %rem3A_72 = arith.remsi %add3A_49, %rem3A_71 : vector<16xi32>
      %ne3A_73 = arith.constant 0 : i32
      %ne3A_74 = vector.broadcast %ne3A_73 : i32 to vector<16xi32>
      %ne3A_75 = arith.cmpi ne, %rem3A_72, %ne3A_74 : vector<16xi32>
      %and3A_76 = arith.andi %ne3A_70, %ne3A_75 : vector<16xi1>
      %sub3A_77 = arith.constant 1 : i32
      %sub3A_78 = vector.broadcast %sub3A_77 : i32 to vector<16xi32>
      %sub3A_79 = arith.subi %div3A_52, %sub3A_78 : vector<16xi32>
      %select_n3A_80 = arith.select %and3A_76, %sub3A_79, %div3A_52 : vector<16xi1>, vector<16xi32>
      %add3A_81 = arith.constant 1 : i32
      %add3A_82 = vector.broadcast %add3A_81 : i32 to vector<16xi32>
      %add3A_83 = arith.addi %select_n3A_80, %add3A_82 : vector<16xi32>
      %gather3A_84 = tpu.vector_load_idx %arg5[%add3A_83] : memref<10048xi32, #tpu.memory_space<vmem>>[vector<16xi32>], vector<16xi32>,
      %le3A_85 = arith.cmpi sle, %gather3A_84, %add3A_13 : vector<16xi32>
      %add3A_86 = arith.constant 1 : i32
      %add3A_87 = vector.broadcast %add3A_86 : i32 to vector<16xi32>
      %add3A_88 = arith.addi %select_n3A_80, %add3A_87 : vector<16xi32>
      %select_n3A_89 = arith.select %le3A_85, %add3A_88, %select_n3A_47 : vector<16xi1>, vector<16xi32>
      %select_n3A_90 = arith.select %le3A_85, %select_n3A_48, %select_n3A_80 : vector<16xi1>, vector<16xi32>
      %add3A_91 = arith.addi %select_n3A_89, %select_n3A_90 : vector<16xi32>
      %jit3A_92 = arith.constant 2 : i32
      %div3A_93 = vector.broadcast %jit3A_92 : i32 to vector<16xi32>
      %div3A_94 = arith.divsi %add3A_91, %div3A_93 : vector<16xi32>
      %sign3A_95 = arith.constant 0 : i32
      %sign3A_96 = vector.broadcast %sign3A_95 : i32 to vector<16xi32>
      %sign3A_97 = arith.cmpi sgt, %add3A_91, %sign3A_96 : vector<16xi32>
      %sign3A_98 = arith.extui %sign3A_97 : vector<16xi1> to vector<16xi32>
      %sign3A_99 = arith.constant 0 : i32
      %sign3A_100 = vector.broadcast %sign3A_99 : i32 to vector<16xi32>
      %sign3A_101 = arith.cmpi slt, %add3A_91, %sign3A_100 : vector<16xi32>
      %sign3A_102 = arith.extui %sign3A_101 : vector<16xi1> to vector<16xi32>
      %sign3A_103 = arith.subi %sign3A_98, %sign3A_102 : vector<16xi32>
      %sign3A_104 = arith.constant 0 : i32
      %sign3A_105 = arith.cmpi sgt, %jit3A_92, %sign3A_104 : i32
      %sign3A_106 = arith.extui %sign3A_105 : i1 to i32
      %sign3A_107 = arith.constant 0 : i32
      %sign3A_108 = arith.cmpi slt, %jit3A_92, %sign3A_107 : i32
      %sign3A_109 = arith.extui %sign3A_108 : i1 to i32
      %sign3A_110 = arith.subi %sign3A_106, %sign3A_109 : i32
      %ne3A_111 = vector.broadcast %sign3A_110 : i32 to vector<16xi32>
      %ne3A_112 = arith.cmpi ne, %sign3A_103, %ne3A_111 : vector<16xi32>
      %rem3A_113 = vector.broadcast %jit3A_92 : i32 to vector<16xi32>
      %rem3A_114 = arith.remsi %add3A_91, %rem3A_113 : vector<16xi32>
      %ne3A_115 = arith.constant 0 : i32
      %ne3A_116 = vector.broadcast %ne3A_115 : i32 to vector<16xi32>
      %ne3A_117 = arith.cmpi ne, %rem3A_114, %ne3A_116 : vector<16xi32>
      %and3A_118 = arith.andi %ne3A_112, %ne3A_117 : vector<16xi1>
      %sub3A_119 = arith.constant 1 : i32
      %sub3A_120 = vector.broadcast %sub3A_119 : i32 to vector<16xi32>
      %sub3A_121 = arith.subi %div3A_94, %sub3A_120 : vector<16xi32>
      %select_n3A_122 = arith.select %and3A_118, %sub3A_121, %div3A_94 : vector<16xi1>, vector<16xi32>
      %add3A_123 = arith.constant 1 : i32
      %add3A_124 = vector.broadcast %add3A_123 : i32 to vector<16xi32>
      %add3A_125 = arith.addi %select_n3A_122, %add3A_124 : vector<16xi32>
      %gather3A_126 = tpu.vector_load_idx %arg5[%add3A_125] : memref<10048xi32, #tpu.memory_space<vmem>>[vector<16xi32>], vector<16xi32>,
      %le3A_127 = arith.cmpi sle, %gather3A_126, %add3A_13 : vector<16xi32>
      %add3A_128 = arith.constant 1 : i32
      %add3A_129 = vector.broadcast %add3A_128 : i32 to vector<16xi32>
      %add3A_130 = arith.addi %select_n3A_122, %add3A_129 : vector<16xi32>
      %select_n3A_131 = arith.select %le3A_127, %add3A_130, %select_n3A_89 : vector<16xi1>, vector<16xi32>
      %select_n3A_132 = arith.select %le3A_127, %select_n3A_90, %select_n3A_122 : vector<16xi1>, vector<16xi32>
      %add3A_133 = arith.addi %select_n3A_131, %select_n3A_132 : vector<16xi32>
      %jit3A_134 = arith.constant 2 : i32
      %div3A_135 = vector.broadcast %jit3A_134 : i32 to vector<16xi32>
      %div3A_136 = arith.divsi %add3A_133, %div3A_135 : vector<16xi32>
      %sign3A_137 = arith.constant 0 : i32
      %sign3A_138 = vector.broadcast %sign3A_137 : i32 to vector<16xi32>
      %sign3A_139 = arith.cmpi sgt, %add3A_133, %sign3A_138 : vector<16xi32>
      %sign3A_140 = arith.extui %sign3A_139 : vector<16xi1> to vector<16xi32>
      %sign3A_141 = arith.constant 0 : i32
      %sign3A_142 = vector.broadcast %sign3A_141 : i32 to vector<16xi32>
      %sign3A_143 = arith.cmpi slt, %add3A_133, %sign3A_142 : vector<16xi32>
      %sign3A_144 = arith.extui %sign3A_143 : vector<16xi1> to vector<16xi32>
      %sign3A_145 = arith.subi %sign3A_140, %sign3A_144 : vector<16xi32>
      %sign3A_146 = arith.constant 0 : i32
      %sign3A_147 = arith.cmpi sgt, %jit3A_134, %sign3A_146 : i32
      %sign3A_148 = arith.extui %sign3A_147 : i1 to i32
      %sign3A_149 = arith.constant 0 : i32
      %sign3A_150 = arith.cmpi slt, %jit3A_134, %sign3A_149 : i32
      %sign3A_151 = arith.extui %sign3A_150 : i1 to i32
      %sign3A_152 = arith.subi %sign3A_148, %sign3A_151 : i32
      %ne3A_153 = vector.broadcast %sign3A_152 : i32 to vector<16xi32>
      %ne3A_154 = arith.cmpi ne, %sign3A_145, %ne3A_153 : vector<16xi32>
      %rem3A_155 = vector.broadcast %jit3A_134 : i32 to vector<16xi32>
      %rem3A_156 = arith.remsi %add3A_133, %rem3A_155 : vector<16xi32>
      %ne3A_157 = arith.constant 0 : i32
      %ne3A_158 = vector.broadcast %ne3A_157 : i32 to vector<16xi32>
      %ne3A_159 = arith.cmpi ne, %rem3A_156, %ne3A_158 : vector<16xi32>
      %and3A_160 = arith.andi %ne3A_154, %ne3A_159 : vector<16xi1>
      %sub3A_161 = arith.constant 1 : i32
      %sub3A_162 = vector.broadcast %sub3A_161 : i32 to vector<16xi32>
      %sub3A_163 = arith.subi %div3A_136, %sub3A_162 : vector<16xi32>
      %select_n3A_164 = arith.select %and3A_160, %sub3A_163, %div3A_136 : vector<16xi1>, vector<16xi32>
      %add3A_165 = arith.constant 1 : i32
      %add3A_166 = vector.broadcast %add3A_165 : i32 to vector<16xi32>
      %add3A_167 = arith.addi %select_n3A_164, %add3A_166 : vector<16xi32>
      %gather3A_168 = tpu.vector_load_idx %arg5[%add3A_167] : memref<10048xi32, #tpu.memory_space<vmem>>[vector<16xi32>], vector<16xi32>,
      %le3A_169 = arith.cmpi sle, %gather3A_168, %add3A_13 : vector<16xi32>
      %add3A_170 = arith.constant 1 : i32
      %add3A_171 = vector.broadcast %add3A_170 : i32 to vector<16xi32>
      %add3A_172 = arith.addi %select_n3A_164, %add3A_171 : vector<16xi32>
      %select_n3A_173 = arith.select %le3A_169, %add3A_172, %select_n3A_131 : vector<16xi1>, vector<16xi32>
      %select_n3A_174 = arith.select %le3A_169, %select_n3A_132, %select_n3A_164 : vector<16xi1>, vector<16xi32>
      %add3A_175 = arith.addi %select_n3A_173, %select_n3A_174 : vector<16xi32>
      %jit3A_176 = arith.constant 2 : i32
      %div3A_177 = vector.broadcast %jit3A_176 : i32 to vector<16xi32>
      %div3A_178 = arith.divsi %add3A_175, %div3A_177 : vector<16xi32>
      %sign3A_179 = arith.constant 0 : i32
      %sign3A_180 = vector.broadcast %sign3A_179 : i32 to vector<16xi32>
      %sign3A_181 = arith.cmpi sgt, %add3A_175, %sign3A_180 : vector<16xi32>
      %sign3A_182 = arith.extui %sign3A_181 : vector<16xi1> to vector<16xi32>
      %sign3A_183 = arith.constant 0 : i32
      %sign3A_184 = vector.broadcast %sign3A_183 : i32 to vector<16xi32>
      %sign3A_185 = arith.cmpi slt, %add3A_175, %sign3A_184 : vector<16xi32>
      %sign3A_186 = arith.extui %sign3A_185 : vector<16xi1> to vector<16xi32>
      %sign3A_187 = arith.subi %sign3A_182, %sign3A_186 : vector<16xi32>
      %sign3A_188 = arith.constant 0 : i32
      %sign3A_189 = arith.cmpi sgt, %jit3A_176, %sign3A_188 : i32
      %sign3A_190 = arith.extui %sign3A_189 : i1 to i32
      %sign3A_191 = arith.constant 0 : i32
      %sign3A_192 = arith.cmpi slt, %jit3A_176, %sign3A_191 : i32
      %sign3A_193 = arith.extui %sign3A_192 : i1 to i32
      %sign3A_194 = arith.subi %sign3A_190, %sign3A_193 : i32
      %ne3A_195 = vector.broadcast %sign3A_194 : i32 to vector<16xi32>
      %ne3A_196 = arith.cmpi ne, %sign3A_187, %ne3A_195 : vector<16xi32>
      %rem3A_197 = vector.broadcast %jit3A_176 : i32 to vector<16xi32>
      %rem3A_198 = arith.remsi %add3A_175, %rem3A_197 : vector<16xi32>
      %ne3A_199 = arith.constant 0 : i32
      %ne3A_200 = vector.broadcast %ne3A_199 : i32 to vector<16xi32>
      %ne3A_201 = arith.cmpi ne, %rem3A_198, %ne3A_200 : vector<16xi32>
      %and3A_202 = arith.andi %ne3A_196, %ne3A_201 : vector<16xi1>
      %sub3A_203 = arith.constant 1 : i32
      %sub3A_204 = vector.broadcast %sub3A_203 : i32 to vector<16xi32>
      %sub3A_205 = arith.subi %div3A_178, %sub3A_204 : vector<16xi32>
      %select_n3A_206 = arith.select %and3A_202, %sub3A_205, %div3A_178 : vector<16xi1>, vector<16xi32>
      %add3A_207 = arith.constant 1 : i32
      %add3A_208 = vector.broadcast %add3A_207 : i32 to vector<16xi32>
      %add3A_209 = arith.addi %select_n3A_206, %add3A_208 : vector<16xi32>
      %gather3A_210 = tpu.vector_load_idx %arg5[%add3A_209] : memref<10048xi32, #tpu.memory_space<vmem>>[vector<16xi32>], vector<16xi32>,
      %le3A_211 = arith.cmpi sle, %gather3A_210, %add3A_13 : vector<16xi32>
      %add3A_212 = arith.constant 1 : i32
      %add3A_213 = vector.broadcast %add3A_212 : i32 to vector<16xi32>
      %add3A_214 = arith.addi %select_n3A_206, %add3A_213 : vector<16xi32>
      %select_n3A_215 = arith.select %le3A_211, %add3A_214, %select_n3A_173 : vector<16xi1>, vector<16xi32>
      %select_n3A_216 = arith.select %le3A_211, %select_n3A_174, %select_n3A_206 : vector<16xi1>, vector<16xi32>
      %add3A_217 = arith.addi %select_n3A_215, %select_n3A_216 : vector<16xi32>
      %jit3A_218 = arith.constant 2 : i32
      %div3A_219 = vector.broadcast %jit3A_218 : i32 to vector<16xi32>
      %div3A_220 = arith.divsi %add3A_217, %div3A_219 : vector<16xi32>
      %sign3A_221 = arith.constant 0 : i32
      %sign3A_222 = vector.broadcast %sign3A_221 : i32 to vector<16xi32>
      %sign3A_223 = arith.cmpi sgt, %add3A_217, %sign3A_222 : vector<16xi32>
      %sign3A_224 = arith.extui %sign3A_223 : vector<16xi1> to vector<16xi32>
      %sign3A_225 = arith.constant 0 : i32
      %sign3A_226 = vector.broadcast %sign3A_225 : i32 to vector<16xi32>
      %sign3A_227 = arith.cmpi slt, %add3A_217, %sign3A_226 : vector<16xi32>
      %sign3A_228 = arith.extui %sign3A_227 : vector<16xi1> to vector<16xi32>
      %sign3A_229 = arith.subi %sign3A_224, %sign3A_228 : vector<16xi32>
      %sign3A_230 = arith.constant 0 : i32
      %sign3A_231 = arith.cmpi sgt, %jit3A_218, %sign3A_230 : i32
      %sign3A_232 = arith.extui %sign3A_231 : i1 to i32
      %sign3A_233 = arith.constant 0 : i32
      %sign3A_234 = arith.cmpi slt, %jit3A_218, %sign3A_233 : i32
      %sign3A_235 = arith.extui %sign3A_234 : i1 to i32
      %sign3A_236 = arith.subi %sign3A_232, %sign3A_235 : i32
      %ne3A_237 = vector.broadcast %sign3A_236 : i32 to vector<16xi32>
      %ne3A_238 = arith.cmpi ne, %sign3A_229, %ne3A_237 : vector<16xi32>
      %rem3A_239 = vector.broadcast %jit3A_218 : i32 to vector<16xi32>
      %rem3A_240 = arith.remsi %add3A_217, %rem3A_239 : vector<16xi32>
      %ne3A_241 = arith.constant 0 : i32
      %ne3A_242 = vector.broadcast %ne3A_241 : i32 to vector<16xi32>
      %ne3A_243 = arith.cmpi ne, %rem3A_240, %ne3A_242 : vector<16xi32>
      %and3A_244 = arith.andi %ne3A_238, %ne3A_243 : vector<16xi1>
      %sub3A_245 = arith.constant 1 : i32
      %sub3A_246 = vector.broadcast %sub3A_245 : i32 to vector<16xi32>
      %sub3A_247 = arith.subi %div3A_220, %sub3A_246 : vector<16xi32>
      %select_n3A_248 = arith.select %and3A_244, %sub3A_247, %div3A_220 : vector<16xi1>, vector<16xi32>
      %add3A_249 = arith.constant 1 : i32
      %add3A_250 = vector.broadcast %add3A_249 : i32 to vector<16xi32>
      %add3A_251 = arith.addi %select_n3A_248, %add3A_250 : vector<16xi32>
      %gather3A_252 = tpu.vector_load_idx %arg5[%add3A_251] : memref<10048xi32, #tpu.memory_space<vmem>>[vector<16xi32>], vector<16xi32>,
      %le3A_253 = arith.cmpi sle, %gather3A_252, %add3A_13 : vector<16xi32>
      %add3A_254 = arith.constant 1 : i32
      %add3A_255 = vector.broadcast %add3A_254 : i32 to vector<16xi32>
      %add3A_256 = arith.addi %select_n3A_248, %add3A_255 : vector<16xi32>
      %select_n3A_257 = arith.select %le3A_253, %add3A_256, %select_n3A_215 : vector<16xi1>, vector<16xi32>
      %select_n3A_258 = arith.select %le3A_253, %select_n3A_216, %select_n3A_248 : vector<16xi1>, vector<16xi32>
      %add3A_259 = arith.addi %select_n3A_257, %select_n3A_258 : vector<16xi32>
      %jit3A_260 = arith.constant 2 : i32
      %div3A_261 = vector.broadcast %jit3A_260 : i32 to vector<16xi32>
      %div3A_262 = arith.divsi %add3A_259, %div3A_261 : vector<16xi32>
      %sign3A_263 = arith.constant 0 : i32
      %sign3A_264 = vector.broadcast %sign3A_263 : i32 to vector<16xi32>
      %sign3A_265 = arith.cmpi sgt, %add3A_259, %sign3A_264 : vector<16xi32>
      %sign3A_266 = arith.extui %sign3A_265 : vector<16xi1> to vector<16xi32>
      %sign3A_267 = arith.constant 0 : i32
      %sign3A_268 = vector.broadcast %sign3A_267 : i32 to vector<16xi32>
      %sign3A_269 = arith.cmpi slt, %add3A_259, %sign3A_268 : vector<16xi32>
      %sign3A_270 = arith.extui %sign3A_269 : vector<16xi1> to vector<16xi32>
      %sign3A_271 = arith.subi %sign3A_266, %sign3A_270 : vector<16xi32>
      %sign3A_272 = arith.constant 0 : i32
      %sign3A_273 = arith.cmpi sgt, %jit3A_260, %sign3A_272 : i32
      %sign3A_274 = arith.extui %sign3A_273 : i1 to i32
      %sign3A_275 = arith.constant 0 : i32
      %sign3A_276 = arith.cmpi slt, %jit3A_260, %sign3A_275 : i32
      %sign3A_277 = arith.extui %sign3A_276 : i1 to i32
      %sign3A_278 = arith.subi %sign3A_274, %sign3A_277 : i32
      %ne3A_279 = vector.broadcast %sign3A_278 : i32 to vector<16xi32>
      %ne3A_280 = arith.cmpi ne, %sign3A_271, %ne3A_279 : vector<16xi32>
      %rem3A_281 = vector.broadcast %jit3A_260 : i32 to vector<16xi32>
      %rem3A_282 = arith.remsi %add3A_259, %rem3A_281 : vector<16xi32>
      %ne3A_283 = arith.constant 0 : i32
      %ne3A_284 = vector.broadcast %ne3A_283 : i32 to vector<16xi32>
      %ne3A_285 = arith.cmpi ne, %rem3A_282, %ne3A_284 : vector<16xi32>
      %and3A_286 = arith.andi %ne3A_280, %ne3A_285 : vector<16xi1>
      %sub3A_287 = arith.constant 1 : i32
      %sub3A_288 = vector.broadcast %sub3A_287 : i32 to vector<16xi32>
      %sub3A_289 = arith.subi %div3A_262, %sub3A_288 : vector<16xi32>
      %select_n3A_290 = arith.select %and3A_286, %sub3A_289, %div3A_262 : vector<16xi1>, vector<16xi32>
      %add3A_291 = arith.constant 1 : i32
      %add3A_292 = vector.broadcast %add3A_291 : i32 to vector<16xi32>
      %add3A_293 = arith.addi %select_n3A_290, %add3A_292 : vector<16xi32>
      %gather3A_294 = tpu.vector_load_idx %arg5[%add3A_293] : memref<10048xi32, #tpu.memory_space<vmem>>[vector<16xi32>], vector<16xi32>,
      %le3A_295 = arith.cmpi sle, %gather3A_294, %add3A_13 : vector<16xi32>
      %add3A_296 = arith.constant 1 : i32
      %add3A_297 = vector.broadcast %add3A_296 : i32 to vector<16xi32>
      %add3A_298 = arith.addi %select_n3A_290, %add3A_297 : vector<16xi32>
      %select_n3A_299 = arith.select %le3A_295, %add3A_298, %select_n3A_257 : vector<16xi1>, vector<16xi32>
      %select_n3A_300 = arith.select %le3A_295, %select_n3A_258, %select_n3A_290 : vector<16xi1>, vector<16xi32>
      %add3A_301 = arith.addi %select_n3A_299, %select_n3A_300 : vector<16xi32>
      %jit3A_302 = arith.constant 2 : i32
      %div3A_303 = vector.broadcast %jit3A_302 : i32 to vector<16xi32>
      %div3A_304 = arith.divsi %add3A_301, %div3A_303 : vector<16xi32>
      %sign3A_305 = arith.constant 0 : i32
      %sign3A_306 = vector.broadcast %sign3A_305 : i32 to vector<16xi32>
      %sign3A_307 = arith.cmpi sgt, %add3A_301, %sign3A_306 : vector<16xi32>
      %sign3A_308 = arith.extui %sign3A_307 : vector<16xi1> to vector<16xi32>
      %sign3A_309 = arith.constant 0 : i32
      %sign3A_310 = vector.broadcast %sign3A_309 : i32 to vector<16xi32>
      %sign3A_311 = arith.cmpi slt, %add3A_301, %sign3A_310 : vector<16xi32>
      %sign3A_312 = arith.extui %sign3A_311 : vector<16xi1> to vector<16xi32>
      %sign3A_313 = arith.subi %sign3A_308, %sign3A_312 : vector<16xi32>
      %sign3A_314 = arith.constant 0 : i32
      %sign3A_315 = arith.cmpi sgt, %jit3A_302, %sign3A_314 : i32
      %sign3A_316 = arith.extui %sign3A_315 : i1 to i32
      %sign3A_317 = arith.constant 0 : i32
      %sign3A_318 = arith.cmpi slt, %jit3A_302, %sign3A_317 : i32
      %sign3A_319 = arith.extui %sign3A_318 : i1 to i32
      %sign3A_320 = arith.subi %sign3A_316, %sign3A_319 : i32
      %ne3A_321 = vector.broadcast %sign3A_320 : i32 to vector<16xi32>
      %ne3A_322 = arith.cmpi ne, %sign3A_313, %ne3A_321 : vector<16xi32>
      %rem3A_323 = vector.broadcast %jit3A_302 : i32 to vector<16xi32>
      %rem3A_324 = arith.remsi %add3A_301, %rem3A_323 : vector<16xi32>
      %ne3A_325 = arith.constant 0 : i32
      %ne3A_326 = vector.broadcast %ne3A_325 : i32 to vector<16xi32>
      %ne3A_327 = arith.cmpi ne, %rem3A_324, %ne3A_326 : vector<16xi32>
      %and3A_328 = arith.andi %ne3A_322, %ne3A_327 : vector<16xi1>
      %sub3A_329 = arith.constant 1 : i32
      %sub3A_330 = vector.broadcast %sub3A_329 : i32 to vector<16xi32>
      %sub3A_331 = arith.subi %div3A_304, %sub3A_330 : vector<16xi32>
      %select_n3A_332 = arith.select %and3A_328, %sub3A_331, %div3A_304 : vector<16xi1>, vector<16xi32>
      %add3A_333 = arith.constant 1 : i32
      %add3A_334 = vector.broadcast %add3A_333 : i32 to vector<16xi32>
      %add3A_335 = arith.addi %select_n3A_332, %add3A_334 : vector<16xi32>
      %gather3A_336 = tpu.vector_load_idx %arg5[%add3A_335] : memref<10048xi32, #tpu.memory_space<vmem>>[vector<16xi32>], vector<16xi32>,
      %le3A_337 = arith.cmpi sle, %gather3A_336, %add3A_13 : vector<16xi32>
      %add3A_338 = arith.constant 1 : i32
      %add3A_339 = vector.broadcast %add3A_338 : i32 to vector<16xi32>
      %add3A_340 = arith.addi %select_n3A_332, %add3A_339 : vector<16xi32>
      %select_n3A_341 = arith.select %le3A_337, %add3A_340, %select_n3A_299 : vector<16xi1>, vector<16xi32>
      %select_n3A_342 = arith.select %le3A_337, %select_n3A_300, %select_n3A_332 : vector<16xi1>, vector<16xi32>
      %add3A_343 = arith.addi %select_n3A_341, %select_n3A_342 : vector<16xi32>
      %jit3A_344 = arith.constant 2 : i32
      %div3A_345 = vector.broadcast %jit3A_344 : i32 to vector<16xi32>
      %div3A_346 = arith.divsi %add3A_343, %div3A_345 : vector<16xi32>
      %sign3A_347 = arith.constant 0 : i32
      %sign3A_348 = vector.broadcast %sign3A_347 : i32 to vector<16xi32>
      %sign3A_349 = arith.cmpi sgt, %add3A_343, %sign3A_348 : vector<16xi32>
      %sign3A_350 = arith.extui %sign3A_349 : vector<16xi1> to vector<16xi32>
      %sign3A_351 = arith.constant 0 : i32
      %sign3A_352 = vector.broadcast %sign3A_351 : i32 to vector<16xi32>
      %sign3A_353 = arith.cmpi slt, %add3A_343, %sign3A_352 : vector<16xi32>
      %sign3A_354 = arith.extui %sign3A_353 : vector<16xi1> to vector<16xi32>
      %sign3A_355 = arith.subi %sign3A_350, %sign3A_354 : vector<16xi32>
      %sign3A_356 = arith.constant 0 : i32
      %sign3A_357 = arith.cmpi sgt, %jit3A_344, %sign3A_356 : i32
      %sign3A_358 = arith.extui %sign3A_357 : i1 to i32
      %sign3A_359 = arith.constant 0 : i32
      %sign3A_360 = arith.cmpi slt, %jit3A_344, %sign3A_359 : i32
      %sign3A_361 = arith.extui %sign3A_360 : i1 to i32
      %sign3A_362 = arith.subi %sign3A_358, %sign3A_361 : i32
      %ne3A_363 = vector.broadcast %sign3A_362 : i32 to vector<16xi32>
      %ne3A_364 = arith.cmpi ne, %sign3A_355, %ne3A_363 : vector<16xi32>
      %rem3A_365 = vector.broadcast %jit3A_344 : i32 to vector<16xi32>
      %rem3A_366 = arith.remsi %add3A_343, %rem3A_365 : vector<16xi32>
      %ne3A_367 = arith.constant 0 : i32
      %ne3A_368 = vector.broadcast %ne3A_367 : i32 to vector<16xi32>
      %ne3A_369 = arith.cmpi ne, %rem3A_366, %ne3A_368 : vector<16xi32>
      %and3A_370 = arith.andi %ne3A_364, %ne3A_369 : vector<16xi1>
      %sub3A_371 = arith.constant 1 : i32
      %sub3A_372 = vector.broadcast %sub3A_371 : i32 to vector<16xi32>
      %sub3A_373 = arith.subi %div3A_346, %sub3A_372 : vector<16xi32>
      %select_n3A_374 = arith.select %and3A_370, %sub3A_373, %div3A_346 : vector<16xi1>, vector<16xi32>
      %add3A_375 = arith.constant 1 : i32
      %add3A_376 = vector.broadcast %add3A_375 : i32 to vector<16xi32>
      %add3A_377 = arith.addi %select_n3A_374, %add3A_376 : vector<16xi32>
      %gather3A_378 = tpu.vector_load_idx %arg5[%add3A_377] : memref<10048xi32, #tpu.memory_space<vmem>>[vector<16xi32>], vector<16xi32>,
      %le3A_379 = arith.cmpi sle, %gather3A_378, %add3A_13 : vector<16xi32>
      %add3A_380 = arith.constant 1 : i32
      %add3A_381 = vector.broadcast %add3A_380 : i32 to vector<16xi32>
      %add3A_382 = arith.addi %select_n3A_374, %add3A_381 : vector<16xi32>
      %select_n3A_383 = arith.select %le3A_379, %add3A_382, %select_n3A_341 : vector<16xi1>, vector<16xi32>
      %select_n3A_384 = arith.select %le3A_379, %select_n3A_342, %select_n3A_374 : vector<16xi1>, vector<16xi32>
      %add3A_385 = arith.addi %select_n3A_383, %select_n3A_384 : vector<16xi32>
      %jit3A_386 = arith.constant 2 : i32
      %div3A_387 = vector.broadcast %jit3A_386 : i32 to vector<16xi32>
      %div3A_388 = arith.divsi %add3A_385, %div3A_387 : vector<16xi32>
      %sign3A_389 = arith.constant 0 : i32
      %sign3A_390 = vector.broadcast %sign3A_389 : i32 to vector<16xi32>
      %sign3A_391 = arith.cmpi sgt, %add3A_385, %sign3A_390 : vector<16xi32>
      %sign3A_392 = arith.extui %sign3A_391 : vector<16xi1> to vector<16xi32>
      %sign3A_393 = arith.constant 0 : i32
      %sign3A_394 = vector.broadcast %sign3A_393 : i32 to vector<16xi32>
      %sign3A_395 = arith.cmpi slt, %add3A_385, %sign3A_394 : vector<16xi32>
      %sign3A_396 = arith.extui %sign3A_395 : vector<16xi1> to vector<16xi32>
      %sign3A_397 = arith.subi %sign3A_392, %sign3A_396 : vector<16xi32>
      %sign3A_398 = arith.constant 0 : i32
      %sign3A_399 = arith.cmpi sgt, %jit3A_386, %sign3A_398 : i32
      %sign3A_400 = arith.extui %sign3A_399 : i1 to i32
      %sign3A_401 = arith.constant 0 : i32
      %sign3A_402 = arith.cmpi slt, %jit3A_386, %sign3A_401 : i32
      %sign3A_403 = arith.extui %sign3A_402 : i1 to i32
      %sign3A_404 = arith.subi %sign3A_400, %sign3A_403 : i32
      %ne3A_405 = vector.broadcast %sign3A_404 : i32 to vector<16xi32>
      %ne3A_406 = arith.cmpi ne, %sign3A_397, %ne3A_405 : vector<16xi32>
      %rem3A_407 = vector.broadcast %jit3A_386 : i32 to vector<16xi32>
      %rem3A_408 = arith.remsi %add3A_385, %rem3A_407 : vector<16xi32>
      %ne3A_409 = arith.constant 0 : i32
      %ne3A_410 = vector.broadcast %ne3A_409 : i32 to vector<16xi32>
      %ne3A_411 = arith.cmpi ne, %rem3A_408, %ne3A_410 : vector<16xi32>
      %and3A_412 = arith.andi %ne3A_406, %ne3A_411 : vector<16xi1>
      %sub3A_413 = arith.constant 1 : i32
      %sub3A_414 = vector.broadcast %sub3A_413 : i32 to vector<16xi32>
      %sub3A_415 = arith.subi %div3A_388, %sub3A_414 : vector<16xi32>
      %select_n3A_416 = arith.select %and3A_412, %sub3A_415, %div3A_388 : vector<16xi1>, vector<16xi32>
      %add3A_417 = arith.constant 1 : i32
      %add3A_418 = vector.broadcast %add3A_417 : i32 to vector<16xi32>
      %add3A_419 = arith.addi %select_n3A_416, %add3A_418 : vector<16xi32>
      %gather3A_420 = tpu.vector_load_idx %arg5[%add3A_419] : memref<10048xi32, #tpu.memory_space<vmem>>[vector<16xi32>], vector<16xi32>,
      %le3A_421 = arith.cmpi sle, %gather3A_420, %add3A_13 : vector<16xi32>
      %add3A_422 = arith.constant 1 : i32
      %add3A_423 = vector.broadcast %add3A_422 : i32 to vector<16xi32>
      %add3A_424 = arith.addi %select_n3A_416, %add3A_423 : vector<16xi32>
      %select_n3A_425 = arith.select %le3A_421, %add3A_424, %select_n3A_383 : vector<16xi1>, vector<16xi32>
      %select_n3A_426 = arith.select %le3A_421, %select_n3A_384, %select_n3A_416 : vector<16xi1>, vector<16xi32>
      %add3A_427 = arith.addi %select_n3A_425, %select_n3A_426 : vector<16xi32>
      %jit3A_428 = arith.constant 2 : i32
      %div3A_429 = vector.broadcast %jit3A_428 : i32 to vector<16xi32>
      %div3A_430 = arith.divsi %add3A_427, %div3A_429 : vector<16xi32>
      %sign3A_431 = arith.constant 0 : i32
      %sign3A_432 = vector.broadcast %sign3A_431 : i32 to vector<16xi32>
      %sign3A_433 = arith.cmpi sgt, %add3A_427, %sign3A_432 : vector<16xi32>
      %sign3A_434 = arith.extui %sign3A_433 : vector<16xi1> to vector<16xi32>
      %sign3A_435 = arith.constant 0 : i32
      %sign3A_436 = vector.broadcast %sign3A_435 : i32 to vector<16xi32>
      %sign3A_437 = arith.cmpi slt, %add3A_427, %sign3A_436 : vector<16xi32>
      %sign3A_438 = arith.extui %sign3A_437 : vector<16xi1> to vector<16xi32>
      %sign3A_439 = arith.subi %sign3A_434, %sign3A_438 : vector<16xi32>
      %sign3A_440 = arith.constant 0 : i32
      %sign3A_441 = arith.cmpi sgt, %jit3A_428, %sign3A_440 : i32
      %sign3A_442 = arith.extui %sign3A_441 : i1 to i32
      %sign3A_443 = arith.constant 0 : i32
      %sign3A_444 = arith.cmpi slt, %jit3A_428, %sign3A_443 : i32
      %sign3A_445 = arith.extui %sign3A_444 : i1 to i32
      %sign3A_446 = arith.subi %sign3A_442, %sign3A_445 : i32
      %ne3A_447 = vector.broadcast %sign3A_446 : i32 to vector<16xi32>
      %ne3A_448 = arith.cmpi ne, %sign3A_439, %ne3A_447 : vector<16xi32>
      %rem3A_449 = vector.broadcast %jit3A_428 : i32 to vector<16xi32>
      %rem3A_450 = arith.remsi %add3A_427, %rem3A_449 : vector<16xi32>
      %ne3A_451 = arith.constant 0 : i32
      %ne3A_452 = vector.broadcast %ne3A_451 : i32 to vector<16xi32>
      %ne3A_453 = arith.cmpi ne, %rem3A_450, %ne3A_452 : vector<16xi32>
      %and3A_454 = arith.andi %ne3A_448, %ne3A_453 : vector<16xi1>
      %sub3A_455 = arith.constant 1 : i32
      %sub3A_456 = vector.broadcast %sub3A_455 : i32 to vector<16xi32>
      %sub3A_457 = arith.subi %div3A_430, %sub3A_456 : vector<16xi32>
      %select_n3A_458 = arith.select %and3A_454, %sub3A_457, %div3A_430 : vector<16xi1>, vector<16xi32>
      %add3A_459 = arith.constant 1 : i32
      %add3A_460 = vector.broadcast %add3A_459 : i32 to vector<16xi32>
      %add3A_461 = arith.addi %select_n3A_458, %add3A_460 : vector<16xi32>
      %gather3A_462 = tpu.vector_load_idx %arg5[%add3A_461] : memref<10048xi32, #tpu.memory_space<vmem>>[vector<16xi32>], vector<16xi32>,
      %le3A_463 = arith.cmpi sle, %gather3A_462, %add3A_13 : vector<16xi32>
      %add3A_464 = arith.constant 1 : i32
      %add3A_465 = vector.broadcast %add3A_464 : i32 to vector<16xi32>
      %add3A_466 = arith.addi %select_n3A_458, %add3A_465 : vector<16xi32>
      %select_n3A_467 = arith.select %le3A_463, %add3A_466, %select_n3A_425 : vector<16xi1>, vector<16xi32>
      %select_n3A_468 = arith.select %le3A_463, %select_n3A_426, %select_n3A_458 : vector<16xi1>, vector<16xi32>
      %add3A_469 = arith.addi %select_n3A_467, %select_n3A_468 : vector<16xi32>
      %jit3A_470 = arith.constant 2 : i32
      %div3A_471 = vector.broadcast %jit3A_470 : i32 to vector<16xi32>
      %div3A_472 = arith.divsi %add3A_469, %div3A_471 : vector<16xi32>
      %sign3A_473 = arith.constant 0 : i32
      %sign3A_474 = vector.broadcast %sign3A_473 : i32 to vector<16xi32>
      %sign3A_475 = arith.cmpi sgt, %add3A_469, %sign3A_474 : vector<16xi32>
      %sign3A_476 = arith.extui %sign3A_475 : vector<16xi1> to vector<16xi32>
      %sign3A_477 = arith.constant 0 : i32
      %sign3A_478 = vector.broadcast %sign3A_477 : i32 to vector<16xi32>
      %sign3A_479 = arith.cmpi slt, %add3A_469, %sign3A_478 : vector<16xi32>
      %sign3A_480 = arith.extui %sign3A_479 : vector<16xi1> to vector<16xi32>
      %sign3A_481 = arith.subi %sign3A_476, %sign3A_480 : vector<16xi32>
      %sign3A_482 = arith.constant 0 : i32
      %sign3A_483 = arith.cmpi sgt, %jit3A_470, %sign3A_482 : i32
      %sign3A_484 = arith.extui %sign3A_483 : i1 to i32
      %sign3A_485 = arith.constant 0 : i32
      %sign3A_486 = arith.cmpi slt, %jit3A_470, %sign3A_485 : i32
      %sign3A_487 = arith.extui %sign3A_486 : i1 to i32
      %sign3A_488 = arith.subi %sign3A_484, %sign3A_487 : i32
      %ne3A_489 = vector.broadcast %sign3A_488 : i32 to vector<16xi32>
      %ne3A_490 = arith.cmpi ne, %sign3A_481, %ne3A_489 : vector<16xi32>
      %rem3A_491 = vector.broadcast %jit3A_470 : i32 to vector<16xi32>
      %rem3A_492 = arith.remsi %add3A_469, %rem3A_491 : vector<16xi32>
      %ne3A_493 = arith.constant 0 : i32
      %ne3A_494 = vector.broadcast %ne3A_493 : i32 to vector<16xi32>
      %ne3A_495 = arith.cmpi ne, %rem3A_492, %ne3A_494 : vector<16xi32>
      %and3A_496 = arith.andi %ne3A_490, %ne3A_495 : vector<16xi1>
      %sub3A_497 = arith.constant 1 : i32
      %sub3A_498 = vector.broadcast %sub3A_497 : i32 to vector<16xi32>
      %sub3A_499 = arith.subi %div3A_472, %sub3A_498 : vector<16xi32>
      %select_n3A_500 = arith.select %and3A_496, %sub3A_499, %div3A_472 : vector<16xi1>, vector<16xi32>
      %add3A_501 = arith.constant 1 : i32
      %add3A_502 = vector.broadcast %add3A_501 : i32 to vector<16xi32>
      %add3A_503 = arith.addi %select_n3A_500, %add3A_502 : vector<16xi32>
      %gather3A_504 = tpu.vector_load_idx %arg5[%add3A_503] : memref<10048xi32, #tpu.memory_space<vmem>>[vector<16xi32>], vector<16xi32>,
      %le3A_505 = arith.cmpi sle, %gather3A_504, %add3A_13 : vector<16xi32>
      %add3A_506 = arith.constant 1 : i32
      %add3A_507 = vector.broadcast %add3A_506 : i32 to vector<16xi32>
      %add3A_508 = arith.addi %select_n3A_500, %add3A_507 : vector<16xi32>
      %select_n3A_509 = arith.select %le3A_505, %add3A_508, %select_n3A_467 : vector<16xi1>, vector<16xi32>
      %select_n3A_510 = arith.select %le3A_505, %select_n3A_468, %select_n3A_500 : vector<16xi1>, vector<16xi32>
      %add3A_511 = arith.addi %select_n3A_509, %select_n3A_510 : vector<16xi32>
      %jit3A_512 = arith.constant 2 : i32
      %div3A_513 = vector.broadcast %jit3A_512 : i32 to vector<16xi32>
      %div3A_514 = arith.divsi %add3A_511, %div3A_513 : vector<16xi32>
      %sign3A_515 = arith.constant 0 : i32
      %sign3A_516 = vector.broadcast %sign3A_515 : i32 to vector<16xi32>
      %sign3A_517 = arith.cmpi sgt, %add3A_511, %sign3A_516 : vector<16xi32>
      %sign3A_518 = arith.extui %sign3A_517 : vector<16xi1> to vector<16xi32>
      %sign3A_519 = arith.constant 0 : i32
      %sign3A_520 = vector.broadcast %sign3A_519 : i32 to vector<16xi32>
      %sign3A_521 = arith.cmpi slt, %add3A_511, %sign3A_520 : vector<16xi32>
      %sign3A_522 = arith.extui %sign3A_521 : vector<16xi1> to vector<16xi32>
      %sign3A_523 = arith.subi %sign3A_518, %sign3A_522 : vector<16xi32>
      %sign3A_524 = arith.constant 0 : i32
      %sign3A_525 = arith.cmpi sgt, %jit3A_512, %sign3A_524 : i32
      %sign3A_526 = arith.extui %sign3A_525 : i1 to i32
      %sign3A_527 = arith.constant 0 : i32
      %sign3A_528 = arith.cmpi slt, %jit3A_512, %sign3A_527 : i32
      %sign3A_529 = arith.extui %sign3A_528 : i1 to i32
      %sign3A_530 = arith.subi %sign3A_526, %sign3A_529 : i32
      %ne3A_531 = vector.broadcast %sign3A_530 : i32 to vector<16xi32>
      %ne3A_532 = arith.cmpi ne, %sign3A_523, %ne3A_531 : vector<16xi32>
      %rem3A_533 = vector.broadcast %jit3A_512 : i32 to vector<16xi32>
      %rem3A_534 = arith.remsi %add3A_511, %rem3A_533 : vector<16xi32>
      %ne3A_535 = arith.constant 0 : i32
      %ne3A_536 = vector.broadcast %ne3A_535 : i32 to vector<16xi32>
      %ne3A_537 = arith.cmpi ne, %rem3A_534, %ne3A_536 : vector<16xi32>
      %and3A_538 = arith.andi %ne3A_532, %ne3A_537 : vector<16xi1>
      %sub3A_539 = arith.constant 1 : i32
      %sub3A_540 = vector.broadcast %sub3A_539 : i32 to vector<16xi32>
      %sub3A_541 = arith.subi %div3A_514, %sub3A_540 : vector<16xi32>
      %select_n3A_542 = arith.select %and3A_538, %sub3A_541, %div3A_514 : vector<16xi1>, vector<16xi32>
      %add3A_543 = arith.constant 1 : i32
      %add3A_544 = vector.broadcast %add3A_543 : i32 to vector<16xi32>
      %add3A_545 = arith.addi %select_n3A_542, %add3A_544 : vector<16xi32>
      %gather3A_546 = tpu.vector_load_idx %arg5[%add3A_545] : memref<10048xi32, #tpu.memory_space<vmem>>[vector<16xi32>], vector<16xi32>,
      %le3A_547 = arith.cmpi sle, %gather3A_546, %add3A_13 : vector<16xi32>
      %add3A_548 = arith.constant 1 : i32
      %add3A_549 = vector.broadcast %add3A_548 : i32 to vector<16xi32>
      %add3A_550 = arith.addi %select_n3A_542, %add3A_549 : vector<16xi32>
      %select_n3A_551 = arith.select %le3A_547, %add3A_550, %select_n3A_509 : vector<16xi1>, vector<16xi32>
      %select_n3A_552 = arith.select %le3A_547, %select_n3A_510, %select_n3A_542 : vector<16xi1>, vector<16xi32>
      %add3A_553 = arith.addi %select_n3A_551, %select_n3A_552 : vector<16xi32>
      %jit3A_554 = arith.constant 2 : i32
      %div3A_555 = vector.broadcast %jit3A_554 : i32 to vector<16xi32>
      %div3A_556 = arith.divsi %add3A_553, %div3A_555 : vector<16xi32>
      %sign3A_557 = arith.constant 0 : i32
      %sign3A_558 = vector.broadcast %sign3A_557 : i32 to vector<16xi32>
      %sign3A_559 = arith.cmpi sgt, %add3A_553, %sign3A_558 : vector<16xi32>
      %sign3A_560 = arith.extui %sign3A_559 : vector<16xi1> to vector<16xi32>
      %sign3A_561 = arith.constant 0 : i32
      %sign3A_562 = vector.broadcast %sign3A_561 : i32 to vector<16xi32>
      %sign3A_563 = arith.cmpi slt, %add3A_553, %sign3A_562 : vector<16xi32>
      %sign3A_564 = arith.extui %sign3A_563 : vector<16xi1> to vector<16xi32>
      %sign3A_565 = arith.subi %sign3A_560, %sign3A_564 : vector<16xi32>
      %sign3A_566 = arith.constant 0 : i32
      %sign3A_567 = arith.cmpi sgt, %jit3A_554, %sign3A_566 : i32
      %sign3A_568 = arith.extui %sign3A_567 : i1 to i32
      %sign3A_569 = arith.constant 0 : i32
      %sign3A_570 = arith.cmpi slt, %jit3A_554, %sign3A_569 : i32
      %sign3A_571 = arith.extui %sign3A_570 : i1 to i32
      %sign3A_572 = arith.subi %sign3A_568, %sign3A_571 : i32
      %ne3A_573 = vector.broadcast %sign3A_572 : i32 to vector<16xi32>
      %ne3A_574 = arith.cmpi ne, %sign3A_565, %ne3A_573 : vector<16xi32>
      %rem3A_575 = vector.broadcast %jit3A_554 : i32 to vector<16xi32>
      %rem3A_576 = arith.remsi %add3A_553, %rem3A_575 : vector<16xi32>
      %ne3A_577 = arith.constant 0 : i32
      %ne3A_578 = vector.broadcast %ne3A_577 : i32 to vector<16xi32>
      %ne3A_579 = arith.cmpi ne, %rem3A_576, %ne3A_578 : vector<16xi32>
      %and3A_580 = arith.andi %ne3A_574, %ne3A_579 : vector<16xi1>
      %sub3A_581 = arith.constant 1 : i32
      %sub3A_582 = vector.broadcast %sub3A_581 : i32 to vector<16xi32>
      %sub3A_583 = arith.subi %div3A_556, %sub3A_582 : vector<16xi32>
      %select_n3A_584 = arith.select %and3A_580, %sub3A_583, %div3A_556 : vector<16xi1>, vector<16xi32>
      %add3A_585 = arith.constant 1 : i32
      %add3A_586 = vector.broadcast %add3A_585 : i32 to vector<16xi32>
      %add3A_587 = arith.addi %select_n3A_584, %add3A_586 : vector<16xi32>
      %gather3A_588 = tpu.vector_load_idx %arg5[%add3A_587] : memref<10048xi32, #tpu.memory_space<vmem>>[vector<16xi32>], vector<16xi32>,
      %le3A_589 = arith.cmpi sle, %gather3A_588, %add3A_13 : vector<16xi32>
      %add3A_590 = arith.constant 1 : i32
      %add3A_591 = vector.broadcast %add3A_590 : i32 to vector<16xi32>
      %add3A_592 = arith.addi %select_n3A_584, %add3A_591 : vector<16xi32>
      %select_n3A_593 = arith.select %le3A_589, %add3A_592, %select_n3A_551 : vector<16xi1>, vector<16xi32>
      %select_n3A_594 = arith.select %le3A_589, %select_n3A_552, %select_n3A_584 : vector<16xi1>, vector<16xi32>
      %mul3A_595 = arith.constant 16 : i32
      %mul3A_596 = arith.muli %scan3A_8, %mul3A_595 : i32
      %swap3A = arith.index_cast %mul3A_596 : i32 to index
      %swap3A_597 = tpu.vector_load %arg4[%swap3A] {strides = array<i32>} : memref<8704xi32, #tpu.memory_space<vmem>>, vector<16xi32>,
      tpu.vector_store %arg4[%swap3A], %select_n3A_593 {strides = array<i32>} : memref<8704xi32, #tpu.memory_space<vmem>>, vector<16xi32>,
    }
    %scan3A_7 = arith.constant 544 : i32
    "tpu.region"() ({
      %run_scoped3A = tpu.sem_alloc : memref<!tpu.dma_semaphore, #tpu.memory_space<semaphore_mem>>
      %dma_start3A = tpu.memref_slice %arg3[%mul3A_2] : memref<278528xi32, #tpu.memory_space<hbm>> -> memref<8704xi32, #tpu.memory_space<hbm>>
      %dma_start3A_8 = tpu.memref_slice %arg3[%mul3A_2] : memref<278528xi32, #tpu.memory_space<hbm>> -> memref<8704xi32, #tpu.memory_space<hbm>>
      tpu.enqueue_dma source(%arg4 : memref<8704xi32, #tpu.memory_space<vmem>>) target(%dma_start3A_8 : memref<8704xi32, #tpu.memory_space<hbm>>) target_semaphore(%run_scoped3A : memref<!tpu.dma_semaphore, #tpu.memory_space<semaphore_mem>>)
      %dma_wait3A = tpu.memref_slice %arg3[%mul3A_2] : memref<278528xi32, #tpu.memory_space<hbm>> -> memref<8704xi32, #tpu.memory_space<hbm>>
      %dma_wait3A_9 = tpu.memref_slice %arg3[%mul3A_2] : memref<278528xi32, #tpu.memory_space<hbm>> -> memref<8704xi32, #tpu.memory_space<hbm>>
      tpu.wait_dma2 semaphore(%run_scoped3A : memref<!tpu.dma_semaphore, #tpu.memory_space<semaphore_mem>>) src(%arg4 : memref<8704xi32, #tpu.memory_space<vmem>>) dst(%dma_wait3A_9 : memref<8704xi32, #tpu.memory_space<hbm>>)
      tpu.yield
    }) : () -> ()
    return
  }
}

#map = affine_map<(d0, d1) -> (0)>
#map1 = affine_map<(d0, d1) -> (0, 0)>
module attributes {stable_mosaic.version = 14 : i64} {
  func.func @gather_kernel(%arg0: i32, %arg1: i32, %arg2: memref<278528xi32, #tpu.memory_space<hbm>>, %arg3: memref<278528xi32, #tpu.memory_space<hbm>>, %arg4: memref<10240x128xi32, #tpu.memory_space<hbm>>, %arg5: memref<10240x128xf32, #tpu.memory_space<hbm>>, %arg6: memref<139264x128xi32, #tpu.memory_space<hbm>>, %arg7: memref<139264x128xf32, #tpu.memory_space<hbm>>, %arg8: memref<4352xi32, #tpu.memory_space<vmem>>, %arg9: memref<4352xi32, #tpu.memory_space<vmem>>, %arg10: memref<128x128xi32, #tpu.memory_space<vmem>>, %arg11: memref<128x128xf32, #tpu.memory_space<vmem>>, %arg12: memref<128x128xi32, #tpu.memory_space<vmem>>, %arg13: memref<128x128xf32, #tpu.memory_space<vmem>>, %arg14: memref<!tpu.dma_semaphore, #tpu.memory_space<semaphore_mem>>, %arg15: memref<!tpu.dma_semaphore, #tpu.memory_space<semaphore_mem>>, %arg16: memref<!tpu.dma_semaphore, #tpu.memory_space<semaphore_mem>>) attributes {dimension_semantics = [#tpu.dimension_semantics<core_parallel>, #tpu.dimension_semantics<subcore_parallel>], iteration_bounds = array<i64: 2, 16>, scalar_prefetch = 0 : i64, scratch_operands = 9 : i64, tpu.core_type = #tpu.core_type<sc_vector_subcore>, window_params = [{transform_indices = #map}, {transform_indices = #map}, {transform_indices = #map1}, {transform_indices = #map1}, {transform_indices = #map1}, {transform_indices = #map1}]} {
    %mul3A = arith.constant 2 : i32
    %mul3A_0 = arith.muli %arg1, %mul3A : i32
    %add3A = arith.addi %mul3A_0, %arg0 : i32
    %mul3A_1 = arith.constant 4352 : i32
    %mul3A_2 = arith.muli %add3A, %mul3A_1 : i32
    %add3A_3 = arith.constant 0 : i32
    %add3A_4 = arith.addi %add3A_3, %mul3A_2 : i32
    "tpu.region"() ({
      %run_scoped3A = tpu.sem_alloc : memref<!tpu.dma_semaphore, #tpu.memory_space<semaphore_mem>>
      %dma_start3A = tpu.memref_slice %arg2[%add3A_4] : memref<278528xi32, #tpu.memory_space<hbm>> -> memref<4352xi32, #tpu.memory_space<hbm>>
      %dma_start3A_12 = tpu.memref_slice %arg2[%add3A_4] : memref<278528xi32, #tpu.memory_space<hbm>> -> memref<4352xi32, #tpu.memory_space<hbm>>
      tpu.enqueue_dma source(%dma_start3A_12 : memref<4352xi32, #tpu.memory_space<hbm>>) target(%arg8 : memref<4352xi32, #tpu.memory_space<vmem>>) target_semaphore(%run_scoped3A : memref<!tpu.dma_semaphore, #tpu.memory_space<semaphore_mem>>)
      %dma_wait3A = tpu.memref_slice %arg2[%add3A_4] : memref<278528xi32, #tpu.memory_space<hbm>> -> memref<4352xi32, #tpu.memory_space<hbm>>
      %dma_wait3A_13 = tpu.memref_slice %arg2[%add3A_4] : memref<278528xi32, #tpu.memory_space<hbm>> -> memref<4352xi32, #tpu.memory_space<hbm>>
      tpu.wait_dma2 semaphore(%run_scoped3A : memref<!tpu.dma_semaphore, #tpu.memory_space<semaphore_mem>>) src(%dma_wait3A_13 : memref<4352xi32, #tpu.memory_space<hbm>>) dst(%arg8 : memref<4352xi32, #tpu.memory_space<vmem>>)
      tpu.yield
    }) : () -> ()
    %add3A_5 = arith.constant 0 : i32
    %add3A_6 = arith.addi %add3A_5, %mul3A_2 : i32
    "tpu.region"() ({
      %run_scoped3A = tpu.sem_alloc : memref<!tpu.dma_semaphore, #tpu.memory_space<semaphore_mem>>
      %dma_start3A = tpu.memref_slice %arg3[%add3A_6] : memref<278528xi32, #tpu.memory_space<hbm>> -> memref<4352xi32, #tpu.memory_space<hbm>>
      %dma_start3A_12 = tpu.memref_slice %arg3[%add3A_6] : memref<278528xi32, #tpu.memory_space<hbm>> -> memref<4352xi32, #tpu.memory_space<hbm>>
      tpu.enqueue_dma source(%dma_start3A_12 : memref<4352xi32, #tpu.memory_space<hbm>>) target(%arg9 : memref<4352xi32, #tpu.memory_space<vmem>>) target_semaphore(%run_scoped3A : memref<!tpu.dma_semaphore, #tpu.memory_space<semaphore_mem>>)
      %dma_wait3A = tpu.memref_slice %arg3[%add3A_6] : memref<278528xi32, #tpu.memory_space<hbm>> -> memref<4352xi32, #tpu.memory_space<hbm>>
      %dma_wait3A_13 = tpu.memref_slice %arg3[%add3A_6] : memref<278528xi32, #tpu.memory_space<hbm>> -> memref<4352xi32, #tpu.memory_space<hbm>>
      tpu.wait_dma2 semaphore(%run_scoped3A : memref<!tpu.dma_semaphore, #tpu.memory_space<semaphore_mem>>) src(%dma_wait3A_13 : memref<4352xi32, #tpu.memory_space<hbm>>) dst(%arg9 : memref<4352xi32, #tpu.memory_space<vmem>>)
      tpu.yield
    }) : () -> ()
    %scan3A = arith.constant 0 : i32
    %scan3A_7 = arith.constant 0 : i32
    %scan3A_8 = arith.constant 17 : i32
    %scan3A_9 = arith.addi %scan3A_7, %scan3A_8 : i32
    %scan3A_10 = arith.constant 1 : i32
    scf.for %scan3A_12 = %scan3A_7 to %scan3A_9 step %scan3A_10  : i32 {
      %mul3A_13 = arith.constant 2 : i32
      %mul3A_14 = arith.muli %mul3A_13, %scan3A_12 : i32
      %add3A_15 = arith.constant 1 : i32
      %add3A_16 = arith.addi %mul3A_14, %add3A_15 : i32
      %mul3A_17 = arith.constant 128 : i32
      %mul3A_18 = arith.muli %mul3A_14, %mul3A_17 : i32
      %add3A_19 = arith.addi %mul3A_2, %mul3A_18 : i32
      %mul3A_20 = arith.constant 128 : i32
      %mul3A_21 = arith.muli %add3A_16, %mul3A_20 : i32
      %add3A_22 = arith.addi %mul3A_2, %mul3A_21 : i32
      %mul3A_23 = arith.constant 128 : i32
      %mul3A_24 = arith.muli %mul3A_14, %mul3A_23 : i32
      %mul3A_25 = arith.constant 128 : i32
      %mul3A_26 = arith.muli %mul3A_14, %mul3A_25 : i32
      %mul3A_27 = arith.constant 128 : i32
      %mul3A_28 = arith.muli %add3A_16, %mul3A_27 : i32
      %mul3A_29 = arith.constant 128 : i32
      %mul3A_30 = arith.muli %add3A_16, %mul3A_29 : i32
      %dma_start3A = tpu.memref_slice %arg8[%mul3A_24] : memref<4352xi32, #tpu.memory_space<vmem>> -> memref<128xi32, #tpu.memory_space<vmem>>
      %dma_start3A_31 = arith.constant 0 : i32
      %dma_start3A_32 = arith.constant 0 : i32
      %dma_start3A_33 = tpu.memref_slice %arg4[%dma_start3A_31, %dma_start3A_32] : memref<10240x128xi32, #tpu.memory_space<hbm>> -> memref<10240x128xi32, #tpu.memory_space<hbm>>
      tpu.enqueue_indirect_dma source(%dma_start3A_33 : memref<10240x128xi32, #tpu.memory_space<hbm>>) target(%arg10 : memref<128x128xi32, #tpu.memory_space<vmem>>) offsets(%dma_start3A : memref<128xi32, #tpu.memory_space<vmem>>) semaphore(%arg14 : memref<!tpu.dma_semaphore, #tpu.memory_space<semaphore_mem>>)
      %dma_start3A_34 = tpu.memref_slice %arg9[%mul3A_26] : memref<4352xi32, #tpu.memory_space<vmem>> -> memref<128xi32, #tpu.memory_space<vmem>>
      %dma_start3A_35 = arith.constant 0 : i32
      %dma_start3A_36 = arith.constant 0 : i32
      %dma_start3A_37 = tpu.memref_slice %arg5[%dma_start3A_35, %dma_start3A_36] : memref<10240x128xf32, #tpu.memory_space<hbm>> -> memref<10240x128xf32, #tpu.memory_space<hbm>>
      tpu.enqueue_indirect_dma source(%dma_start3A_37 : memref<10240x128xf32, #tpu.memory_space<hbm>>) target(%arg11 : memref<128x128xf32, #tpu.memory_space<vmem>>) offsets(%dma_start3A_34 : memref<128xi32, #tpu.memory_space<vmem>>) semaphore(%arg14 : memref<!tpu.dma_semaphore, #tpu.memory_space<semaphore_mem>>)
      %dma_start3A_38 = tpu.memref_slice %arg8[%mul3A_28] : memref<4352xi32, #tpu.memory_space<vmem>> -> memref<128xi32, #tpu.memory_space<vmem>>
      %dma_start3A_39 = arith.constant 0 : i32
      %dma_start3A_40 = arith.constant 0 : i32
      %dma_start3A_41 = tpu.memref_slice %arg4[%dma_start3A_39, %dma_start3A_40] : memref<10240x128xi32, #tpu.memory_space<hbm>> -> memref<10240x128xi32, #tpu.memory_space<hbm>>
      tpu.enqueue_indirect_dma source(%dma_start3A_41 : memref<10240x128xi32, #tpu.memory_space<hbm>>) target(%arg12 : memref<128x128xi32, #tpu.memory_space<vmem>>) offsets(%dma_start3A_38 : memref<128xi32, #tpu.memory_space<vmem>>) semaphore(%arg15 : memref<!tpu.dma_semaphore, #tpu.memory_space<semaphore_mem>>)
      %dma_start3A_42 = tpu.memref_slice %arg9[%mul3A_30] : memref<4352xi32, #tpu.memory_space<vmem>> -> memref<128xi32, #tpu.memory_space<vmem>>
      %dma_start3A_43 = arith.constant 0 : i32
      %dma_start3A_44 = arith.constant 0 : i32
      %dma_start3A_45 = tpu.memref_slice %arg5[%dma_start3A_43, %dma_start3A_44] : memref<10240x128xf32, #tpu.memory_space<hbm>> -> memref<10240x128xf32, #tpu.memory_space<hbm>>
      tpu.enqueue_indirect_dma source(%dma_start3A_45 : memref<10240x128xf32, #tpu.memory_space<hbm>>) target(%arg13 : memref<128x128xf32, #tpu.memory_space<vmem>>) offsets(%dma_start3A_42 : memref<128xi32, #tpu.memory_space<vmem>>) semaphore(%arg15 : memref<!tpu.dma_semaphore, #tpu.memory_space<semaphore_mem>>)
      %dma_wait3A = tpu.memref_slice %arg8[%mul3A_24] : memref<4352xi32, #tpu.memory_space<vmem>> -> memref<128xi32, #tpu.memory_space<vmem>>
      %dma_wait3A_46 = arith.constant 0 : i32
      %dma_wait3A_47 = arith.constant 0 : i32
      %dma_wait3A_48 = tpu.memref_slice %arg4[%dma_wait3A_46, %dma_wait3A_47] : memref<10240x128xi32, #tpu.memory_space<hbm>> -> memref<10240x128xi32, #tpu.memory_space<hbm>>
      tpu.wait_indirect_dma semaphore(%arg14 : memref<!tpu.dma_semaphore, #tpu.memory_space<semaphore_mem>>) src(%dma_wait3A_48 : memref<10240x128xi32, #tpu.memory_space<hbm>>) dst(%arg10 : memref<128x128xi32, #tpu.memory_space<vmem>>)
      %dma_wait3A_49 = tpu.memref_slice %arg9[%mul3A_26] : memref<4352xi32, #tpu.memory_space<vmem>> -> memref<128xi32, #tpu.memory_space<vmem>>
      %dma_wait3A_50 = arith.constant 0 : i32
      %dma_wait3A_51 = arith.constant 0 : i32
      %dma_wait3A_52 = tpu.memref_slice %arg5[%dma_wait3A_50, %dma_wait3A_51] : memref<10240x128xf32, #tpu.memory_space<hbm>> -> memref<10240x128xf32, #tpu.memory_space<hbm>>
      tpu.wait_indirect_dma semaphore(%arg14 : memref<!tpu.dma_semaphore, #tpu.memory_space<semaphore_mem>>) src(%dma_wait3A_52 : memref<10240x128xf32, #tpu.memory_space<hbm>>) dst(%arg11 : memref<128x128xf32, #tpu.memory_space<vmem>>)
      %dma_start3A_53 = arith.constant 0 : i32
      %dma_start3A_54 = tpu.memref_slice %arg6[%add3A_19, %dma_start3A_53] : memref<139264x128xi32, #tpu.memory_space<hbm>> -> memref<128x128xi32, #tpu.memory_space<hbm>>
      %dma_start3A_55 = arith.constant 0 : i32
      %dma_start3A_56 = tpu.memref_slice %arg6[%add3A_19, %dma_start3A_55] : memref<139264x128xi32, #tpu.memory_space<hbm>> -> memref<128x128xi32, #tpu.memory_space<hbm>>
      tpu.enqueue_dma source(%arg10 : memref<128x128xi32, #tpu.memory_space<vmem>>) target(%dma_start3A_56 : memref<128x128xi32, #tpu.memory_space<hbm>>) target_semaphore(%arg16 : memref<!tpu.dma_semaphore, #tpu.memory_space<semaphore_mem>>)
      %dma_start3A_57 = arith.constant 0 : i32
      %dma_start3A_58 = tpu.memref_slice %arg7[%add3A_19, %dma_start3A_57] : memref<139264x128xf32, #tpu.memory_space<hbm>> -> memref<128x128xf32, #tpu.memory_space<hbm>>
      %dma_start3A_59 = arith.constant 0 : i32
      %dma_start3A_60 = tpu.memref_slice %arg7[%add3A_19, %dma_start3A_59] : memref<139264x128xf32, #tpu.memory_space<hbm>> -> memref<128x128xf32, #tpu.memory_space<hbm>>
      tpu.enqueue_dma source(%arg11 : memref<128x128xf32, #tpu.memory_space<vmem>>) target(%dma_start3A_60 : memref<128x128xf32, #tpu.memory_space<hbm>>) target_semaphore(%arg16 : memref<!tpu.dma_semaphore, #tpu.memory_space<semaphore_mem>>)
      %dma_wait3A_61 = tpu.memref_slice %arg8[%mul3A_28] : memref<4352xi32, #tpu.memory_space<vmem>> -> memref<128xi32, #tpu.memory_space<vmem>>
      %dma_wait3A_62 = arith.constant 0 : i32
      %dma_wait3A_63 = arith.constant 0 : i32
      %dma_wait3A_64 = tpu.memref_slice %arg4[%dma_wait3A_62, %dma_wait3A_63] : memref<10240x128xi32, #tpu.memory_space<hbm>> -> memref<10240x128xi32, #tpu.memory_space<hbm>>
      tpu.wait_indirect_dma semaphore(%arg15 : memref<!tpu.dma_semaphore, #tpu.memory_space<semaphore_mem>>) src(%dma_wait3A_64 : memref<10240x128xi32, #tpu.memory_space<hbm>>) dst(%arg12 : memref<128x128xi32, #tpu.memory_space<vmem>>)
      %dma_wait3A_65 = tpu.memref_slice %arg9[%mul3A_30] : memref<4352xi32, #tpu.memory_space<vmem>> -> memref<128xi32, #tpu.memory_space<vmem>>
      %dma_wait3A_66 = arith.constant 0 : i32
      %dma_wait3A_67 = arith.constant 0 : i32
      %dma_wait3A_68 = tpu.memref_slice %arg5[%dma_wait3A_66, %dma_wait3A_67] : memref<10240x128xf32, #tpu.memory_space<hbm>> -> memref<10240x128xf32, #tpu.memory_space<hbm>>
      tpu.wait_indirect_dma semaphore(%arg15 : memref<!tpu.dma_semaphore, #tpu.memory_space<semaphore_mem>>) src(%dma_wait3A_68 : memref<10240x128xf32, #tpu.memory_space<hbm>>) dst(%arg13 : memref<128x128xf32, #tpu.memory_space<vmem>>)
      %dma_start3A_69 = arith.constant 0 : i32
      %dma_start3A_70 = tpu.memref_slice %arg6[%add3A_22, %dma_start3A_69] : memref<139264x128xi32, #tpu.memory_space<hbm>> -> memref<128x128xi32, #tpu.memory_space<hbm>>
      %dma_start3A_71 = arith.constant 0 : i32
      %dma_start3A_72 = tpu.memref_slice %arg6[%add3A_22, %dma_start3A_71] : memref<139264x128xi32, #tpu.memory_space<hbm>> -> memref<128x128xi32, #tpu.memory_space<hbm>>
      tpu.enqueue_dma source(%arg12 : memref<128x128xi32, #tpu.memory_space<vmem>>) target(%dma_start3A_72 : memref<128x128xi32, #tpu.memory_space<hbm>>) target_semaphore(%arg16 : memref<!tpu.dma_semaphore, #tpu.memory_space<semaphore_mem>>)
      %dma_start3A_73 = arith.constant 0 : i32
      %dma_start3A_74 = tpu.memref_slice %arg7[%add3A_22, %dma_start3A_73] : memref<139264x128xf32, #tpu.memory_space<hbm>> -> memref<128x128xf32, #tpu.memory_space<hbm>>
      %dma_start3A_75 = arith.constant 0 : i32
      %dma_start3A_76 = tpu.memref_slice %arg7[%add3A_22, %dma_start3A_75] : memref<139264x128xf32, #tpu.memory_space<hbm>> -> memref<128x128xf32, #tpu.memory_space<hbm>>
      tpu.enqueue_dma source(%arg13 : memref<128x128xf32, #tpu.memory_space<vmem>>) target(%dma_start3A_76 : memref<128x128xf32, #tpu.memory_space<hbm>>) target_semaphore(%arg16 : memref<!tpu.dma_semaphore, #tpu.memory_space<semaphore_mem>>)
      %dma_wait3A_77 = arith.constant 0 : i32
      %dma_wait3A_78 = tpu.memref_slice %arg6[%add3A_19, %dma_wait3A_77] : memref<139264x128xi32, #tpu.memory_space<hbm>> -> memref<128x128xi32, #tpu.memory_space<hbm>>
      %dma_wait3A_79 = arith.constant 0 : i32
      %dma_wait3A_80 = tpu.memref_slice %arg6[%add3A_19, %dma_wait3A_79] : memref<139264x128xi32, #tpu.memory_space<hbm>> -> memref<128x128xi32, #tpu.memory_space<hbm>>
      tpu.wait_dma2 semaphore(%arg16 : memref<!tpu.dma_semaphore, #tpu.memory_space<semaphore_mem>>) src(%arg10 : memref<128x128xi32, #tpu.memory_space<vmem>>) dst(%dma_wait3A_80 : memref<128x128xi32, #tpu.memory_space<hbm>>)
      %dma_wait3A_81 = arith.constant 0 : i32
      %dma_wait3A_82 = tpu.memref_slice %arg7[%add3A_19, %dma_wait3A_81] : memref<139264x128xf32, #tpu.memory_space<hbm>> -> memref<128x128xf32, #tpu.memory_space<hbm>>
      %dma_wait3A_83 = arith.constant 0 : i32
      %dma_wait3A_84 = tpu.memref_slice %arg7[%add3A_19, %dma_wait3A_83] : memref<139264x128xf32, #tpu.memory_space<hbm>> -> memref<128x128xf32, #tpu.memory_space<hbm>>
      tpu.wait_dma2 semaphore(%arg16 : memref<!tpu.dma_semaphore, #tpu.memory_space<semaphore_mem>>) src(%arg11 : memref<128x128xf32, #tpu.memory_space<vmem>>) dst(%dma_wait3A_84 : memref<128x128xf32, #tpu.memory_space<hbm>>)
      %dma_wait3A_85 = arith.constant 0 : i32
      %dma_wait3A_86 = tpu.memref_slice %arg6[%add3A_22, %dma_wait3A_85] : memref<139264x128xi32, #tpu.memory_space<hbm>> -> memref<128x128xi32, #tpu.memory_space<hbm>>
      %dma_wait3A_87 = arith.constant 0 : i32
      %dma_wait3A_88 = tpu.memref_slice %arg6[%add3A_22, %dma_wait3A_87] : memref<139264x128xi32, #tpu.memory_space<hbm>> -> memref<128x128xi32, #tpu.memory_space<hbm>>
      tpu.wait_dma2 semaphore(%arg16 : memref<!tpu.dma_semaphore, #tpu.memory_space<semaphore_mem>>) src(%arg12 : memref<128x128xi32, #tpu.memory_space<vmem>>) dst(%dma_wait3A_88 : memref<128x128xi32, #tpu.memory_space<hbm>>)
      %dma_wait3A_89 = arith.constant 0 : i32
      %dma_wait3A_90 = tpu.memref_slice %arg7[%add3A_22, %dma_wait3A_89] : memref<139264x128xf32, #tpu.memory_space<hbm>> -> memref<128x128xf32, #tpu.memory_space<hbm>>
      %dma_wait3A_91 = arith.constant 0 : i32
      %dma_wait3A_92 = tpu.memref_slice %arg7[%add3A_22, %dma_wait3A_91] : memref<139264x128xf32, #tpu.memory_space<hbm>> -> memref<128x128xf32, #tpu.memory_space<hbm>>
      tpu.wait_dma2 semaphore(%arg16 : memref<!tpu.dma_semaphore, #tpu.memory_space<semaphore_mem>>) src(%arg13 : memref<128x128xf32, #tpu.memory_space<vmem>>) dst(%dma_wait3A_92 : memref<128x128xf32, #tpu.memory_space<hbm>>)
    }
    %scan3A_11 = arith.constant 17 : i32
    return
  }
}

#map = affine_map<(d0, d1) -> (0)>
#map1 = affine_map<(d0, d1) -> (0, 0)>
module attributes {stable_mosaic.version = 14 : i64} {
  func.func @gather_kernel(%arg0: i32, %arg1: i32, %arg2: memref<278528xi32, #tpu.memory_space<hbm>>, %arg3: memref<278528xi32, #tpu.memory_space<hbm>>, %arg4: memref<10240x128xi32, #tpu.memory_space<hbm>>, %arg5: memref<10240x128xf32, #tpu.memory_space<hbm>>, %arg6: memref<139264x128xi32, #tpu.memory_space<hbm>>, %arg7: memref<139264x128xf32, #tpu.memory_space<hbm>>, %arg8: memref<4352xi32, #tpu.memory_space<vmem>>, %arg9: memref<4352xi32, #tpu.memory_space<vmem>>, %arg10: memref<128x128xi32, #tpu.memory_space<vmem>>, %arg11: memref<128x128xf32, #tpu.memory_space<vmem>>, %arg12: memref<128x128xi32, #tpu.memory_space<vmem>>, %arg13: memref<128x128xf32, #tpu.memory_space<vmem>>, %arg14: memref<!tpu.dma_semaphore, #tpu.memory_space<semaphore_mem>>, %arg15: memref<!tpu.dma_semaphore, #tpu.memory_space<semaphore_mem>>, %arg16: memref<!tpu.dma_semaphore, #tpu.memory_space<semaphore_mem>>) attributes {dimension_semantics = [#tpu.dimension_semantics<core_parallel>, #tpu.dimension_semantics<subcore_parallel>], iteration_bounds = array<i64: 2, 16>, scalar_prefetch = 0 : i64, scratch_operands = 9 : i64, tpu.core_type = #tpu.core_type<sc_vector_subcore>, window_params = [{transform_indices = #map}, {transform_indices = #map}, {transform_indices = #map1}, {transform_indices = #map1}, {transform_indices = #map1}, {transform_indices = #map1}]} {
    %mul3A = arith.constant 2 : i32
    %mul3A_0 = arith.muli %arg1, %mul3A : i32
    %add3A = arith.addi %mul3A_0, %arg0 : i32
    %mul3A_1 = arith.constant 4352 : i32
    %mul3A_2 = arith.muli %add3A, %mul3A_1 : i32
    %add3A_3 = arith.constant 139264 : i32
    %add3A_4 = arith.addi %add3A_3, %mul3A_2 : i32
    "tpu.region"() ({
      %run_scoped3A = tpu.sem_alloc : memref<!tpu.dma_semaphore, #tpu.memory_space<semaphore_mem>>
      %dma_start3A = tpu.memref_slice %arg2[%add3A_4] : memref<278528xi32, #tpu.memory_space<hbm>> -> memref<4352xi32, #tpu.memory_space<hbm>>
      %dma_start3A_12 = tpu.memref_slice %arg2[%add3A_4] : memref<278528xi32, #tpu.memory_space<hbm>> -> memref<4352xi32, #tpu.memory_space<hbm>>
      tpu.enqueue_dma source(%dma_start3A_12 : memref<4352xi32, #tpu.memory_space<hbm>>) target(%arg8 : memref<4352xi32, #tpu.memory_space<vmem>>) target_semaphore(%run_scoped3A : memref<!tpu.dma_semaphore, #tpu.memory_space<semaphore_mem>>)
      %dma_wait3A = tpu.memref_slice %arg2[%add3A_4] : memref<278528xi32, #tpu.memory_space<hbm>> -> memref<4352xi32, #tpu.memory_space<hbm>>
      %dma_wait3A_13 = tpu.memref_slice %arg2[%add3A_4] : memref<278528xi32, #tpu.memory_space<hbm>> -> memref<4352xi32, #tpu.memory_space<hbm>>
      tpu.wait_dma2 semaphore(%run_scoped3A : memref<!tpu.dma_semaphore, #tpu.memory_space<semaphore_mem>>) src(%dma_wait3A_13 : memref<4352xi32, #tpu.memory_space<hbm>>) dst(%arg8 : memref<4352xi32, #tpu.memory_space<vmem>>)
      tpu.yield
    }) : () -> ()
    %add3A_5 = arith.constant 139264 : i32
    %add3A_6 = arith.addi %add3A_5, %mul3A_2 : i32
    "tpu.region"() ({
      %run_scoped3A = tpu.sem_alloc : memref<!tpu.dma_semaphore, #tpu.memory_space<semaphore_mem>>
      %dma_start3A = tpu.memref_slice %arg3[%add3A_6] : memref<278528xi32, #tpu.memory_space<hbm>> -> memref<4352xi32, #tpu.memory_space<hbm>>
      %dma_start3A_12 = tpu.memref_slice %arg3[%add3A_6] : memref<278528xi32, #tpu.memory_space<hbm>> -> memref<4352xi32, #tpu.memory_space<hbm>>
      tpu.enqueue_dma source(%dma_start3A_12 : memref<4352xi32, #tpu.memory_space<hbm>>) target(%arg9 : memref<4352xi32, #tpu.memory_space<vmem>>) target_semaphore(%run_scoped3A : memref<!tpu.dma_semaphore, #tpu.memory_space<semaphore_mem>>)
      %dma_wait3A = tpu.memref_slice %arg3[%add3A_6] : memref<278528xi32, #tpu.memory_space<hbm>> -> memref<4352xi32, #tpu.memory_space<hbm>>
      %dma_wait3A_13 = tpu.memref_slice %arg3[%add3A_6] : memref<278528xi32, #tpu.memory_space<hbm>> -> memref<4352xi32, #tpu.memory_space<hbm>>
      tpu.wait_dma2 semaphore(%run_scoped3A : memref<!tpu.dma_semaphore, #tpu.memory_space<semaphore_mem>>) src(%dma_wait3A_13 : memref<4352xi32, #tpu.memory_space<hbm>>) dst(%arg9 : memref<4352xi32, #tpu.memory_space<vmem>>)
      tpu.yield
    }) : () -> ()
    %scan3A = arith.constant 0 : i32
    %scan3A_7 = arith.constant 0 : i32
    %scan3A_8 = arith.constant 17 : i32
    %scan3A_9 = arith.addi %scan3A_7, %scan3A_8 : i32
    %scan3A_10 = arith.constant 1 : i32
    scf.for %scan3A_12 = %scan3A_7 to %scan3A_9 step %scan3A_10  : i32 {
      %mul3A_13 = arith.constant 2 : i32
      %mul3A_14 = arith.muli %mul3A_13, %scan3A_12 : i32
      %add3A_15 = arith.constant 1 : i32
      %add3A_16 = arith.addi %mul3A_14, %add3A_15 : i32
      %mul3A_17 = arith.constant 128 : i32
      %mul3A_18 = arith.muli %mul3A_14, %mul3A_17 : i32
      %add3A_19 = arith.addi %mul3A_2, %mul3A_18 : i32
      %mul3A_20 = arith.constant 128 : i32
      %mul3A_21 = arith.muli %add3A_16, %mul3A_20 : i32
      %add3A_22 = arith.addi %mul3A_2, %mul3A_21 : i32
      %mul3A_23 = arith.constant 128 : i32
      %mul3A_24 = arith.muli %mul3A_14, %mul3A_23 : i32
      %mul3A_25 = arith.constant 128 : i32
      %mul3A_26 = arith.muli %mul3A_14, %mul3A_25 : i32
      %mul3A_27 = arith.constant 128 : i32
      %mul3A_28 = arith.muli %add3A_16, %mul3A_27 : i32
      %mul3A_29 = arith.constant 128 : i32
      %mul3A_30 = arith.muli %add3A_16, %mul3A_29 : i32
      %dma_start3A = tpu.memref_slice %arg8[%mul3A_24] : memref<4352xi32, #tpu.memory_space<vmem>> -> memref<128xi32, #tpu.memory_space<vmem>>
      %dma_start3A_31 = arith.constant 0 : i32
      %dma_start3A_32 = arith.constant 0 : i32
      %dma_start3A_33 = tpu.memref_slice %arg4[%dma_start3A_31, %dma_start3A_32] : memref<10240x128xi32, #tpu.memory_space<hbm>> -> memref<10240x128xi32, #tpu.memory_space<hbm>>
      tpu.enqueue_indirect_dma source(%dma_start3A_33 : memref<10240x128xi32, #tpu.memory_space<hbm>>) target(%arg10 : memref<128x128xi32, #tpu.memory_space<vmem>>) offsets(%dma_start3A : memref<128xi32, #tpu.memory_space<vmem>>) semaphore(%arg14 : memref<!tpu.dma_semaphore, #tpu.memory_space<semaphore_mem>>)
      %dma_start3A_34 = tpu.memref_slice %arg9[%mul3A_26] : memref<4352xi32, #tpu.memory_space<vmem>> -> memref<128xi32, #tpu.memory_space<vmem>>
      %dma_start3A_35 = arith.constant 0 : i32
      %dma_start3A_36 = arith.constant 0 : i32
      %dma_start3A_37 = tpu.memref_slice %arg5[%dma_start3A_35, %dma_start3A_36] : memref<10240x128xf32, #tpu.memory_space<hbm>> -> memref<10240x128xf32, #tpu.memory_space<hbm>>
      tpu.enqueue_indirect_dma source(%dma_start3A_37 : memref<10240x128xf32, #tpu.memory_space<hbm>>) target(%arg11 : memref<128x128xf32, #tpu.memory_space<vmem>>) offsets(%dma_start3A_34 : memref<128xi32, #tpu.memory_space<vmem>>) semaphore(%arg14 : memref<!tpu.dma_semaphore, #tpu.memory_space<semaphore_mem>>)
      %dma_start3A_38 = tpu.memref_slice %arg8[%mul3A_28] : memref<4352xi32, #tpu.memory_space<vmem>> -> memref<128xi32, #tpu.memory_space<vmem>>
      %dma_start3A_39 = arith.constant 0 : i32
      %dma_start3A_40 = arith.constant 0 : i32
      %dma_start3A_41 = tpu.memref_slice %arg4[%dma_start3A_39, %dma_start3A_40] : memref<10240x128xi32, #tpu.memory_space<hbm>> -> memref<10240x128xi32, #tpu.memory_space<hbm>>
      tpu.enqueue_indirect_dma source(%dma_start3A_41 : memref<10240x128xi32, #tpu.memory_space<hbm>>) target(%arg12 : memref<128x128xi32, #tpu.memory_space<vmem>>) offsets(%dma_start3A_38 : memref<128xi32, #tpu.memory_space<vmem>>) semaphore(%arg15 : memref<!tpu.dma_semaphore, #tpu.memory_space<semaphore_mem>>)
      %dma_start3A_42 = tpu.memref_slice %arg9[%mul3A_30] : memref<4352xi32, #tpu.memory_space<vmem>> -> memref<128xi32, #tpu.memory_space<vmem>>
      %dma_start3A_43 = arith.constant 0 : i32
      %dma_start3A_44 = arith.constant 0 : i32
      %dma_start3A_45 = tpu.memref_slice %arg5[%dma_start3A_43, %dma_start3A_44] : memref<10240x128xf32, #tpu.memory_space<hbm>> -> memref<10240x128xf32, #tpu.memory_space<hbm>>
      tpu.enqueue_indirect_dma source(%dma_start3A_45 : memref<10240x128xf32, #tpu.memory_space<hbm>>) target(%arg13 : memref<128x128xf32, #tpu.memory_space<vmem>>) offsets(%dma_start3A_42 : memref<128xi32, #tpu.memory_space<vmem>>) semaphore(%arg15 : memref<!tpu.dma_semaphore, #tpu.memory_space<semaphore_mem>>)
      %dma_wait3A = tpu.memref_slice %arg8[%mul3A_24] : memref<4352xi32, #tpu.memory_space<vmem>> -> memref<128xi32, #tpu.memory_space<vmem>>
      %dma_wait3A_46 = arith.constant 0 : i32
      %dma_wait3A_47 = arith.constant 0 : i32
      %dma_wait3A_48 = tpu.memref_slice %arg4[%dma_wait3A_46, %dma_wait3A_47] : memref<10240x128xi32, #tpu.memory_space<hbm>> -> memref<10240x128xi32, #tpu.memory_space<hbm>>
      tpu.wait_indirect_dma semaphore(%arg14 : memref<!tpu.dma_semaphore, #tpu.memory_space<semaphore_mem>>) src(%dma_wait3A_48 : memref<10240x128xi32, #tpu.memory_space<hbm>>) dst(%arg10 : memref<128x128xi32, #tpu.memory_space<vmem>>)
      %dma_wait3A_49 = tpu.memref_slice %arg9[%mul3A_26] : memref<4352xi32, #tpu.memory_space<vmem>> -> memref<128xi32, #tpu.memory_space<vmem>>
      %dma_wait3A_50 = arith.constant 0 : i32
      %dma_wait3A_51 = arith.constant 0 : i32
      %dma_wait3A_52 = tpu.memref_slice %arg5[%dma_wait3A_50, %dma_wait3A_51] : memref<10240x128xf32, #tpu.memory_space<hbm>> -> memref<10240x128xf32, #tpu.memory_space<hbm>>
      tpu.wait_indirect_dma semaphore(%arg14 : memref<!tpu.dma_semaphore, #tpu.memory_space<semaphore_mem>>) src(%dma_wait3A_52 : memref<10240x128xf32, #tpu.memory_space<hbm>>) dst(%arg11 : memref<128x128xf32, #tpu.memory_space<vmem>>)
      %dma_start3A_53 = arith.constant 0 : i32
      %dma_start3A_54 = tpu.memref_slice %arg6[%add3A_19, %dma_start3A_53] : memref<139264x128xi32, #tpu.memory_space<hbm>> -> memref<128x128xi32, #tpu.memory_space<hbm>>
      %dma_start3A_55 = arith.constant 0 : i32
      %dma_start3A_56 = tpu.memref_slice %arg6[%add3A_19, %dma_start3A_55] : memref<139264x128xi32, #tpu.memory_space<hbm>> -> memref<128x128xi32, #tpu.memory_space<hbm>>
      tpu.enqueue_dma source(%arg10 : memref<128x128xi32, #tpu.memory_space<vmem>>) target(%dma_start3A_56 : memref<128x128xi32, #tpu.memory_space<hbm>>) target_semaphore(%arg16 : memref<!tpu.dma_semaphore, #tpu.memory_space<semaphore_mem>>)
      %dma_start3A_57 = arith.constant 0 : i32
      %dma_start3A_58 = tpu.memref_slice %arg7[%add3A_19, %dma_start3A_57] : memref<139264x128xf32, #tpu.memory_space<hbm>> -> memref<128x128xf32, #tpu.memory_space<hbm>>
      %dma_start3A_59 = arith.constant 0 : i32
      %dma_start3A_60 = tpu.memref_slice %arg7[%add3A_19, %dma_start3A_59] : memref<139264x128xf32, #tpu.memory_space<hbm>> -> memref<128x128xf32, #tpu.memory_space<hbm>>
      tpu.enqueue_dma source(%arg11 : memref<128x128xf32, #tpu.memory_space<vmem>>) target(%dma_start3A_60 : memref<128x128xf32, #tpu.memory_space<hbm>>) target_semaphore(%arg16 : memref<!tpu.dma_semaphore, #tpu.memory_space<semaphore_mem>>)
      %dma_wait3A_61 = tpu.memref_slice %arg8[%mul3A_28] : memref<4352xi32, #tpu.memory_space<vmem>> -> memref<128xi32, #tpu.memory_space<vmem>>
      %dma_wait3A_62 = arith.constant 0 : i32
      %dma_wait3A_63 = arith.constant 0 : i32
      %dma_wait3A_64 = tpu.memref_slice %arg4[%dma_wait3A_62, %dma_wait3A_63] : memref<10240x128xi32, #tpu.memory_space<hbm>> -> memref<10240x128xi32, #tpu.memory_space<hbm>>
      tpu.wait_indirect_dma semaphore(%arg15 : memref<!tpu.dma_semaphore, #tpu.memory_space<semaphore_mem>>) src(%dma_wait3A_64 : memref<10240x128xi32, #tpu.memory_space<hbm>>) dst(%arg12 : memref<128x128xi32, #tpu.memory_space<vmem>>)
      %dma_wait3A_65 = tpu.memref_slice %arg9[%mul3A_30] : memref<4352xi32, #tpu.memory_space<vmem>> -> memref<128xi32, #tpu.memory_space<vmem>>
      %dma_wait3A_66 = arith.constant 0 : i32
      %dma_wait3A_67 = arith.constant 0 : i32
      %dma_wait3A_68 = tpu.memref_slice %arg5[%dma_wait3A_66, %dma_wait3A_67] : memref<10240x128xf32, #tpu.memory_space<hbm>> -> memref<10240x128xf32, #tpu.memory_space<hbm>>
      tpu.wait_indirect_dma semaphore(%arg15 : memref<!tpu.dma_semaphore, #tpu.memory_space<semaphore_mem>>) src(%dma_wait3A_68 : memref<10240x128xf32, #tpu.memory_space<hbm>>) dst(%arg13 : memref<128x128xf32, #tpu.memory_space<vmem>>)
      %dma_start3A_69 = arith.constant 0 : i32
      %dma_start3A_70 = tpu.memref_slice %arg6[%add3A_22, %dma_start3A_69] : memref<139264x128xi32, #tpu.memory_space<hbm>> -> memref<128x128xi32, #tpu.memory_space<hbm>>
      %dma_start3A_71 = arith.constant 0 : i32
      %dma_start3A_72 = tpu.memref_slice %arg6[%add3A_22, %dma_start3A_71] : memref<139264x128xi32, #tpu.memory_space<hbm>> -> memref<128x128xi32, #tpu.memory_space<hbm>>
      tpu.enqueue_dma source(%arg12 : memref<128x128xi32, #tpu.memory_space<vmem>>) target(%dma_start3A_72 : memref<128x128xi32, #tpu.memory_space<hbm>>) target_semaphore(%arg16 : memref<!tpu.dma_semaphore, #tpu.memory_space<semaphore_mem>>)
      %dma_start3A_73 = arith.constant 0 : i32
      %dma_start3A_74 = tpu.memref_slice %arg7[%add3A_22, %dma_start3A_73] : memref<139264x128xf32, #tpu.memory_space<hbm>> -> memref<128x128xf32, #tpu.memory_space<hbm>>
      %dma_start3A_75 = arith.constant 0 : i32
      %dma_start3A_76 = tpu.memref_slice %arg7[%add3A_22, %dma_start3A_75] : memref<139264x128xf32, #tpu.memory_space<hbm>> -> memref<128x128xf32, #tpu.memory_space<hbm>>
      tpu.enqueue_dma source(%arg13 : memref<128x128xf32, #tpu.memory_space<vmem>>) target(%dma_start3A_76 : memref<128x128xf32, #tpu.memory_space<hbm>>) target_semaphore(%arg16 : memref<!tpu.dma_semaphore, #tpu.memory_space<semaphore_mem>>)
      %dma_wait3A_77 = arith.constant 0 : i32
      %dma_wait3A_78 = tpu.memref_slice %arg6[%add3A_19, %dma_wait3A_77] : memref<139264x128xi32, #tpu.memory_space<hbm>> -> memref<128x128xi32, #tpu.memory_space<hbm>>
      %dma_wait3A_79 = arith.constant 0 : i32
      %dma_wait3A_80 = tpu.memref_slice %arg6[%add3A_19, %dma_wait3A_79] : memref<139264x128xi32, #tpu.memory_space<hbm>> -> memref<128x128xi32, #tpu.memory_space<hbm>>
      tpu.wait_dma2 semaphore(%arg16 : memref<!tpu.dma_semaphore, #tpu.memory_space<semaphore_mem>>) src(%arg10 : memref<128x128xi32, #tpu.memory_space<vmem>>) dst(%dma_wait3A_80 : memref<128x128xi32, #tpu.memory_space<hbm>>)
      %dma_wait3A_81 = arith.constant 0 : i32
      %dma_wait3A_82 = tpu.memref_slice %arg7[%add3A_19, %dma_wait3A_81] : memref<139264x128xf32, #tpu.memory_space<hbm>> -> memref<128x128xf32, #tpu.memory_space<hbm>>
      %dma_wait3A_83 = arith.constant 0 : i32
      %dma_wait3A_84 = tpu.memref_slice %arg7[%add3A_19, %dma_wait3A_83] : memref<139264x128xf32, #tpu.memory_space<hbm>> -> memref<128x128xf32, #tpu.memory_space<hbm>>
      tpu.wait_dma2 semaphore(%arg16 : memref<!tpu.dma_semaphore, #tpu.memory_space<semaphore_mem>>) src(%arg11 : memref<128x128xf32, #tpu.memory_space<vmem>>) dst(%dma_wait3A_84 : memref<128x128xf32, #tpu.memory_space<hbm>>)
      %dma_wait3A_85 = arith.constant 0 : i32
      %dma_wait3A_86 = tpu.memref_slice %arg6[%add3A_22, %dma_wait3A_85] : memref<139264x128xi32, #tpu.memory_space<hbm>> -> memref<128x128xi32, #tpu.memory_space<hbm>>
      %dma_wait3A_87 = arith.constant 0 : i32
      %dma_wait3A_88 = tpu.memref_slice %arg6[%add3A_22, %dma_wait3A_87] : memref<139264x128xi32, #tpu.memory_space<hbm>> -> memref<128x128xi32, #tpu.memory_space<hbm>>
      tpu.wait_dma2 semaphore(%arg16 : memref<!tpu.dma_semaphore, #tpu.memory_space<semaphore_mem>>) src(%arg12 : memref<128x128xi32, #tpu.memory_space<vmem>>) dst(%dma_wait3A_88 : memref<128x128xi32, #tpu.memory_space<hbm>>)
      %dma_wait3A_89 = arith.constant 0 : i32
      %dma_wait3A_90 = tpu.memref_slice %arg7[%add3A_22, %dma_wait3A_89] : memref<139264x128xf32, #tpu.memory_space<hbm>> -> memref<128x128xf32, #tpu.memory_space<hbm>>
      %dma_wait3A_91 = arith.constant 0 : i32
      %dma_wait3A_92 = tpu.memref_slice %arg7[%add3A_22, %dma_wait3A_91] : memref<139264x128xf32, #tpu.memory_space<hbm>> -> memref<128x128xf32, #tpu.memory_space<hbm>>
      tpu.wait_dma2 semaphore(%arg16 : memref<!tpu.dma_semaphore, #tpu.memory_space<semaphore_mem>>) src(%arg13 : memref<128x128xf32, #tpu.memory_space<vmem>>) dst(%dma_wait3A_92 : memref<128x128xf32, #tpu.memory_space<hbm>>)
    }
    %scan3A_11 = arith.constant 17 : i32
    return
  }
}

#map = affine_map<(d0, d1) -> (0, 0)>
#map1 = affine_map<(d0, d1) -> (0)>
#map2 = affine_map<(d0, d1) -> (0, 0, 0)>
module attributes {stable_mosaic.version = 14 : i64} {
  func.func @scatter_kernel(%arg0: i32, %arg1: i32, %arg2: memref<139264x128xf32, #tpu.memory_space<hbm>>, %arg3: memref<278528xi32, #tpu.memory_space<hbm>>, %arg4: memref<2x10240x128xf32, #tpu.memory_space<hbm>>, %arg5: memref<10240x128xf32, #tpu.memory_space<vmem_shared>>, %arg6: memref<128x128xf32, #tpu.memory_space<vmem>>, %arg7: memref<34x128xi32, #tpu.memory_space<vmem>>) attributes {dimension_semantics = [#tpu.dimension_semantics<core_parallel>, #tpu.dimension_semantics<subcore_parallel>], iteration_bounds = array<i64: 2, 16>, scalar_prefetch = 0 : i64, scratch_operands = 3 : i64, tpu.core_type = #tpu.core_type<sc_vector_subcore>, window_params = [{transform_indices = #map}, {transform_indices = #map1}, {transform_indices = #map2}]} {
    %mul3A = arith.constant 16 : i32
    %mul3A_0 = arith.muli %arg0, %mul3A : i32
    %add3A = arith.addi %mul3A_0, %arg1 : i32
    %scan3A = arith.constant 0 : i32
    %scan3A_1 = arith.constant 0 : i32
    %scan3A_2 = arith.constant 128 : i32
    %scan3A_3 = arith.addi %scan3A_1, %scan3A_2 : i32
    %scan3A_4 = arith.constant 1 : i32
    scf.for %scan3A_53 = %scan3A_1 to %scan3A_3 step %scan3A_4  : i32 {
      %broadcast_in_dim3A = arith.constant 0.000000e+00 : f32
      %broadcast_in_dim3A_54 = vector.broadcast %broadcast_in_dim3A : f32 to vector<16xf32>
      %swap3A = arith.index_cast %scan3A_53 : i32 to index
      %swap3A_55 = arith.constant 0 : index
      %swap3A_56 = tpu.vector_load %arg6[%swap3A, %swap3A_55] {strides = array<i32>} : memref<128x128xf32, #tpu.memory_space<vmem>>, vector<16xf32>,
      tpu.vector_store %arg6[%swap3A, %swap3A_55], %broadcast_in_dim3A_54 {strides = array<i32>} : memref<128x128xf32, #tpu.memory_space<vmem>>, vector<16xf32>,
      %broadcast_in_dim3A_57 = arith.constant 0.000000e+00 : f32
      %broadcast_in_dim3A_58 = vector.broadcast %broadcast_in_dim3A_57 : f32 to vector<16xf32>
      %swap3A_59 = arith.index_cast %scan3A_53 : i32 to index
      %swap3A_60 = arith.constant 16 : index
      %swap3A_61 = tpu.vector_load %arg6[%swap3A_59, %swap3A_60] {strides = array<i32>} : memref<128x128xf32, #tpu.memory_space<vmem>>, vector<16xf32>,
      tpu.vector_store %arg6[%swap3A_59, %swap3A_60], %broadcast_in_dim3A_58 {strides = array<i32>} : memref<128x128xf32, #tpu.memory_space<vmem>>, vector<16xf32>,
      %broadcast_in_dim3A_62 = arith.constant 0.000000e+00 : f32
      %broadcast_in_dim3A_63 = vector.broadcast %broadcast_in_dim3A_62 : f32 to vector<16xf32>
      %swap3A_64 = arith.index_cast %scan3A_53 : i32 to index
      %swap3A_65 = arith.constant 32 : index
      %swap3A_66 = tpu.vector_load %arg6[%swap3A_64, %swap3A_65] {strides = array<i32>} : memref<128x128xf32, #tpu.memory_space<vmem>>, vector<16xf32>,
      tpu.vector_store %arg6[%swap3A_64, %swap3A_65], %broadcast_in_dim3A_63 {strides = array<i32>} : memref<128x128xf32, #tpu.memory_space<vmem>>, vector<16xf32>,
      %broadcast_in_dim3A_67 = arith.constant 0.000000e+00 : f32
      %broadcast_in_dim3A_68 = vector.broadcast %broadcast_in_dim3A_67 : f32 to vector<16xf32>
      %swap3A_69 = arith.index_cast %scan3A_53 : i32 to index
      %swap3A_70 = arith.constant 48 : index
      %swap3A_71 = tpu.vector_load %arg6[%swap3A_69, %swap3A_70] {strides = array<i32>} : memref<128x128xf32, #tpu.memory_space<vmem>>, vector<16xf32>,
      tpu.vector_store %arg6[%swap3A_69, %swap3A_70], %broadcast_in_dim3A_68 {strides = array<i32>} : memref<128x128xf32, #tpu.memory_space<vmem>>, vector<16xf32>,
      %broadcast_in_dim3A_72 = arith.constant 0.000000e+00 : f32
      %broadcast_in_dim3A_73 = vector.broadcast %broadcast_in_dim3A_72 : f32 to vector<16xf32>
      %swap3A_74 = arith.index_cast %scan3A_53 : i32 to index
      %swap3A_75 = arith.constant 64 : index
      %swap3A_76 = tpu.vector_load %arg6[%swap3A_74, %swap3A_75] {strides = array<i32>} : memref<128x128xf32, #tpu.memory_space<vmem>>, vector<16xf32>,
      tpu.vector_store %arg6[%swap3A_74, %swap3A_75], %broadcast_in_dim3A_73 {strides = array<i32>} : memref<128x128xf32, #tpu.memory_space<vmem>>, vector<16xf32>,
      %broadcast_in_dim3A_77 = arith.constant 0.000000e+00 : f32
      %broadcast_in_dim3A_78 = vector.broadcast %broadcast_in_dim3A_77 : f32 to vector<16xf32>
      %swap3A_79 = arith.index_cast %scan3A_53 : i32 to index
      %swap3A_80 = arith.constant 80 : index
      %swap3A_81 = tpu.vector_load %arg6[%swap3A_79, %swap3A_80] {strides = array<i32>} : memref<128x128xf32, #tpu.memory_space<vmem>>, vector<16xf32>,
      tpu.vector_store %arg6[%swap3A_79, %swap3A_80], %broadcast_in_dim3A_78 {strides = array<i32>} : memref<128x128xf32, #tpu.memory_space<vmem>>, vector<16xf32>,
      %broadcast_in_dim3A_82 = arith.constant 0.000000e+00 : f32
      %broadcast_in_dim3A_83 = vector.broadcast %broadcast_in_dim3A_82 : f32 to vector<16xf32>
      %swap3A_84 = arith.index_cast %scan3A_53 : i32 to index
      %swap3A_85 = arith.constant 96 : index
      %swap3A_86 = tpu.vector_load %arg6[%swap3A_84, %swap3A_85] {strides = array<i32>} : memref<128x128xf32, #tpu.memory_space<vmem>>, vector<16xf32>,
      tpu.vector_store %arg6[%swap3A_84, %swap3A_85], %broadcast_in_dim3A_83 {strides = array<i32>} : memref<128x128xf32, #tpu.memory_space<vmem>>, vector<16xf32>,
      %broadcast_in_dim3A_87 = arith.constant 0.000000e+00 : f32
      %broadcast_in_dim3A_88 = vector.broadcast %broadcast_in_dim3A_87 : f32 to vector<16xf32>
      %swap3A_89 = arith.index_cast %scan3A_53 : i32 to index
      %swap3A_90 = arith.constant 112 : index
      %swap3A_91 = tpu.vector_load %arg6[%swap3A_89, %swap3A_90] {strides = array<i32>} : memref<128x128xf32, #tpu.memory_space<vmem>>, vector<16xf32>,
      tpu.vector_store %arg6[%swap3A_89, %swap3A_90], %broadcast_in_dim3A_88 {strides = array<i32>} : memref<128x128xf32, #tpu.memory_space<vmem>>, vector<16xf32>,
    }
    %scan3A_5 = arith.constant 128 : i32
    %mul3A_6 = arith.constant 640 : i32
    %mul3A_7 = arith.muli %arg1, %mul3A_6 : i32
    %add3A_8 = arith.constant 0 : i32
    %add3A_9 = arith.addi %mul3A_7, %add3A_8 : i32
    "tpu.region"() ({
      %run_scoped3A = tpu.sem_alloc : memref<!tpu.dma_semaphore, #tpu.memory_space<semaphore_mem>>
      %dma_start3A = arith.constant 0 : i32
      %dma_start3A_53 = tpu.memref_slice %arg5[%add3A_9, %dma_start3A] : memref<10240x128xf32, #tpu.memory_space<vmem_shared>> -> memref<128x128xf32, #tpu.memory_space<vmem_shared>>
      %dma_start3A_54 = arith.constant 0 : i32
      %dma_start3A_55 = tpu.memref_slice %arg5[%add3A_9, %dma_start3A_54] : memref<10240x128xf32, #tpu.memory_space<vmem_shared>> -> memref<128x128xf32, #tpu.memory_space<vmem_shared>>
      tpu.enqueue_dma source(%arg6 : memref<128x128xf32, #tpu.memory_space<vmem>>) target(%dma_start3A_55 : memref<128x128xf32, #tpu.memory_space<vmem_shared>>) target_semaphore(%run_scoped3A : memref<!tpu.dma_semaphore, #tpu.memory_space<semaphore_mem>>)
      %dma_wait3A = arith.constant 0 : i32
      %dma_wait3A_56 = tpu.memref_slice %arg5[%add3A_9, %dma_wait3A] : memref<10240x128xf32, #tpu.memory_space<vmem_shared>> -> memref<128x128xf32, #tpu.memory_space<vmem_shared>>
      %dma_wait3A_57 = arith.constant 0 : i32
      %dma_wait3A_58 = tpu.memref_slice %arg5[%add3A_9, %dma_wait3A_57] : memref<10240x128xf32, #tpu.memory_space<vmem_shared>> -> memref<128x128xf32, #tpu.memory_space<vmem_shared>>
      tpu.wait_dma2 semaphore(%run_scoped3A : memref<!tpu.dma_semaphore, #tpu.memory_space<semaphore_mem>>) src(%arg6 : memref<128x128xf32, #tpu.memory_space<vmem>>) dst(%dma_wait3A_58 : memref<128x128xf32, #tpu.memory_space<vmem_shared>>)
      tpu.yield
    }) : () -> ()
    %mul3A_10 = arith.constant 640 : i32
    %mul3A_11 = arith.muli %arg1, %mul3A_10 : i32
    %add3A_12 = arith.constant 128 : i32
    %add3A_13 = arith.addi %mul3A_11, %add3A_12 : i32
    "tpu.region"() ({
      %run_scoped3A = tpu.sem_alloc : memref<!tpu.dma_semaphore, #tpu.memory_space<semaphore_mem>>
      %dma_start3A = arith.constant 0 : i32
      %dma_start3A_53 = tpu.memref_slice %arg5[%add3A_13, %dma_start3A] : memref<10240x128xf32, #tpu.memory_space<vmem_shared>> -> memref<128x128xf32, #tpu.memory_space<vmem_shared>>
      %dma_start3A_54 = arith.constant 0 : i32
      %dma_start3A_55 = tpu.memref_slice %arg5[%add3A_13, %dma_start3A_54] : memref<10240x128xf32, #tpu.memory_space<vmem_shared>> -> memref<128x128xf32, #tpu.memory_space<vmem_shared>>
      tpu.enqueue_dma source(%arg6 : memref<128x128xf32, #tpu.memory_space<vmem>>) target(%dma_start3A_55 : memref<128x128xf32, #tpu.memory_space<vmem_shared>>) target_semaphore(%run_scoped3A : memref<!tpu.dma_semaphore, #tpu.memory_space<semaphore_mem>>)
      %dma_wait3A = arith.constant 0 : i32
      %dma_wait3A_56 = tpu.memref_slice %arg5[%add3A_13, %dma_wait3A] : memref<10240x128xf32, #tpu.memory_space<vmem_shared>> -> memref<128x128xf32, #tpu.memory_space<vmem_shared>>
      %dma_wait3A_57 = arith.constant 0 : i32
      %dma_wait3A_58 = tpu.memref_slice %arg5[%add3A_13, %dma_wait3A_57] : memref<10240x128xf32, #tpu.memory_space<vmem_shared>> -> memref<128x128xf32, #tpu.memory_space<vmem_shared>>
      tpu.wait_dma2 semaphore(%run_scoped3A : memref<!tpu.dma_semaphore, #tpu.memory_space<semaphore_mem>>) src(%arg6 : memref<128x128xf32, #tpu.memory_space<vmem>>) dst(%dma_wait3A_58 : memref<128x128xf32, #tpu.memory_space<vmem_shared>>)
      tpu.yield
    }) : () -> ()
    %mul3A_14 = arith.constant 640 : i32
    %mul3A_15 = arith.muli %arg1, %mul3A_14 : i32
    %add3A_16 = arith.constant 256 : i32
    %add3A_17 = arith.addi %mul3A_15, %add3A_16 : i32
    "tpu.region"() ({
      %run_scoped3A = tpu.sem_alloc : memref<!tpu.dma_semaphore, #tpu.memory_space<semaphore_mem>>
      %dma_start3A = arith.constant 0 : i32
      %dma_start3A_53 = tpu.memref_slice %arg5[%add3A_17, %dma_start3A] : memref<10240x128xf32, #tpu.memory_space<vmem_shared>> -> memref<128x128xf32, #tpu.memory_space<vmem_shared>>
      %dma_start3A_54 = arith.constant 0 : i32
      %dma_start3A_55 = tpu.memref_slice %arg5[%add3A_17, %dma_start3A_54] : memref<10240x128xf32, #tpu.memory_space<vmem_shared>> -> memref<128x128xf32, #tpu.memory_space<vmem_shared>>
      tpu.enqueue_dma source(%arg6 : memref<128x128xf32, #tpu.memory_space<vmem>>) target(%dma_start3A_55 : memref<128x128xf32, #tpu.memory_space<vmem_shared>>) target_semaphore(%run_scoped3A : memref<!tpu.dma_semaphore, #tpu.memory_space<semaphore_mem>>)
      %dma_wait3A = arith.constant 0 : i32
      %dma_wait3A_56 = tpu.memref_slice %arg5[%add3A_17, %dma_wait3A] : memref<10240x128xf32, #tpu.memory_space<vmem_shared>> -> memref<128x128xf32, #tpu.memory_space<vmem_shared>>
      %dma_wait3A_57 = arith.constant 0 : i32
      %dma_wait3A_58 = tpu.memref_slice %arg5[%add3A_17, %dma_wait3A_57] : memref<10240x128xf32, #tpu.memory_space<vmem_shared>> -> memref<128x128xf32, #tpu.memory_space<vmem_shared>>
      tpu.wait_dma2 semaphore(%run_scoped3A : memref<!tpu.dma_semaphore, #tpu.memory_space<semaphore_mem>>) src(%arg6 : memref<128x128xf32, #tpu.memory_space<vmem>>) dst(%dma_wait3A_58 : memref<128x128xf32, #tpu.memory_space<vmem_shared>>)
      tpu.yield
    }) : () -> ()
    %mul3A_18 = arith.constant 640 : i32
    %mul3A_19 = arith.muli %arg1, %mul3A_18 : i32
    %add3A_20 = arith.constant 384 : i32
    %add3A_21 = arith.addi %mul3A_19, %add3A_20 : i32
    "tpu.region"() ({
      %run_scoped3A = tpu.sem_alloc : memref<!tpu.dma_semaphore, #tpu.memory_space<semaphore_mem>>
      %dma_start3A = arith.constant 0 : i32
      %dma_start3A_53 = tpu.memref_slice %arg5[%add3A_21, %dma_start3A] : memref<10240x128xf32, #tpu.memory_space<vmem_shared>> -> memref<128x128xf32, #tpu.memory_space<vmem_shared>>
      %dma_start3A_54 = arith.constant 0 : i32
      %dma_start3A_55 = tpu.memref_slice %arg5[%add3A_21, %dma_start3A_54] : memref<10240x128xf32, #tpu.memory_space<vmem_shared>> -> memref<128x128xf32, #tpu.memory_space<vmem_shared>>
      tpu.enqueue_dma source(%arg6 : memref<128x128xf32, #tpu.memory_space<vmem>>) target(%dma_start3A_55 : memref<128x128xf32, #tpu.memory_space<vmem_shared>>) target_semaphore(%run_scoped3A : memref<!tpu.dma_semaphore, #tpu.memory_space<semaphore_mem>>)
      %dma_wait3A = arith.constant 0 : i32
      %dma_wait3A_56 = tpu.memref_slice %arg5[%add3A_21, %dma_wait3A] : memref<10240x128xf32, #tpu.memory_space<vmem_shared>> -> memref<128x128xf32, #tpu.memory_space<vmem_shared>>
      %dma_wait3A_57 = arith.constant 0 : i32
      %dma_wait3A_58 = tpu.memref_slice %arg5[%add3A_21, %dma_wait3A_57] : memref<10240x128xf32, #tpu.memory_space<vmem_shared>> -> memref<128x128xf32, #tpu.memory_space<vmem_shared>>
      tpu.wait_dma2 semaphore(%run_scoped3A : memref<!tpu.dma_semaphore, #tpu.memory_space<semaphore_mem>>) src(%arg6 : memref<128x128xf32, #tpu.memory_space<vmem>>) dst(%dma_wait3A_58 : memref<128x128xf32, #tpu.memory_space<vmem_shared>>)
      tpu.yield
    }) : () -> ()
    %mul3A_22 = arith.constant 640 : i32
    %mul3A_23 = arith.muli %arg1, %mul3A_22 : i32
    %add3A_24 = arith.constant 512 : i32
    %add3A_25 = arith.addi %mul3A_23, %add3A_24 : i32
    "tpu.region"() ({
      %run_scoped3A = tpu.sem_alloc : memref<!tpu.dma_semaphore, #tpu.memory_space<semaphore_mem>>
      %dma_start3A = arith.constant 0 : i32
      %dma_start3A_53 = tpu.memref_slice %arg5[%add3A_25, %dma_start3A] : memref<10240x128xf32, #tpu.memory_space<vmem_shared>> -> memref<128x128xf32, #tpu.memory_space<vmem_shared>>
      %dma_start3A_54 = arith.constant 0 : i32
      %dma_start3A_55 = tpu.memref_slice %arg5[%add3A_25, %dma_start3A_54] : memref<10240x128xf32, #tpu.memory_space<vmem_shared>> -> memref<128x128xf32, #tpu.memory_space<vmem_shared>>
      tpu.enqueue_dma source(%arg6 : memref<128x128xf32, #tpu.memory_space<vmem>>) target(%dma_start3A_55 : memref<128x128xf32, #tpu.memory_space<vmem_shared>>) target_semaphore(%run_scoped3A : memref<!tpu.dma_semaphore, #tpu.memory_space<semaphore_mem>>)
      %dma_wait3A = arith.constant 0 : i32
      %dma_wait3A_56 = tpu.memref_slice %arg5[%add3A_25, %dma_wait3A] : memref<10240x128xf32, #tpu.memory_space<vmem_shared>> -> memref<128x128xf32, #tpu.memory_space<vmem_shared>>
      %dma_wait3A_57 = arith.constant 0 : i32
      %dma_wait3A_58 = tpu.memref_slice %arg5[%add3A_25, %dma_wait3A_57] : memref<10240x128xf32, #tpu.memory_space<vmem_shared>> -> memref<128x128xf32, #tpu.memory_space<vmem_shared>>
      tpu.wait_dma2 semaphore(%run_scoped3A : memref<!tpu.dma_semaphore, #tpu.memory_space<semaphore_mem>>) src(%arg6 : memref<128x128xf32, #tpu.memory_space<vmem>>) dst(%dma_wait3A_58 : memref<128x128xf32, #tpu.memory_space<vmem_shared>>)
      tpu.yield
    }) : () -> ()
    %barrier3A = arith.constant 0 : index
    tpu.barrier barrier_id(%barrier3A)
    %scan3A_26 = arith.constant 0 : i32
    %scan3A_27 = arith.constant 0 : i32
    %scan3A_28 = arith.constant 34 : i32
    %scan3A_29 = arith.addi %scan3A_27, %scan3A_28 : i32
    %scan3A_30 = arith.constant 1 : i32
    scf.for %scan3A_53 = %scan3A_27 to %scan3A_29 step %scan3A_30  : i32 {
      %mul3A_54 = arith.constant 4352 : i32
      %mul3A_55 = arith.muli %add3A, %mul3A_54 : i32
      %mul3A_56 = arith.constant 128 : i32
      %mul3A_57 = arith.muli %scan3A_53, %mul3A_56 : i32
      %add3A_58 = arith.addi %mul3A_55, %mul3A_57 : i32
      %add3A_59 = arith.constant 139264 : i32
      %add3A_60 = arith.addi %add3A_59, %add3A_58 : i32
      "tpu.region"() ({
        %run_scoped3A = tpu.sem_alloc : memref<!tpu.dma_semaphore, #tpu.memory_space<semaphore_mem>>
        %dma_start3A = arith.constant 0 : i32
        %dma_start3A_61 = tpu.memref_slice %arg7[%scan3A_53, %dma_start3A] : memref<34x128xi32, #tpu.memory_space<vmem>> -> memref<1x128xi32, #tpu.memory_space<vmem>>
        %dma_start3A_62 = tpu.memref_squeeze %dma_start3A_61 : memref<1x128xi32, #tpu.memory_space<vmem>> -> memref<128xi32, #tpu.memory_space<vmem>>
        %dma_start3A_63 = tpu.memref_slice %arg3[%add3A_60] : memref<278528xi32, #tpu.memory_space<hbm>> -> memref<128xi32, #tpu.memory_space<hbm>>
        %dma_start3A_64 = arith.constant 0 : i32
        %dma_start3A_65 = tpu.memref_slice %arg7[%scan3A_53, %dma_start3A_64] : memref<34x128xi32, #tpu.memory_space<vmem>> -> memref<1x128xi32, #tpu.memory_space<vmem>>
        %dma_start3A_66 = tpu.memref_squeeze %dma_start3A_65 : memref<1x128xi32, #tpu.memory_space<vmem>> -> memref<128xi32, #tpu.memory_space<vmem>>
        %dma_start3A_67 = tpu.memref_slice %arg3[%add3A_60] : memref<278528xi32, #tpu.memory_space<hbm>> -> memref<128xi32, #tpu.memory_space<hbm>>
        tpu.enqueue_dma source(%dma_start3A_67 : memref<128xi32, #tpu.memory_space<hbm>>) target(%dma_start3A_66 : memref<128xi32, #tpu.memory_space<vmem>>) target_semaphore(%run_scoped3A : memref<!tpu.dma_semaphore, #tpu.memory_space<semaphore_mem>>)
        %dma_wait3A = arith.constant 0 : i32
        %dma_wait3A_68 = tpu.memref_slice %arg7[%scan3A_53, %dma_wait3A] : memref<34x128xi32, #tpu.memory_space<vmem>> -> memref<1x128xi32, #tpu.memory_space<vmem>>
        %dma_wait3A_69 = tpu.memref_squeeze %dma_wait3A_68 : memref<1x128xi32, #tpu.memory_space<vmem>> -> memref<128xi32, #tpu.memory_space<vmem>>
        %dma_wait3A_70 = tpu.memref_slice %arg3[%add3A_60] : memref<278528xi32, #tpu.memory_space<hbm>> -> memref<128xi32, #tpu.memory_space<hbm>>
        %dma_wait3A_71 = arith.constant 0 : i32
        %dma_wait3A_72 = tpu.memref_slice %arg7[%scan3A_53, %dma_wait3A_71] : memref<34x128xi32, #tpu.memory_space<vmem>> -> memref<1x128xi32, #tpu.memory_space<vmem>>
        %dma_wait3A_73 = tpu.memref_squeeze %dma_wait3A_72 : memref<1x128xi32, #tpu.memory_space<vmem>> -> memref<128xi32, #tpu.memory_space<vmem>>
        %dma_wait3A_74 = tpu.memref_slice %arg3[%add3A_60] : memref<278528xi32, #tpu.memory_space<hbm>> -> memref<128xi32, #tpu.memory_space<hbm>>
        tpu.wait_dma2 semaphore(%run_scoped3A : memref<!tpu.dma_semaphore, #tpu.memory_space<semaphore_mem>>) src(%dma_wait3A_74 : memref<128xi32, #tpu.memory_space<hbm>>) dst(%dma_wait3A_73 : memref<128xi32, #tpu.memory_space<vmem>>)
        tpu.yield
      }) : () -> ()
      "tpu.region"() ({
        %run_scoped3A = tpu.sem_alloc : memref<!tpu.dma_semaphore, #tpu.memory_space<semaphore_mem>>
        %dma_start3A = arith.constant 0 : i32
        %dma_start3A_61 = tpu.memref_slice %arg2[%add3A_58, %dma_start3A] : memref<139264x128xf32, #tpu.memory_space<hbm>> -> memref<128x128xf32, #tpu.memory_space<hbm>>
        %dma_start3A_62 = arith.constant 0 : i32
        %dma_start3A_63 = tpu.memref_slice %arg2[%add3A_58, %dma_start3A_62] : memref<139264x128xf32, #tpu.memory_space<hbm>> -> memref<128x128xf32, #tpu.memory_space<hbm>>
        tpu.enqueue_dma source(%dma_start3A_63 : memref<128x128xf32, #tpu.memory_space<hbm>>) target(%arg6 : memref<128x128xf32, #tpu.memory_space<vmem>>) target_semaphore(%run_scoped3A : memref<!tpu.dma_semaphore, #tpu.memory_space<semaphore_mem>>)
        %dma_wait3A = arith.constant 0 : i32
        %dma_wait3A_64 = tpu.memref_slice %arg2[%add3A_58, %dma_wait3A] : memref<139264x128xf32, #tpu.memory_space<hbm>> -> memref<128x128xf32, #tpu.memory_space<hbm>>
        %dma_wait3A_65 = arith.constant 0 : i32
        %dma_wait3A_66 = tpu.memref_slice %arg2[%add3A_58, %dma_wait3A_65] : memref<139264x128xf32, #tpu.memory_space<hbm>> -> memref<128x128xf32, #tpu.memory_space<hbm>>
        tpu.wait_dma2 semaphore(%run_scoped3A : memref<!tpu.dma_semaphore, #tpu.memory_space<semaphore_mem>>) src(%dma_wait3A_66 : memref<128x128xf32, #tpu.memory_space<hbm>>) dst(%arg6 : memref<128x128xf32, #tpu.memory_space<vmem>>)
        tpu.yield
      }) : () -> ()
      "tpu.region"() ({
        %run_scoped3A = tpu.sem_alloc : memref<!tpu.dma_semaphore, #tpu.memory_space<semaphore_mem>>
        %dma_start3A = arith.constant 0 : i32
        %dma_start3A_61 = tpu.memref_slice %arg7[%scan3A_53, %dma_start3A] : memref<34x128xi32, #tpu.memory_space<vmem>> -> memref<1x128xi32, #tpu.memory_space<vmem>>
        %dma_start3A_62 = tpu.memref_squeeze %dma_start3A_61 : memref<1x128xi32, #tpu.memory_space<vmem>> -> memref<128xi32, #tpu.memory_space<vmem>>
        %dma_start3A_63 = arith.constant 0 : i32
        %dma_start3A_64 = arith.constant 0 : i32
        %dma_start3A_65 = tpu.memref_slice %arg5[%dma_start3A_63, %dma_start3A_64] : memref<10240x128xf32, #tpu.memory_space<vmem_shared>> -> memref<10240x128xf32, #tpu.memory_space<vmem_shared>>
        tpu.enqueue_indirect_dma source(%arg6 : memref<128x128xf32, #tpu.memory_space<vmem>>) target(%dma_start3A_65 : memref<10240x128xf32, #tpu.memory_space<vmem_shared>>) offsets(%dma_start3A_62 : memref<128xi32, #tpu.memory_space<vmem>>) semaphore(%run_scoped3A : memref<!tpu.dma_semaphore, #tpu.memory_space<semaphore_mem>>) {add = true}
        %dma_wait3A = arith.constant 0 : i32
        %dma_wait3A_66 = tpu.memref_slice %arg7[%scan3A_53, %dma_wait3A] : memref<34x128xi32, #tpu.memory_space<vmem>> -> memref<1x128xi32, #tpu.memory_space<vmem>>
        %dma_wait3A_67 = tpu.memref_squeeze %dma_wait3A_66 : memref<1x128xi32, #tpu.memory_space<vmem>> -> memref<128xi32, #tpu.memory_space<vmem>>
        %dma_wait3A_68 = arith.constant 0 : i32
        %dma_wait3A_69 = arith.constant 0 : i32
        %dma_wait3A_70 = tpu.memref_slice %arg5[%dma_wait3A_68, %dma_wait3A_69] : memref<10240x128xf32, #tpu.memory_space<vmem_shared>> -> memref<10240x128xf32, #tpu.memory_space<vmem_shared>>
        tpu.wait_indirect_dma semaphore(%run_scoped3A : memref<!tpu.dma_semaphore, #tpu.memory_space<semaphore_mem>>) src(%arg6 : memref<128x128xf32, #tpu.memory_space<vmem>>) dst(%dma_wait3A_70 : memref<10240x128xf32, #tpu.memory_space<vmem_shared>>)
        tpu.yield
      }) : () -> ()
    }
    %scan3A_31 = arith.constant 34 : i32
    %barrier3A_32 = arith.constant 0 : index
    tpu.barrier barrier_id(%barrier3A_32)
    %mul3A_33 = arith.constant 640 : i32
    %mul3A_34 = arith.muli %arg1, %mul3A_33 : i32
    %add3A_35 = arith.constant 0 : i32
    %add3A_36 = arith.addi %mul3A_34, %add3A_35 : i32
    "tpu.region"() ({
      %run_scoped3A = tpu.sem_alloc : memref<!tpu.dma_semaphore, #tpu.memory_space<semaphore_mem>>
      %dma_start3A = arith.constant 0 : i32
      %dma_start3A_53 = tpu.memref_slice %arg4[%arg0, %add3A_36, %dma_start3A] : memref<2x10240x128xf32, #tpu.memory_space<hbm>> -> memref<1x128x128xf32, #tpu.memory_space<hbm>>
      %dma_start3A_54 = tpu.memref_squeeze %dma_start3A_53 : memref<1x128x128xf32, #tpu.memory_space<hbm>> -> memref<128x128xf32, #tpu.memory_space<hbm>>
      %dma_start3A_55 = arith.constant 0 : i32
      %dma_start3A_56 = tpu.memref_slice %arg5[%add3A_36, %dma_start3A_55] : memref<10240x128xf32, #tpu.memory_space<vmem_shared>> -> memref<128x128xf32, #tpu.memory_space<vmem_shared>>
      tpu.enqueue_dma source(%dma_start3A_56 : memref<128x128xf32, #tpu.memory_space<vmem_shared>>) target(%dma_start3A_54 : memref<128x128xf32, #tpu.memory_space<hbm>>) target_semaphore(%run_scoped3A : memref<!tpu.dma_semaphore, #tpu.memory_space<semaphore_mem>>)
      %dma_wait3A = arith.constant 0 : i32
      %dma_wait3A_57 = tpu.memref_slice %arg4[%arg0, %add3A_36, %dma_wait3A] : memref<2x10240x128xf32, #tpu.memory_space<hbm>> -> memref<1x128x128xf32, #tpu.memory_space<hbm>>
      %dma_wait3A_58 = tpu.memref_squeeze %dma_wait3A_57 : memref<1x128x128xf32, #tpu.memory_space<hbm>> -> memref<128x128xf32, #tpu.memory_space<hbm>>
      %dma_wait3A_59 = arith.constant 0 : i32
      %dma_wait3A_60 = tpu.memref_slice %arg5[%add3A_36, %dma_wait3A_59] : memref<10240x128xf32, #tpu.memory_space<vmem_shared>> -> memref<128x128xf32, #tpu.memory_space<vmem_shared>>
      tpu.wait_dma2 semaphore(%run_scoped3A : memref<!tpu.dma_semaphore, #tpu.memory_space<semaphore_mem>>) src(%dma_wait3A_60 : memref<128x128xf32, #tpu.memory_space<vmem_shared>>) dst(%dma_wait3A_58 : memref<128x128xf32, #tpu.memory_space<hbm>>)
      tpu.yield
    }) : () -> ()
    %mul3A_37 = arith.constant 640 : i32
    %mul3A_38 = arith.muli %arg1, %mul3A_37 : i32
    %add3A_39 = arith.constant 128 : i32
    %add3A_40 = arith.addi %mul3A_38, %add3A_39 : i32
    "tpu.region"() ({
      %run_scoped3A = tpu.sem_alloc : memref<!tpu.dma_semaphore, #tpu.memory_space<semaphore_mem>>
      %dma_start3A = arith.constant 0 : i32
      %dma_start3A_53 = tpu.memref_slice %arg4[%arg0, %add3A_40, %dma_start3A] : memref<2x10240x128xf32, #tpu.memory_space<hbm>> -> memref<1x128x128xf32, #tpu.memory_space<hbm>>
      %dma_start3A_54 = tpu.memref_squeeze %dma_start3A_53 : memref<1x128x128xf32, #tpu.memory_space<hbm>> -> memref<128x128xf32, #tpu.memory_space<hbm>>
      %dma_start3A_55 = arith.constant 0 : i32
      %dma_start3A_56 = tpu.memref_slice %arg5[%add3A_40, %dma_start3A_55] : memref<10240x128xf32, #tpu.memory_space<vmem_shared>> -> memref<128x128xf32, #tpu.memory_space<vmem_shared>>
      tpu.enqueue_dma source(%dma_start3A_56 : memref<128x128xf32, #tpu.memory_space<vmem_shared>>) target(%dma_start3A_54 : memref<128x128xf32, #tpu.memory_space<hbm>>) target_semaphore(%run_scoped3A : memref<!tpu.dma_semaphore, #tpu.memory_space<semaphore_mem>>)
      %dma_wait3A = arith.constant 0 : i32
      %dma_wait3A_57 = tpu.memref_slice %arg4[%arg0, %add3A_40, %dma_wait3A] : memref<2x10240x128xf32, #tpu.memory_space<hbm>> -> memref<1x128x128xf32, #tpu.memory_space<hbm>>
      %dma_wait3A_58 = tpu.memref_squeeze %dma_wait3A_57 : memref<1x128x128xf32, #tpu.memory_space<hbm>> -> memref<128x128xf32, #tpu.memory_space<hbm>>
      %dma_wait3A_59 = arith.constant 0 : i32
      %dma_wait3A_60 = tpu.memref_slice %arg5[%add3A_40, %dma_wait3A_59] : memref<10240x128xf32, #tpu.memory_space<vmem_shared>> -> memref<128x128xf32, #tpu.memory_space<vmem_shared>>
      tpu.wait_dma2 semaphore(%run_scoped3A : memref<!tpu.dma_semaphore, #tpu.memory_space<semaphore_mem>>) src(%dma_wait3A_60 : memref<128x128xf32, #tpu.memory_space<vmem_shared>>) dst(%dma_wait3A_58 : memref<128x128xf32, #tpu.memory_space<hbm>>)
      tpu.yield
    }) : () -> ()
    %mul3A_41 = arith.constant 640 : i32
    %mul3A_42 = arith.muli %arg1, %mul3A_41 : i32
    %add3A_43 = arith.constant 256 : i32
    %add3A_44 = arith.addi %mul3A_42, %add3A_43 : i32
    "tpu.region"() ({
      %run_scoped3A = tpu.sem_alloc : memref<!tpu.dma_semaphore, #tpu.memory_space<semaphore_mem>>
      %dma_start3A = arith.constant 0 : i32
      %dma_start3A_53 = tpu.memref_slice %arg4[%arg0, %add3A_44, %dma_start3A] : memref<2x10240x128xf32, #tpu.memory_space<hbm>> -> memref<1x128x128xf32, #tpu.memory_space<hbm>>
      %dma_start3A_54 = tpu.memref_squeeze %dma_start3A_53 : memref<1x128x128xf32, #tpu.memory_space<hbm>> -> memref<128x128xf32, #tpu.memory_space<hbm>>
      %dma_start3A_55 = arith.constant 0 : i32
      %dma_start3A_56 = tpu.memref_slice %arg5[%add3A_44, %dma_start3A_55] : memref<10240x128xf32, #tpu.memory_space<vmem_shared>> -> memref<128x128xf32, #tpu.memory_space<vmem_shared>>
      tpu.enqueue_dma source(%dma_start3A_56 : memref<128x128xf32, #tpu.memory_space<vmem_shared>>) target(%dma_start3A_54 : memref<128x128xf32, #tpu.memory_space<hbm>>) target_semaphore(%run_scoped3A : memref<!tpu.dma_semaphore, #tpu.memory_space<semaphore_mem>>)
      %dma_wait3A = arith.constant 0 : i32
      %dma_wait3A_57 = tpu.memref_slice %arg4[%arg0, %add3A_44, %dma_wait3A] : memref<2x10240x128xf32, #tpu.memory_space<hbm>> -> memref<1x128x128xf32, #tpu.memory_space<hbm>>
      %dma_wait3A_58 = tpu.memref_squeeze %dma_wait3A_57 : memref<1x128x128xf32, #tpu.memory_space<hbm>> -> memref<128x128xf32, #tpu.memory_space<hbm>>
      %dma_wait3A_59 = arith.constant 0 : i32
      %dma_wait3A_60 = tpu.memref_slice %arg5[%add3A_44, %dma_wait3A_59] : memref<10240x128xf32, #tpu.memory_space<vmem_shared>> -> memref<128x128xf32, #tpu.memory_space<vmem_shared>>
      tpu.wait_dma2 semaphore(%run_scoped3A : memref<!tpu.dma_semaphore, #tpu.memory_space<semaphore_mem>>) src(%dma_wait3A_60 : memref<128x128xf32, #tpu.memory_space<vmem_shared>>) dst(%dma_wait3A_58 : memref<128x128xf32, #tpu.memory_space<hbm>>)
      tpu.yield
    }) : () -> ()
    %mul3A_45 = arith.constant 640 : i32
    %mul3A_46 = arith.muli %arg1, %mul3A_45 : i32
    %add3A_47 = arith.constant 384 : i32
    %add3A_48 = arith.addi %mul3A_46, %add3A_47 : i32
    "tpu.region"() ({
      %run_scoped3A = tpu.sem_alloc : memref<!tpu.dma_semaphore, #tpu.memory_space<semaphore_mem>>
      %dma_start3A = arith.constant 0 : i32
      %dma_start3A_53 = tpu.memref_slice %arg4[%arg0, %add3A_48, %dma_start3A] : memref<2x10240x128xf32, #tpu.memory_space<hbm>> -> memref<1x128x128xf32, #tpu.memory_space<hbm>>
      %dma_start3A_54 = tpu.memref_squeeze %dma_start3A_53 : memref<1x128x128xf32, #tpu.memory_space<hbm>> -> memref<128x128xf32, #tpu.memory_space<hbm>>
      %dma_start3A_55 = arith.constant 0 : i32
      %dma_start3A_56 = tpu.memref_slice %arg5[%add3A_48, %dma_start3A_55] : memref<10240x128xf32, #tpu.memory_space<vmem_shared>> -> memref<128x128xf32, #tpu.memory_space<vmem_shared>>
      tpu.enqueue_dma source(%dma_start3A_56 : memref<128x128xf32, #tpu.memory_space<vmem_shared>>) target(%dma_start3A_54 : memref<128x128xf32, #tpu.memory_space<hbm>>) target_semaphore(%run_scoped3A : memref<!tpu.dma_semaphore, #tpu.memory_space<semaphore_mem>>)
      %dma_wait3A = arith.constant 0 : i32
      %dma_wait3A_57 = tpu.memref_slice %arg4[%arg0, %add3A_48, %dma_wait3A] : memref<2x10240x128xf32, #tpu.memory_space<hbm>> -> memref<1x128x128xf32, #tpu.memory_space<hbm>>
      %dma_wait3A_58 = tpu.memref_squeeze %dma_wait3A_57 : memref<1x128x128xf32, #tpu.memory_space<hbm>> -> memref<128x128xf32, #tpu.memory_space<hbm>>
      %dma_wait3A_59 = arith.constant 0 : i32
      %dma_wait3A_60 = tpu.memref_slice %arg5[%add3A_48, %dma_wait3A_59] : memref<10240x128xf32, #tpu.memory_space<vmem_shared>> -> memref<128x128xf32, #tpu.memory_space<vmem_shared>>
      tpu.wait_dma2 semaphore(%run_scoped3A : memref<!tpu.dma_semaphore, #tpu.memory_space<semaphore_mem>>) src(%dma_wait3A_60 : memref<128x128xf32, #tpu.memory_space<vmem_shared>>) dst(%dma_wait3A_58 : memref<128x128xf32, #tpu.memory_space<hbm>>)
      tpu.yield
    }) : () -> ()
    %mul3A_49 = arith.constant 640 : i32
    %mul3A_50 = arith.muli %arg1, %mul3A_49 : i32
    %add3A_51 = arith.constant 512 : i32
    %add3A_52 = arith.addi %mul3A_50, %add3A_51 : i32
    "tpu.region"() ({
      %run_scoped3A = tpu.sem_alloc : memref<!tpu.dma_semaphore, #tpu.memory_space<semaphore_mem>>
      %dma_start3A = arith.constant 0 : i32
      %dma_start3A_53 = tpu.memref_slice %arg4[%arg0, %add3A_52, %dma_start3A] : memref<2x10240x128xf32, #tpu.memory_space<hbm>> -> memref<1x128x128xf32, #tpu.memory_space<hbm>>
      %dma_start3A_54 = tpu.memref_squeeze %dma_start3A_53 : memref<1x128x128xf32, #tpu.memory_space<hbm>> -> memref<128x128xf32, #tpu.memory_space<hbm>>
      %dma_start3A_55 = arith.constant 0 : i32
      %dma_start3A_56 = tpu.memref_slice %arg5[%add3A_52, %dma_start3A_55] : memref<10240x128xf32, #tpu.memory_space<vmem_shared>> -> memref<128x128xf32, #tpu.memory_space<vmem_shared>>
      tpu.enqueue_dma source(%dma_start3A_56 : memref<128x128xf32, #tpu.memory_space<vmem_shared>>) target(%dma_start3A_54 : memref<128x128xf32, #tpu.memory_space<hbm>>) target_semaphore(%run_scoped3A : memref<!tpu.dma_semaphore, #tpu.memory_space<semaphore_mem>>)
      %dma_wait3A = arith.constant 0 : i32
      %dma_wait3A_57 = tpu.memref_slice %arg4[%arg0, %add3A_52, %dma_wait3A] : memref<2x10240x128xf32, #tpu.memory_space<hbm>> -> memref<1x128x128xf32, #tpu.memory_space<hbm>>
      %dma_wait3A_58 = tpu.memref_squeeze %dma_wait3A_57 : memref<1x128x128xf32, #tpu.memory_space<hbm>> -> memref<128x128xf32, #tpu.memory_space<hbm>>
      %dma_wait3A_59 = arith.constant 0 : i32
      %dma_wait3A_60 = tpu.memref_slice %arg5[%add3A_52, %dma_wait3A_59] : memref<10240x128xf32, #tpu.memory_space<vmem_shared>> -> memref<128x128xf32, #tpu.memory_space<vmem_shared>>
      tpu.wait_dma2 semaphore(%run_scoped3A : memref<!tpu.dma_semaphore, #tpu.memory_space<semaphore_mem>>) src(%dma_wait3A_60 : memref<128x128xf32, #tpu.memory_space<vmem_shared>>) dst(%dma_wait3A_58 : memref<128x128xf32, #tpu.memory_space<hbm>>)
      tpu.yield
    }) : () -> ()
    return
  }
}

#map = affine_map<(d0, d1) -> (0, 0)>
#map1 = affine_map<(d0, d1) -> (0)>
#map2 = affine_map<(d0, d1) -> (0, 0, 0)>
module attributes {stable_mosaic.version = 14 : i64} {
  func.func @scatter_kernel(%arg0: i32, %arg1: i32, %arg2: memref<139264x128xf32, #tpu.memory_space<hbm>>, %arg3: memref<278528xi32, #tpu.memory_space<hbm>>, %arg4: memref<2x10240x128xf32, #tpu.memory_space<hbm>>, %arg5: memref<10240x128xf32, #tpu.memory_space<vmem_shared>>, %arg6: memref<128x128xf32, #tpu.memory_space<vmem>>, %arg7: memref<34x128xi32, #tpu.memory_space<vmem>>) attributes {dimension_semantics = [#tpu.dimension_semantics<core_parallel>, #tpu.dimension_semantics<subcore_parallel>], iteration_bounds = array<i64: 2, 16>, scalar_prefetch = 0 : i64, scratch_operands = 3 : i64, tpu.core_type = #tpu.core_type<sc_vector_subcore>, window_params = [{transform_indices = #map}, {transform_indices = #map1}, {transform_indices = #map2}]} {
    %mul3A = arith.constant 16 : i32
    %mul3A_0 = arith.muli %arg0, %mul3A : i32
    %add3A = arith.addi %mul3A_0, %arg1 : i32
    %scan3A = arith.constant 0 : i32
    %scan3A_1 = arith.constant 0 : i32
    %scan3A_2 = arith.constant 128 : i32
    %scan3A_3 = arith.addi %scan3A_1, %scan3A_2 : i32
    %scan3A_4 = arith.constant 1 : i32
    scf.for %scan3A_53 = %scan3A_1 to %scan3A_3 step %scan3A_4  : i32 {
      %broadcast_in_dim3A = arith.constant 0.000000e+00 : f32
      %broadcast_in_dim3A_54 = vector.broadcast %broadcast_in_dim3A : f32 to vector<16xf32>
      %swap3A = arith.index_cast %scan3A_53 : i32 to index
      %swap3A_55 = arith.constant 0 : index
      %swap3A_56 = tpu.vector_load %arg6[%swap3A, %swap3A_55] {strides = array<i32>} : memref<128x128xf32, #tpu.memory_space<vmem>>, vector<16xf32>,
      tpu.vector_store %arg6[%swap3A, %swap3A_55], %broadcast_in_dim3A_54 {strides = array<i32>} : memref<128x128xf32, #tpu.memory_space<vmem>>, vector<16xf32>,
      %broadcast_in_dim3A_57 = arith.constant 0.000000e+00 : f32
      %broadcast_in_dim3A_58 = vector.broadcast %broadcast_in_dim3A_57 : f32 to vector<16xf32>
      %swap3A_59 = arith.index_cast %scan3A_53 : i32 to index
      %swap3A_60 = arith.constant 16 : index
      %swap3A_61 = tpu.vector_load %arg6[%swap3A_59, %swap3A_60] {strides = array<i32>} : memref<128x128xf32, #tpu.memory_space<vmem>>, vector<16xf32>,
      tpu.vector_store %arg6[%swap3A_59, %swap3A_60], %broadcast_in_dim3A_58 {strides = array<i32>} : memref<128x128xf32, #tpu.memory_space<vmem>>, vector<16xf32>,
      %broadcast_in_dim3A_62 = arith.constant 0.000000e+00 : f32
      %broadcast_in_dim3A_63 = vector.broadcast %broadcast_in_dim3A_62 : f32 to vector<16xf32>
      %swap3A_64 = arith.index_cast %scan3A_53 : i32 to index
      %swap3A_65 = arith.constant 32 : index
      %swap3A_66 = tpu.vector_load %arg6[%swap3A_64, %swap3A_65] {strides = array<i32>} : memref<128x128xf32, #tpu.memory_space<vmem>>, vector<16xf32>,
      tpu.vector_store %arg6[%swap3A_64, %swap3A_65], %broadcast_in_dim3A_63 {strides = array<i32>} : memref<128x128xf32, #tpu.memory_space<vmem>>, vector<16xf32>,
      %broadcast_in_dim3A_67 = arith.constant 0.000000e+00 : f32
      %broadcast_in_dim3A_68 = vector.broadcast %broadcast_in_dim3A_67 : f32 to vector<16xf32>
      %swap3A_69 = arith.index_cast %scan3A_53 : i32 to index
      %swap3A_70 = arith.constant 48 : index
      %swap3A_71 = tpu.vector_load %arg6[%swap3A_69, %swap3A_70] {strides = array<i32>} : memref<128x128xf32, #tpu.memory_space<vmem>>, vector<16xf32>,
      tpu.vector_store %arg6[%swap3A_69, %swap3A_70], %broadcast_in_dim3A_68 {strides = array<i32>} : memref<128x128xf32, #tpu.memory_space<vmem>>, vector<16xf32>,
      %broadcast_in_dim3A_72 = arith.constant 0.000000e+00 : f32
      %broadcast_in_dim3A_73 = vector.broadcast %broadcast_in_dim3A_72 : f32 to vector<16xf32>
      %swap3A_74 = arith.index_cast %scan3A_53 : i32 to index
      %swap3A_75 = arith.constant 64 : index
      %swap3A_76 = tpu.vector_load %arg6[%swap3A_74, %swap3A_75] {strides = array<i32>} : memref<128x128xf32, #tpu.memory_space<vmem>>, vector<16xf32>,
      tpu.vector_store %arg6[%swap3A_74, %swap3A_75], %broadcast_in_dim3A_73 {strides = array<i32>} : memref<128x128xf32, #tpu.memory_space<vmem>>, vector<16xf32>,
      %broadcast_in_dim3A_77 = arith.constant 0.000000e+00 : f32
      %broadcast_in_dim3A_78 = vector.broadcast %broadcast_in_dim3A_77 : f32 to vector<16xf32>
      %swap3A_79 = arith.index_cast %scan3A_53 : i32 to index
      %swap3A_80 = arith.constant 80 : index
      %swap3A_81 = tpu.vector_load %arg6[%swap3A_79, %swap3A_80] {strides = array<i32>} : memref<128x128xf32, #tpu.memory_space<vmem>>, vector<16xf32>,
      tpu.vector_store %arg6[%swap3A_79, %swap3A_80], %broadcast_in_dim3A_78 {strides = array<i32>} : memref<128x128xf32, #tpu.memory_space<vmem>>, vector<16xf32>,
      %broadcast_in_dim3A_82 = arith.constant 0.000000e+00 : f32
      %broadcast_in_dim3A_83 = vector.broadcast %broadcast_in_dim3A_82 : f32 to vector<16xf32>
      %swap3A_84 = arith.index_cast %scan3A_53 : i32 to index
      %swap3A_85 = arith.constant 96 : index
      %swap3A_86 = tpu.vector_load %arg6[%swap3A_84, %swap3A_85] {strides = array<i32>} : memref<128x128xf32, #tpu.memory_space<vmem>>, vector<16xf32>,
      tpu.vector_store %arg6[%swap3A_84, %swap3A_85], %broadcast_in_dim3A_83 {strides = array<i32>} : memref<128x128xf32, #tpu.memory_space<vmem>>, vector<16xf32>,
      %broadcast_in_dim3A_87 = arith.constant 0.000000e+00 : f32
      %broadcast_in_dim3A_88 = vector.broadcast %broadcast_in_dim3A_87 : f32 to vector<16xf32>
      %swap3A_89 = arith.index_cast %scan3A_53 : i32 to index
      %swap3A_90 = arith.constant 112 : index
      %swap3A_91 = tpu.vector_load %arg6[%swap3A_89, %swap3A_90] {strides = array<i32>} : memref<128x128xf32, #tpu.memory_space<vmem>>, vector<16xf32>,
      tpu.vector_store %arg6[%swap3A_89, %swap3A_90], %broadcast_in_dim3A_88 {strides = array<i32>} : memref<128x128xf32, #tpu.memory_space<vmem>>, vector<16xf32>,
    }
    %scan3A_5 = arith.constant 128 : i32
    %mul3A_6 = arith.constant 640 : i32
    %mul3A_7 = arith.muli %arg1, %mul3A_6 : i32
    %add3A_8 = arith.constant 0 : i32
    %add3A_9 = arith.addi %mul3A_7, %add3A_8 : i32
    "tpu.region"() ({
      %run_scoped3A = tpu.sem_alloc : memref<!tpu.dma_semaphore, #tpu.memory_space<semaphore_mem>>
      %dma_start3A = arith.constant 0 : i32
      %dma_start3A_53 = tpu.memref_slice %arg5[%add3A_9, %dma_start3A] : memref<10240x128xf32, #tpu.memory_space<vmem_shared>> -> memref<128x128xf32, #tpu.memory_space<vmem_shared>>
      %dma_start3A_54 = arith.constant 0 : i32
      %dma_start3A_55 = tpu.memref_slice %arg5[%add3A_9, %dma_start3A_54] : memref<10240x128xf32, #tpu.memory_space<vmem_shared>> -> memref<128x128xf32, #tpu.memory_space<vmem_shared>>
      tpu.enqueue_dma source(%arg6 : memref<128x128xf32, #tpu.memory_space<vmem>>) target(%dma_start3A_55 : memref<128x128xf32, #tpu.memory_space<vmem_shared>>) target_semaphore(%run_scoped3A : memref<!tpu.dma_semaphore, #tpu.memory_space<semaphore_mem>>)
      %dma_wait3A = arith.constant 0 : i32
      %dma_wait3A_56 = tpu.memref_slice %arg5[%add3A_9, %dma_wait3A] : memref<10240x128xf32, #tpu.memory_space<vmem_shared>> -> memref<128x128xf32, #tpu.memory_space<vmem_shared>>
      %dma_wait3A_57 = arith.constant 0 : i32
      %dma_wait3A_58 = tpu.memref_slice %arg5[%add3A_9, %dma_wait3A_57] : memref<10240x128xf32, #tpu.memory_space<vmem_shared>> -> memref<128x128xf32, #tpu.memory_space<vmem_shared>>
      tpu.wait_dma2 semaphore(%run_scoped3A : memref<!tpu.dma_semaphore, #tpu.memory_space<semaphore_mem>>) src(%arg6 : memref<128x128xf32, #tpu.memory_space<vmem>>) dst(%dma_wait3A_58 : memref<128x128xf32, #tpu.memory_space<vmem_shared>>)
      tpu.yield
    }) : () -> ()
    %mul3A_10 = arith.constant 640 : i32
    %mul3A_11 = arith.muli %arg1, %mul3A_10 : i32
    %add3A_12 = arith.constant 128 : i32
    %add3A_13 = arith.addi %mul3A_11, %add3A_12 : i32
    "tpu.region"() ({
      %run_scoped3A = tpu.sem_alloc : memref<!tpu.dma_semaphore, #tpu.memory_space<semaphore_mem>>
      %dma_start3A = arith.constant 0 : i32
      %dma_start3A_53 = tpu.memref_slice %arg5[%add3A_13, %dma_start3A] : memref<10240x128xf32, #tpu.memory_space<vmem_shared>> -> memref<128x128xf32, #tpu.memory_space<vmem_shared>>
      %dma_start3A_54 = arith.constant 0 : i32
      %dma_start3A_55 = tpu.memref_slice %arg5[%add3A_13, %dma_start3A_54] : memref<10240x128xf32, #tpu.memory_space<vmem_shared>> -> memref<128x128xf32, #tpu.memory_space<vmem_shared>>
      tpu.enqueue_dma source(%arg6 : memref<128x128xf32, #tpu.memory_space<vmem>>) target(%dma_start3A_55 : memref<128x128xf32, #tpu.memory_space<vmem_shared>>) target_semaphore(%run_scoped3A : memref<!tpu.dma_semaphore, #tpu.memory_space<semaphore_mem>>)
      %dma_wait3A = arith.constant 0 : i32
      %dma_wait3A_56 = tpu.memref_slice %arg5[%add3A_13, %dma_wait3A] : memref<10240x128xf32, #tpu.memory_space<vmem_shared>> -> memref<128x128xf32, #tpu.memory_space<vmem_shared>>
      %dma_wait3A_57 = arith.constant 0 : i32
      %dma_wait3A_58 = tpu.memref_slice %arg5[%add3A_13, %dma_wait3A_57] : memref<10240x128xf32, #tpu.memory_space<vmem_shared>> -> memref<128x128xf32, #tpu.memory_space<vmem_shared>>
      tpu.wait_dma2 semaphore(%run_scoped3A : memref<!tpu.dma_semaphore, #tpu.memory_space<semaphore_mem>>) src(%arg6 : memref<128x128xf32, #tpu.memory_space<vmem>>) dst(%dma_wait3A_58 : memref<128x128xf32, #tpu.memory_space<vmem_shared>>)
      tpu.yield
    }) : () -> ()
    %mul3A_14 = arith.constant 640 : i32
    %mul3A_15 = arith.muli %arg1, %mul3A_14 : i32
    %add3A_16 = arith.constant 256 : i32
    %add3A_17 = arith.addi %mul3A_15, %add3A_16 : i32
    "tpu.region"() ({
      %run_scoped3A = tpu.sem_alloc : memref<!tpu.dma_semaphore, #tpu.memory_space<semaphore_mem>>
      %dma_start3A = arith.constant 0 : i32
      %dma_start3A_53 = tpu.memref_slice %arg5[%add3A_17, %dma_start3A] : memref<10240x128xf32, #tpu.memory_space<vmem_shared>> -> memref<128x128xf32, #tpu.memory_space<vmem_shared>>
      %dma_start3A_54 = arith.constant 0 : i32
      %dma_start3A_55 = tpu.memref_slice %arg5[%add3A_17, %dma_start3A_54] : memref<10240x128xf32, #tpu.memory_space<vmem_shared>> -> memref<128x128xf32, #tpu.memory_space<vmem_shared>>
      tpu.enqueue_dma source(%arg6 : memref<128x128xf32, #tpu.memory_space<vmem>>) target(%dma_start3A_55 : memref<128x128xf32, #tpu.memory_space<vmem_shared>>) target_semaphore(%run_scoped3A : memref<!tpu.dma_semaphore, #tpu.memory_space<semaphore_mem>>)
      %dma_wait3A = arith.constant 0 : i32
      %dma_wait3A_56 = tpu.memref_slice %arg5[%add3A_17, %dma_wait3A] : memref<10240x128xf32, #tpu.memory_space<vmem_shared>> -> memref<128x128xf32, #tpu.memory_space<vmem_shared>>
      %dma_wait3A_57 = arith.constant 0 : i32
      %dma_wait3A_58 = tpu.memref_slice %arg5[%add3A_17, %dma_wait3A_57] : memref<10240x128xf32, #tpu.memory_space<vmem_shared>> -> memref<128x128xf32, #tpu.memory_space<vmem_shared>>
      tpu.wait_dma2 semaphore(%run_scoped3A : memref<!tpu.dma_semaphore, #tpu.memory_space<semaphore_mem>>) src(%arg6 : memref<128x128xf32, #tpu.memory_space<vmem>>) dst(%dma_wait3A_58 : memref<128x128xf32, #tpu.memory_space<vmem_shared>>)
      tpu.yield
    }) : () -> ()
    %mul3A_18 = arith.constant 640 : i32
    %mul3A_19 = arith.muli %arg1, %mul3A_18 : i32
    %add3A_20 = arith.constant 384 : i32
    %add3A_21 = arith.addi %mul3A_19, %add3A_20 : i32
    "tpu.region"() ({
      %run_scoped3A = tpu.sem_alloc : memref<!tpu.dma_semaphore, #tpu.memory_space<semaphore_mem>>
      %dma_start3A = arith.constant 0 : i32
      %dma_start3A_53 = tpu.memref_slice %arg5[%add3A_21, %dma_start3A] : memref<10240x128xf32, #tpu.memory_space<vmem_shared>> -> memref<128x128xf32, #tpu.memory_space<vmem_shared>>
      %dma_start3A_54 = arith.constant 0 : i32
      %dma_start3A_55 = tpu.memref_slice %arg5[%add3A_21, %dma_start3A_54] : memref<10240x128xf32, #tpu.memory_space<vmem_shared>> -> memref<128x128xf32, #tpu.memory_space<vmem_shared>>
      tpu.enqueue_dma source(%arg6 : memref<128x128xf32, #tpu.memory_space<vmem>>) target(%dma_start3A_55 : memref<128x128xf32, #tpu.memory_space<vmem_shared>>) target_semaphore(%run_scoped3A : memref<!tpu.dma_semaphore, #tpu.memory_space<semaphore_mem>>)
      %dma_wait3A = arith.constant 0 : i32
      %dma_wait3A_56 = tpu.memref_slice %arg5[%add3A_21, %dma_wait3A] : memref<10240x128xf32, #tpu.memory_space<vmem_shared>> -> memref<128x128xf32, #tpu.memory_space<vmem_shared>>
      %dma_wait3A_57 = arith.constant 0 : i32
      %dma_wait3A_58 = tpu.memref_slice %arg5[%add3A_21, %dma_wait3A_57] : memref<10240x128xf32, #tpu.memory_space<vmem_shared>> -> memref<128x128xf32, #tpu.memory_space<vmem_shared>>
      tpu.wait_dma2 semaphore(%run_scoped3A : memref<!tpu.dma_semaphore, #tpu.memory_space<semaphore_mem>>) src(%arg6 : memref<128x128xf32, #tpu.memory_space<vmem>>) dst(%dma_wait3A_58 : memref<128x128xf32, #tpu.memory_space<vmem_shared>>)
      tpu.yield
    }) : () -> ()
    %mul3A_22 = arith.constant 640 : i32
    %mul3A_23 = arith.muli %arg1, %mul3A_22 : i32
    %add3A_24 = arith.constant 512 : i32
    %add3A_25 = arith.addi %mul3A_23, %add3A_24 : i32
    "tpu.region"() ({
      %run_scoped3A = tpu.sem_alloc : memref<!tpu.dma_semaphore, #tpu.memory_space<semaphore_mem>>
      %dma_start3A = arith.constant 0 : i32
      %dma_start3A_53 = tpu.memref_slice %arg5[%add3A_25, %dma_start3A] : memref<10240x128xf32, #tpu.memory_space<vmem_shared>> -> memref<128x128xf32, #tpu.memory_space<vmem_shared>>
      %dma_start3A_54 = arith.constant 0 : i32
      %dma_start3A_55 = tpu.memref_slice %arg5[%add3A_25, %dma_start3A_54] : memref<10240x128xf32, #tpu.memory_space<vmem_shared>> -> memref<128x128xf32, #tpu.memory_space<vmem_shared>>
      tpu.enqueue_dma source(%arg6 : memref<128x128xf32, #tpu.memory_space<vmem>>) target(%dma_start3A_55 : memref<128x128xf32, #tpu.memory_space<vmem_shared>>) target_semaphore(%run_scoped3A : memref<!tpu.dma_semaphore, #tpu.memory_space<semaphore_mem>>)
      %dma_wait3A = arith.constant 0 : i32
      %dma_wait3A_56 = tpu.memref_slice %arg5[%add3A_25, %dma_wait3A] : memref<10240x128xf32, #tpu.memory_space<vmem_shared>> -> memref<128x128xf32, #tpu.memory_space<vmem_shared>>
      %dma_wait3A_57 = arith.constant 0 : i32
      %dma_wait3A_58 = tpu.memref_slice %arg5[%add3A_25, %dma_wait3A_57] : memref<10240x128xf32, #tpu.memory_space<vmem_shared>> -> memref<128x128xf32, #tpu.memory_space<vmem_shared>>
      tpu.wait_dma2 semaphore(%run_scoped3A : memref<!tpu.dma_semaphore, #tpu.memory_space<semaphore_mem>>) src(%arg6 : memref<128x128xf32, #tpu.memory_space<vmem>>) dst(%dma_wait3A_58 : memref<128x128xf32, #tpu.memory_space<vmem_shared>>)
      tpu.yield
    }) : () -> ()
    %barrier3A = arith.constant 0 : index
    tpu.barrier barrier_id(%barrier3A)
    %scan3A_26 = arith.constant 0 : i32
    %scan3A_27 = arith.constant 0 : i32
    %scan3A_28 = arith.constant 34 : i32
    %scan3A_29 = arith.addi %scan3A_27, %scan3A_28 : i32
    %scan3A_30 = arith.constant 1 : i32
    scf.for %scan3A_53 = %scan3A_27 to %scan3A_29 step %scan3A_30  : i32 {
      %mul3A_54 = arith.constant 4352 : i32
      %mul3A_55 = arith.muli %add3A, %mul3A_54 : i32
      %mul3A_56 = arith.constant 128 : i32
      %mul3A_57 = arith.muli %scan3A_53, %mul3A_56 : i32
      %add3A_58 = arith.addi %mul3A_55, %mul3A_57 : i32
      %add3A_59 = arith.constant 0 : i32
      %add3A_60 = arith.addi %add3A_59, %add3A_58 : i32
      "tpu.region"() ({
        %run_scoped3A = tpu.sem_alloc : memref<!tpu.dma_semaphore, #tpu.memory_space<semaphore_mem>>
        %dma_start3A = arith.constant 0 : i32
        %dma_start3A_61 = tpu.memref_slice %arg7[%scan3A_53, %dma_start3A] : memref<34x128xi32, #tpu.memory_space<vmem>> -> memref<1x128xi32, #tpu.memory_space<vmem>>
        %dma_start3A_62 = tpu.memref_squeeze %dma_start3A_61 : memref<1x128xi32, #tpu.memory_space<vmem>> -> memref<128xi32, #tpu.memory_space<vmem>>
        %dma_start3A_63 = tpu.memref_slice %arg3[%add3A_60] : memref<278528xi32, #tpu.memory_space<hbm>> -> memref<128xi32, #tpu.memory_space<hbm>>
        %dma_start3A_64 = arith.constant 0 : i32
        %dma_start3A_65 = tpu.memref_slice %arg7[%scan3A_53, %dma_start3A_64] : memref<34x128xi32, #tpu.memory_space<vmem>> -> memref<1x128xi32, #tpu.memory_space<vmem>>
        %dma_start3A_66 = tpu.memref_squeeze %dma_start3A_65 : memref<1x128xi32, #tpu.memory_space<vmem>> -> memref<128xi32, #tpu.memory_space<vmem>>
        %dma_start3A_67 = tpu.memref_slice %arg3[%add3A_60] : memref<278528xi32, #tpu.memory_space<hbm>> -> memref<128xi32, #tpu.memory_space<hbm>>
        tpu.enqueue_dma source(%dma_start3A_67 : memref<128xi32, #tpu.memory_space<hbm>>) target(%dma_start3A_66 : memref<128xi32, #tpu.memory_space<vmem>>) target_semaphore(%run_scoped3A : memref<!tpu.dma_semaphore, #tpu.memory_space<semaphore_mem>>)
        %dma_wait3A = arith.constant 0 : i32
        %dma_wait3A_68 = tpu.memref_slice %arg7[%scan3A_53, %dma_wait3A] : memref<34x128xi32, #tpu.memory_space<vmem>> -> memref<1x128xi32, #tpu.memory_space<vmem>>
        %dma_wait3A_69 = tpu.memref_squeeze %dma_wait3A_68 : memref<1x128xi32, #tpu.memory_space<vmem>> -> memref<128xi32, #tpu.memory_space<vmem>>
        %dma_wait3A_70 = tpu.memref_slice %arg3[%add3A_60] : memref<278528xi32, #tpu.memory_space<hbm>> -> memref<128xi32, #tpu.memory_space<hbm>>
        %dma_wait3A_71 = arith.constant 0 : i32
        %dma_wait3A_72 = tpu.memref_slice %arg7[%scan3A_53, %dma_wait3A_71] : memref<34x128xi32, #tpu.memory_space<vmem>> -> memref<1x128xi32, #tpu.memory_space<vmem>>
        %dma_wait3A_73 = tpu.memref_squeeze %dma_wait3A_72 : memref<1x128xi32, #tpu.memory_space<vmem>> -> memref<128xi32, #tpu.memory_space<vmem>>
        %dma_wait3A_74 = tpu.memref_slice %arg3[%add3A_60] : memref<278528xi32, #tpu.memory_space<hbm>> -> memref<128xi32, #tpu.memory_space<hbm>>
        tpu.wait_dma2 semaphore(%run_scoped3A : memref<!tpu.dma_semaphore, #tpu.memory_space<semaphore_mem>>) src(%dma_wait3A_74 : memref<128xi32, #tpu.memory_space<hbm>>) dst(%dma_wait3A_73 : memref<128xi32, #tpu.memory_space<vmem>>)
        tpu.yield
      }) : () -> ()
      "tpu.region"() ({
        %run_scoped3A = tpu.sem_alloc : memref<!tpu.dma_semaphore, #tpu.memory_space<semaphore_mem>>
        %dma_start3A = arith.constant 0 : i32
        %dma_start3A_61 = tpu.memref_slice %arg2[%add3A_58, %dma_start3A] : memref<139264x128xf32, #tpu.memory_space<hbm>> -> memref<128x128xf32, #tpu.memory_space<hbm>>
        %dma_start3A_62 = arith.constant 0 : i32
        %dma_start3A_63 = tpu.memref_slice %arg2[%add3A_58, %dma_start3A_62] : memref<139264x128xf32, #tpu.memory_space<hbm>> -> memref<128x128xf32, #tpu.memory_space<hbm>>
        tpu.enqueue_dma source(%dma_start3A_63 : memref<128x128xf32, #tpu.memory_space<hbm>>) target(%arg6 : memref<128x128xf32, #tpu.memory_space<vmem>>) target_semaphore(%run_scoped3A : memref<!tpu.dma_semaphore, #tpu.memory_space<semaphore_mem>>)
        %dma_wait3A = arith.constant 0 : i32
        %dma_wait3A_64 = tpu.memref_slice %arg2[%add3A_58, %dma_wait3A] : memref<139264x128xf32, #tpu.memory_space<hbm>> -> memref<128x128xf32, #tpu.memory_space<hbm>>
        %dma_wait3A_65 = arith.constant 0 : i32
        %dma_wait3A_66 = tpu.memref_slice %arg2[%add3A_58, %dma_wait3A_65] : memref<139264x128xf32, #tpu.memory_space<hbm>> -> memref<128x128xf32, #tpu.memory_space<hbm>>
        tpu.wait_dma2 semaphore(%run_scoped3A : memref<!tpu.dma_semaphore, #tpu.memory_space<semaphore_mem>>) src(%dma_wait3A_66 : memref<128x128xf32, #tpu.memory_space<hbm>>) dst(%arg6 : memref<128x128xf32, #tpu.memory_space<vmem>>)
        tpu.yield
      }) : () -> ()
      "tpu.region"() ({
        %run_scoped3A = tpu.sem_alloc : memref<!tpu.dma_semaphore, #tpu.memory_space<semaphore_mem>>
        %dma_start3A = arith.constant 0 : i32
        %dma_start3A_61 = tpu.memref_slice %arg7[%scan3A_53, %dma_start3A] : memref<34x128xi32, #tpu.memory_space<vmem>> -> memref<1x128xi32, #tpu.memory_space<vmem>>
        %dma_start3A_62 = tpu.memref_squeeze %dma_start3A_61 : memref<1x128xi32, #tpu.memory_space<vmem>> -> memref<128xi32, #tpu.memory_space<vmem>>
        %dma_start3A_63 = arith.constant 0 : i32
        %dma_start3A_64 = arith.constant 0 : i32
        %dma_start3A_65 = tpu.memref_slice %arg5[%dma_start3A_63, %dma_start3A_64] : memref<10240x128xf32, #tpu.memory_space<vmem_shared>> -> memref<10240x128xf32, #tpu.memory_space<vmem_shared>>
        tpu.enqueue_indirect_dma source(%arg6 : memref<128x128xf32, #tpu.memory_space<vmem>>) target(%dma_start3A_65 : memref<10240x128xf32, #tpu.memory_space<vmem_shared>>) offsets(%dma_start3A_62 : memref<128xi32, #tpu.memory_space<vmem>>) semaphore(%run_scoped3A : memref<!tpu.dma_semaphore, #tpu.memory_space<semaphore_mem>>) {add = true}
        %dma_wait3A = arith.constant 0 : i32
        %dma_wait3A_66 = tpu.memref_slice %arg7[%scan3A_53, %dma_wait3A] : memref<34x128xi32, #tpu.memory_space<vmem>> -> memref<1x128xi32, #tpu.memory_space<vmem>>
        %dma_wait3A_67 = tpu.memref_squeeze %dma_wait3A_66 : memref<1x128xi32, #tpu.memory_space<vmem>> -> memref<128xi32, #tpu.memory_space<vmem>>
        %dma_wait3A_68 = arith.constant 0 : i32
        %dma_wait3A_69 = arith.constant 0 : i32
        %dma_wait3A_70 = tpu.memref_slice %arg5[%dma_wait3A_68, %dma_wait3A_69] : memref<10240x128xf32, #tpu.memory_space<vmem_shared>> -> memref<10240x128xf32, #tpu.memory_space<vmem_shared>>
        tpu.wait_indirect_dma semaphore(%run_scoped3A : memref<!tpu.dma_semaphore, #tpu.memory_space<semaphore_mem>>) src(%arg6 : memref<128x128xf32, #tpu.memory_space<vmem>>) dst(%dma_wait3A_70 : memref<10240x128xf32, #tpu.memory_space<vmem_shared>>)
        tpu.yield
      }) : () -> ()
    }
    %scan3A_31 = arith.constant 34 : i32
    %barrier3A_32 = arith.constant 0 : index
    tpu.barrier barrier_id(%barrier3A_32)
    %mul3A_33 = arith.constant 640 : i32
    %mul3A_34 = arith.muli %arg1, %mul3A_33 : i32
    %add3A_35 = arith.constant 0 : i32
    %add3A_36 = arith.addi %mul3A_34, %add3A_35 : i32
    "tpu.region"() ({
      %run_scoped3A = tpu.sem_alloc : memref<!tpu.dma_semaphore, #tpu.memory_space<semaphore_mem>>
      %dma_start3A = arith.constant 0 : i32
      %dma_start3A_53 = tpu.memref_slice %arg4[%arg0, %add3A_36, %dma_start3A] : memref<2x10240x128xf32, #tpu.memory_space<hbm>> -> memref<1x128x128xf32, #tpu.memory_space<hbm>>
      %dma_start3A_54 = tpu.memref_squeeze %dma_start3A_53 : memref<1x128x128xf32, #tpu.memory_space<hbm>> -> memref<128x128xf32, #tpu.memory_space<hbm>>
      %dma_start3A_55 = arith.constant 0 : i32
      %dma_start3A_56 = tpu.memref_slice %arg5[%add3A_36, %dma_start3A_55] : memref<10240x128xf32, #tpu.memory_space<vmem_shared>> -> memref<128x128xf32, #tpu.memory_space<vmem_shared>>
      tpu.enqueue_dma source(%dma_start3A_56 : memref<128x128xf32, #tpu.memory_space<vmem_shared>>) target(%dma_start3A_54 : memref<128x128xf32, #tpu.memory_space<hbm>>) target_semaphore(%run_scoped3A : memref<!tpu.dma_semaphore, #tpu.memory_space<semaphore_mem>>)
      %dma_wait3A = arith.constant 0 : i32
      %dma_wait3A_57 = tpu.memref_slice %arg4[%arg0, %add3A_36, %dma_wait3A] : memref<2x10240x128xf32, #tpu.memory_space<hbm>> -> memref<1x128x128xf32, #tpu.memory_space<hbm>>
      %dma_wait3A_58 = tpu.memref_squeeze %dma_wait3A_57 : memref<1x128x128xf32, #tpu.memory_space<hbm>> -> memref<128x128xf32, #tpu.memory_space<hbm>>
      %dma_wait3A_59 = arith.constant 0 : i32
      %dma_wait3A_60 = tpu.memref_slice %arg5[%add3A_36, %dma_wait3A_59] : memref<10240x128xf32, #tpu.memory_space<vmem_shared>> -> memref<128x128xf32, #tpu.memory_space<vmem_shared>>
      tpu.wait_dma2 semaphore(%run_scoped3A : memref<!tpu.dma_semaphore, #tpu.memory_space<semaphore_mem>>) src(%dma_wait3A_60 : memref<128x128xf32, #tpu.memory_space<vmem_shared>>) dst(%dma_wait3A_58 : memref<128x128xf32, #tpu.memory_space<hbm>>)
      tpu.yield
    }) : () -> ()
    %mul3A_37 = arith.constant 640 : i32
    %mul3A_38 = arith.muli %arg1, %mul3A_37 : i32
    %add3A_39 = arith.constant 128 : i32
    %add3A_40 = arith.addi %mul3A_38, %add3A_39 : i32
    "tpu.region"() ({
      %run_scoped3A = tpu.sem_alloc : memref<!tpu.dma_semaphore, #tpu.memory_space<semaphore_mem>>
      %dma_start3A = arith.constant 0 : i32
      %dma_start3A_53 = tpu.memref_slice %arg4[%arg0, %add3A_40, %dma_start3A] : memref<2x10240x128xf32, #tpu.memory_space<hbm>> -> memref<1x128x128xf32, #tpu.memory_space<hbm>>
      %dma_start3A_54 = tpu.memref_squeeze %dma_start3A_53 : memref<1x128x128xf32, #tpu.memory_space<hbm>> -> memref<128x128xf32, #tpu.memory_space<hbm>>
      %dma_start3A_55 = arith.constant 0 : i32
      %dma_start3A_56 = tpu.memref_slice %arg5[%add3A_40, %dma_start3A_55] : memref<10240x128xf32, #tpu.memory_space<vmem_shared>> -> memref<128x128xf32, #tpu.memory_space<vmem_shared>>
      tpu.enqueue_dma source(%dma_start3A_56 : memref<128x128xf32, #tpu.memory_space<vmem_shared>>) target(%dma_start3A_54 : memref<128x128xf32, #tpu.memory_space<hbm>>) target_semaphore(%run_scoped3A : memref<!tpu.dma_semaphore, #tpu.memory_space<semaphore_mem>>)
      %dma_wait3A = arith.constant 0 : i32
      %dma_wait3A_57 = tpu.memref_slice %arg4[%arg0, %add3A_40, %dma_wait3A] : memref<2x10240x128xf32, #tpu.memory_space<hbm>> -> memref<1x128x128xf32, #tpu.memory_space<hbm>>
      %dma_wait3A_58 = tpu.memref_squeeze %dma_wait3A_57 : memref<1x128x128xf32, #tpu.memory_space<hbm>> -> memref<128x128xf32, #tpu.memory_space<hbm>>
      %dma_wait3A_59 = arith.constant 0 : i32
      %dma_wait3A_60 = tpu.memref_slice %arg5[%add3A_40, %dma_wait3A_59] : memref<10240x128xf32, #tpu.memory_space<vmem_shared>> -> memref<128x128xf32, #tpu.memory_space<vmem_shared>>
      tpu.wait_dma2 semaphore(%run_scoped3A : memref<!tpu.dma_semaphore, #tpu.memory_space<semaphore_mem>>) src(%dma_wait3A_60 : memref<128x128xf32, #tpu.memory_space<vmem_shared>>) dst(%dma_wait3A_58 : memref<128x128xf32, #tpu.memory_space<hbm>>)
      tpu.yield
    }) : () -> ()
    %mul3A_41 = arith.constant 640 : i32
    %mul3A_42 = arith.muli %arg1, %mul3A_41 : i32
    %add3A_43 = arith.constant 256 : i32
    %add3A_44 = arith.addi %mul3A_42, %add3A_43 : i32
    "tpu.region"() ({
      %run_scoped3A = tpu.sem_alloc : memref<!tpu.dma_semaphore, #tpu.memory_space<semaphore_mem>>
      %dma_start3A = arith.constant 0 : i32
      %dma_start3A_53 = tpu.memref_slice %arg4[%arg0, %add3A_44, %dma_start3A] : memref<2x10240x128xf32, #tpu.memory_space<hbm>> -> memref<1x128x128xf32, #tpu.memory_space<hbm>>
      %dma_start3A_54 = tpu.memref_squeeze %dma_start3A_53 : memref<1x128x128xf32, #tpu.memory_space<hbm>> -> memref<128x128xf32, #tpu.memory_space<hbm>>
      %dma_start3A_55 = arith.constant 0 : i32
      %dma_start3A_56 = tpu.memref_slice %arg5[%add3A_44, %dma_start3A_55] : memref<10240x128xf32, #tpu.memory_space<vmem_shared>> -> memref<128x128xf32, #tpu.memory_space<vmem_shared>>
      tpu.enqueue_dma source(%dma_start3A_56 : memref<128x128xf32, #tpu.memory_space<vmem_shared>>) target(%dma_start3A_54 : memref<128x128xf32, #tpu.memory_space<hbm>>) target_semaphore(%run_scoped3A : memref<!tpu.dma_semaphore, #tpu.memory_space<semaphore_mem>>)
      %dma_wait3A = arith.constant 0 : i32
      %dma_wait3A_57 = tpu.memref_slice %arg4[%arg0, %add3A_44, %dma_wait3A] : memref<2x10240x128xf32, #tpu.memory_space<hbm>> -> memref<1x128x128xf32, #tpu.memory_space<hbm>>
      %dma_wait3A_58 = tpu.memref_squeeze %dma_wait3A_57 : memref<1x128x128xf32, #tpu.memory_space<hbm>> -> memref<128x128xf32, #tpu.memory_space<hbm>>
      %dma_wait3A_59 = arith.constant 0 : i32
      %dma_wait3A_60 = tpu.memref_slice %arg5[%add3A_44, %dma_wait3A_59] : memref<10240x128xf32, #tpu.memory_space<vmem_shared>> -> memref<128x128xf32, #tpu.memory_space<vmem_shared>>
      tpu.wait_dma2 semaphore(%run_scoped3A : memref<!tpu.dma_semaphore, #tpu.memory_space<semaphore_mem>>) src(%dma_wait3A_60 : memref<128x128xf32, #tpu.memory_space<vmem_shared>>) dst(%dma_wait3A_58 : memref<128x128xf32, #tpu.memory_space<hbm>>)
      tpu.yield
    }) : () -> ()
    %mul3A_45 = arith.constant 640 : i32
    %mul3A_46 = arith.muli %arg1, %mul3A_45 : i32
    %add3A_47 = arith.constant 384 : i32
    %add3A_48 = arith.addi %mul3A_46, %add3A_47 : i32
    "tpu.region"() ({
      %run_scoped3A = tpu.sem_alloc : memref<!tpu.dma_semaphore, #tpu.memory_space<semaphore_mem>>
      %dma_start3A = arith.constant 0 : i32
      %dma_start3A_53 = tpu.memref_slice %arg4[%arg0, %add3A_48, %dma_start3A] : memref<2x10240x128xf32, #tpu.memory_space<hbm>> -> memref<1x128x128xf32, #tpu.memory_space<hbm>>
      %dma_start3A_54 = tpu.memref_squeeze %dma_start3A_53 : memref<1x128x128xf32, #tpu.memory_space<hbm>> -> memref<128x128xf32, #tpu.memory_space<hbm>>
      %dma_start3A_55 = arith.constant 0 : i32
      %dma_start3A_56 = tpu.memref_slice %arg5[%add3A_48, %dma_start3A_55] : memref<10240x128xf32, #tpu.memory_space<vmem_shared>> -> memref<128x128xf32, #tpu.memory_space<vmem_shared>>
      tpu.enqueue_dma source(%dma_start3A_56 : memref<128x128xf32, #tpu.memory_space<vmem_shared>>) target(%dma_start3A_54 : memref<128x128xf32, #tpu.memory_space<hbm>>) target_semaphore(%run_scoped3A : memref<!tpu.dma_semaphore, #tpu.memory_space<semaphore_mem>>)
      %dma_wait3A = arith.constant 0 : i32
      %dma_wait3A_57 = tpu.memref_slice %arg4[%arg0, %add3A_48, %dma_wait3A] : memref<2x10240x128xf32, #tpu.memory_space<hbm>> -> memref<1x128x128xf32, #tpu.memory_space<hbm>>
      %dma_wait3A_58 = tpu.memref_squeeze %dma_wait3A_57 : memref<1x128x128xf32, #tpu.memory_space<hbm>> -> memref<128x128xf32, #tpu.memory_space<hbm>>
      %dma_wait3A_59 = arith.constant 0 : i32
      %dma_wait3A_60 = tpu.memref_slice %arg5[%add3A_48, %dma_wait3A_59] : memref<10240x128xf32, #tpu.memory_space<vmem_shared>> -> memref<128x128xf32, #tpu.memory_space<vmem_shared>>
      tpu.wait_dma2 semaphore(%run_scoped3A : memref<!tpu.dma_semaphore, #tpu.memory_space<semaphore_mem>>) src(%dma_wait3A_60 : memref<128x128xf32, #tpu.memory_space<vmem_shared>>) dst(%dma_wait3A_58 : memref<128x128xf32, #tpu.memory_space<hbm>>)
      tpu.yield
    }) : () -> ()
    %mul3A_49 = arith.constant 640 : i32
    %mul3A_50 = arith.muli %arg1, %mul3A_49 : i32
    %add3A_51 = arith.constant 512 : i32
    %add3A_52 = arith.addi %mul3A_50, %add3A_51 : i32
    "tpu.region"() ({
      %run_scoped3A = tpu.sem_alloc : memref<!tpu.dma_semaphore, #tpu.memory_space<semaphore_mem>>
      %dma_start3A = arith.constant 0 : i32
      %dma_start3A_53 = tpu.memref_slice %arg4[%arg0, %add3A_52, %dma_start3A] : memref<2x10240x128xf32, #tpu.memory_space<hbm>> -> memref<1x128x128xf32, #tpu.memory_space<hbm>>
      %dma_start3A_54 = tpu.memref_squeeze %dma_start3A_53 : memref<1x128x128xf32, #tpu.memory_space<hbm>> -> memref<128x128xf32, #tpu.memory_space<hbm>>
      %dma_start3A_55 = arith.constant 0 : i32
      %dma_start3A_56 = tpu.memref_slice %arg5[%add3A_52, %dma_start3A_55] : memref<10240x128xf32, #tpu.memory_space<vmem_shared>> -> memref<128x128xf32, #tpu.memory_space<vmem_shared>>
      tpu.enqueue_dma source(%dma_start3A_56 : memref<128x128xf32, #tpu.memory_space<vmem_shared>>) target(%dma_start3A_54 : memref<128x128xf32, #tpu.memory_space<hbm>>) target_semaphore(%run_scoped3A : memref<!tpu.dma_semaphore, #tpu.memory_space<semaphore_mem>>)
      %dma_wait3A = arith.constant 0 : i32
      %dma_wait3A_57 = tpu.memref_slice %arg4[%arg0, %add3A_52, %dma_wait3A] : memref<2x10240x128xf32, #tpu.memory_space<hbm>> -> memref<1x128x128xf32, #tpu.memory_space<hbm>>
      %dma_wait3A_58 = tpu.memref_squeeze %dma_wait3A_57 : memref<1x128x128xf32, #tpu.memory_space<hbm>> -> memref<128x128xf32, #tpu.memory_space<hbm>>
      %dma_wait3A_59 = arith.constant 0 : i32
      %dma_wait3A_60 = tpu.memref_slice %arg5[%add3A_52, %dma_wait3A_59] : memref<10240x128xf32, #tpu.memory_space<vmem_shared>> -> memref<128x128xf32, #tpu.memory_space<vmem_shared>>
      tpu.wait_dma2 semaphore(%run_scoped3A : memref<!tpu.dma_semaphore, #tpu.memory_space<semaphore_mem>>) src(%dma_wait3A_60 : memref<128x128xf32, #tpu.memory_space<vmem_shared>>) dst(%dma_wait3A_58 : memref<128x128xf32, #tpu.memory_space<hbm>>)
      tpu.yield
    }) : () -> ()
    return
  }
}

module attributes {stable_mosaic.version = 14 : i64} {
  func.func @_node_kernel(%arg0: i32, %arg1: memref<1024x3xf32, #tpu.memory_space<vmem>>, %arg2: memref<1024x3xf32, #tpu.memory_space<vmem>>, %arg3: memref<1024x128xf32, #tpu.memory_space<vmem>>, %arg4: memref<384x128xf32, #tpu.memory_space<vmem>>, %arg5: memref<1x128xf32, #tpu.memory_space<vmem>>, %arg6: memref<1024x128xi32, #tpu.memory_space<vmem>>, %arg7: memref<1024x128xf32, #tpu.memory_space<vmem>>) attributes {dimension_semantics = [#tpu.dimension_semantics<arbitrary>], iteration_bounds = array<i64: 10>, scalar_prefetch = 0 : i64, scratch_operands = 0 : i64, tpu.core_type = #tpu.core_type<tc>, window_params = [{transform_indices = @transform_0, window_bounds = array<i64: 1024, 3>}, {transform_indices = @transform_1, window_bounds = array<i64: 1024, 3>}, {transform_indices = @transform_2, window_bounds = array<i64: 1024, 128>}, {pipeline_mode = #tpu.pipeline_mode<synchronous>, transform_indices = @transform_3, window_bounds = array<i64: 384, 128>}, {pipeline_mode = #tpu.pipeline_mode<synchronous>, transform_indices = @transform_4, window_bounds = array<i64: 1, 128>}, {transform_indices = @transform_5, window_bounds = array<i64: 1024, 128>}, {transform_indices = @transform_6, window_bounds = array<i64: 1024, 128>}]} {
    %get3A = arith.constant 0 : index
    %get3A_0 = arith.constant 0 : index
    %get3A_1 = vector.load %arg1[%get3A, %get3A_0] : memref<1024x3xf32, #tpu.memory_space<vmem>>, vector<1024x3xf32>
    %iota3A = tpu.iota {dimensions = array<i32: 1>} : vector<1024x192xi32>
    %jit3A = arith.constant 64 : i32
    %eq3A = arith.constant 0 : i32
    %eq3A_2 = arith.cmpi eq, %jit3A, %eq3A : i32
    %jit3A_3 = arith.constant 1 : i32
    %select_n3A = arith.select %eq3A_2, %jit3A_3, %jit3A : i32
    %rem3A = vector.broadcast %select_n3A : i32 to vector<1024x192xi32>
    %rem3A_4 = arith.remsi %iota3A, %rem3A : vector<1024x192xi32>
    %ne3A = arith.constant 0 : i32
    %ne3A_5 = vector.broadcast %ne3A : i32 to vector<1024x192xi32>
    %ne3A_6 = arith.cmpi ne, %rem3A_4, %ne3A_5 : vector<1024x192xi32>
    %lt3A = arith.constant 0 : i32
    %lt3A_7 = vector.broadcast %lt3A : i32 to vector<1024x192xi32>
    %lt3A_8 = arith.cmpi slt, %rem3A_4, %lt3A_7 : vector<1024x192xi32>
    %lt3A_9 = arith.constant 0 : i32
    %lt3A_10 = arith.cmpi slt, %select_n3A, %lt3A_9 : i32
    %ne3A_11 = vector.broadcast %lt3A_10 : i1 to vector<1024x192xi1>
    %ne3A_12 = vector.broadcast %ne3A_11 : vector<1024x192xi1> to vector<1024x192xi1>
    %ne3A_13 = arith.xori %lt3A_8, %ne3A_12 : vector<1024x192xi1>
    %and3A = arith.andi %ne3A_13, %ne3A_6 : vector<1024x192xi1>
    %add3A = vector.broadcast %select_n3A : i32 to vector<1024x192xi32>
    %add3A_14 = arith.addi %rem3A_4, %add3A : vector<1024x192xi32>
    %select_n3A_15 = arith.select %and3A, %add3A_14, %rem3A_4 : vector<1024x192xi1>, vector<1024x192xi32>
    %jit3A_16 = arith.constant 2 : i32
    %div3A = vector.broadcast %jit3A_16 : i32 to vector<1024x192xi32>
    %div3A_17 = arith.divsi %select_n3A_15, %div3A : vector<1024x192xi32>
    %sign3A = arith.constant 0 : i32
    %sign3A_18 = vector.broadcast %sign3A : i32 to vector<1024x192xi32>
    %sign3A_19 = arith.cmpi sgt, %select_n3A_15, %sign3A_18 : vector<1024x192xi32>
    %sign3A_20 = arith.extui %sign3A_19 : vector<1024x192xi1> to vector<1024x192xi32>
    %sign3A_21 = arith.constant 0 : i32
    %sign3A_22 = vector.broadcast %sign3A_21 : i32 to vector<1024x192xi32>
    %sign3A_23 = arith.cmpi slt, %select_n3A_15, %sign3A_22 : vector<1024x192xi32>
    %sign3A_24 = arith.extui %sign3A_23 : vector<1024x192xi1> to vector<1024x192xi32>
    %sign3A_25 = arith.subi %sign3A_20, %sign3A_24 : vector<1024x192xi32>
    %sign3A_26 = arith.constant 0 : i32
    %sign3A_27 = arith.cmpi sgt, %jit3A_16, %sign3A_26 : i32
    %sign3A_28 = arith.extui %sign3A_27 : i1 to i32
    %sign3A_29 = arith.constant 0 : i32
    %sign3A_30 = arith.cmpi slt, %jit3A_16, %sign3A_29 : i32
    %sign3A_31 = arith.extui %sign3A_30 : i1 to i32
    %sign3A_32 = arith.subi %sign3A_28, %sign3A_31 : i32
    %ne3A_33 = vector.broadcast %sign3A_32 : i32 to vector<1024x192xi32>
    %ne3A_34 = arith.cmpi ne, %sign3A_25, %ne3A_33 : vector<1024x192xi32>
    %rem3A_35 = vector.broadcast %jit3A_16 : i32 to vector<1024x192xi32>
    %rem3A_36 = arith.remsi %select_n3A_15, %rem3A_35 : vector<1024x192xi32>
    %ne3A_37 = arith.constant 0 : i32
    %ne3A_38 = vector.broadcast %ne3A_37 : i32 to vector<1024x192xi32>
    %ne3A_39 = arith.cmpi ne, %rem3A_36, %ne3A_38 : vector<1024x192xi32>
    %and3A_40 = arith.andi %ne3A_34, %ne3A_39 : vector<1024x192xi1>
    %sub3A = arith.constant 1 : i32
    %sub3A_41 = vector.broadcast %sub3A : i32 to vector<1024x192xi32>
    %sub3A_42 = arith.subi %div3A_17, %sub3A_41 : vector<1024x192xi32>
    %select_n3A_43 = arith.select %and3A_40, %sub3A_42, %div3A_17 : vector<1024x192xi1>, vector<1024x192xi32>
    %convert_element_type3A = arith.sitofp %select_n3A_43 : vector<1024x192xi32> to vector<1024x192xf32>
    %log3A = arith.constant 1.000000e+04 : f32
    %log3A_44 = math.log %log3A : f32
    %neg3A = arith.constant 0.000000e+00 : f32
    %neg3A_45 = arith.subf %neg3A, %log3A_44 : f32
    %div3A_46 = arith.constant 3.200000e+01 : f32
    %div3A_47 = arith.divf %neg3A_45, %div3A_46 : f32
    %mul3A = vector.broadcast %div3A_47 : f32 to vector<1024x192xf32>
    %mul3A_48 = arith.mulf %convert_element_type3A, %mul3A : vector<1024x192xf32>
    %exp3A = math.exp %mul3A_48 : vector<1024x192xf32>
    %jit3A_49 = arith.constant 64 : i32
    %div3A_50 = vector.broadcast %jit3A_49 : i32 to vector<1024x192xi32>
    %div3A_51 = arith.divsi %iota3A, %div3A_50 : vector<1024x192xi32>
    %sign3A_52 = arith.constant 0 : i32
    %sign3A_53 = vector.broadcast %sign3A_52 : i32 to vector<1024x192xi32>
    %sign3A_54 = arith.cmpi sgt, %iota3A, %sign3A_53 : vector<1024x192xi32>
    %sign3A_55 = arith.extui %sign3A_54 : vector<1024x192xi1> to vector<1024x192xi32>
    %sign3A_56 = arith.constant 0 : i32
    %sign3A_57 = vector.broadcast %sign3A_56 : i32 to vector<1024x192xi32>
    %sign3A_58 = arith.cmpi slt, %iota3A, %sign3A_57 : vector<1024x192xi32>
    %sign3A_59 = arith.extui %sign3A_58 : vector<1024x192xi1> to vector<1024x192xi32>
    %sign3A_60 = arith.subi %sign3A_55, %sign3A_59 : vector<1024x192xi32>
    %sign3A_61 = arith.constant 0 : i32
    %sign3A_62 = arith.cmpi sgt, %jit3A_49, %sign3A_61 : i32
    %sign3A_63 = arith.extui %sign3A_62 : i1 to i32
    %sign3A_64 = arith.constant 0 : i32
    %sign3A_65 = arith.cmpi slt, %jit3A_49, %sign3A_64 : i32
    %sign3A_66 = arith.extui %sign3A_65 : i1 to i32
    %sign3A_67 = arith.subi %sign3A_63, %sign3A_66 : i32
    %ne3A_68 = vector.broadcast %sign3A_67 : i32 to vector<1024x192xi32>
    %ne3A_69 = arith.cmpi ne, %sign3A_60, %ne3A_68 : vector<1024x192xi32>
    %rem3A_70 = vector.broadcast %jit3A_49 : i32 to vector<1024x192xi32>
    %rem3A_71 = arith.remsi %iota3A, %rem3A_70 : vector<1024x192xi32>
    %ne3A_72 = arith.constant 0 : i32
    %ne3A_73 = vector.broadcast %ne3A_72 : i32 to vector<1024x192xi32>
    %ne3A_74 = arith.cmpi ne, %rem3A_71, %ne3A_73 : vector<1024x192xi32>
    %and3A_75 = arith.andi %ne3A_69, %ne3A_74 : vector<1024x192xi1>
    %sub3A_76 = arith.constant 1 : i32
    %sub3A_77 = vector.broadcast %sub3A_76 : i32 to vector<1024x192xi32>
    %sub3A_78 = arith.subi %div3A_51, %sub3A_77 : vector<1024x192xi32>
    %select_n3A_79 = arith.select %and3A_75, %sub3A_78, %div3A_51 : vector<1024x192xi1>, vector<1024x192xi32>
    %eq3A_80 = arith.constant 0 : i32
    %eq3A_81 = vector.broadcast %eq3A_80 : i32 to vector<1024x192xi32>
    %eq3A_82 = arith.cmpi eq, %select_n3A_79, %eq3A_81 : vector<1024x192xi32>
    %slice3A = vector.extract_strided_slice %get3A_1 {offsets = [0, 0], sizes = [1024, 1], strides = [1, 1]} : vector<1024x3xf32> to vector<1024x1xf32>
    %eq3A_83 = arith.constant 1 : i32
    %eq3A_84 = vector.broadcast %eq3A_83 : i32 to vector<1024x192xi32>
    %eq3A_85 = arith.cmpi eq, %select_n3A_79, %eq3A_84 : vector<1024x192xi32>
    %slice3A_86 = vector.extract_strided_slice %get3A_1 {offsets = [0, 1], sizes = [1024, 1], strides = [1, 1]} : vector<1024x3xf32> to vector<1024x1xf32>
    %slice3A_87 = vector.extract_strided_slice %get3A_1 {offsets = [0, 2], sizes = [1024, 1], strides = [1, 1]} : vector<1024x3xf32> to vector<1024x1xf32>
    %broadcast_in_dim3A = vector.shape_cast %slice3A_86 : vector<1024x1xf32> to vector<1024x1xf32>
    %broadcast_in_dim3A_88 = vector.broadcast %broadcast_in_dim3A : vector<1024x1xf32> to vector<1024x192xf32>
    %broadcast_in_dim3A_89 = vector.shape_cast %slice3A_87 : vector<1024x1xf32> to vector<1024x1xf32>
    %broadcast_in_dim3A_90 = vector.broadcast %broadcast_in_dim3A_89 : vector<1024x1xf32> to vector<1024x192xf32>
    %select_n3A_91 = arith.select %eq3A_85, %broadcast_in_dim3A_88, %broadcast_in_dim3A_90 : vector<1024x192xi1>, vector<1024x192xf32>
    %broadcast_in_dim3A_92 = vector.shape_cast %slice3A : vector<1024x1xf32> to vector<1024x1xf32>
    %broadcast_in_dim3A_93 = vector.broadcast %broadcast_in_dim3A_92 : vector<1024x1xf32> to vector<1024x192xf32>
    %select_n3A_94 = arith.select %eq3A_82, %broadcast_in_dim3A_93, %select_n3A_91 : vector<1024x192xi1>, vector<1024x192xf32>
    %mul3A_95 = arith.mulf %select_n3A_94, %exp3A : vector<1024x192xf32>
    %jit3A_96 = arith.constant 2 : i32
    %eq3A_97 = arith.constant 0 : i32
    %eq3A_98 = arith.cmpi eq, %jit3A_96, %eq3A_97 : i32
    %jit3A_99 = arith.constant 1 : i32
    %select_n3A_100 = arith.select %eq3A_98, %jit3A_99, %jit3A_96 : i32
    %rem3A_101 = vector.broadcast %select_n3A_100 : i32 to vector<1024x192xi32>
    %rem3A_102 = arith.remsi %iota3A, %rem3A_101 : vector<1024x192xi32>
    %ne3A_103 = arith.constant 0 : i32
    %ne3A_104 = vector.broadcast %ne3A_103 : i32 to vector<1024x192xi32>
    %ne3A_105 = arith.cmpi ne, %rem3A_102, %ne3A_104 : vector<1024x192xi32>
    %lt3A_106 = arith.constant 0 : i32
    %lt3A_107 = vector.broadcast %lt3A_106 : i32 to vector<1024x192xi32>
    %lt3A_108 = arith.cmpi slt, %rem3A_102, %lt3A_107 : vector<1024x192xi32>
    %lt3A_109 = arith.constant 0 : i32
    %lt3A_110 = arith.cmpi slt, %select_n3A_100, %lt3A_109 : i32
    %ne3A_111 = vector.broadcast %lt3A_110 : i1 to vector<1024x192xi1>
    %ne3A_112 = vector.broadcast %ne3A_111 : vector<1024x192xi1> to vector<1024x192xi1>
    %ne3A_113 = arith.xori %lt3A_108, %ne3A_112 : vector<1024x192xi1>
    %and3A_114 = arith.andi %ne3A_113, %ne3A_105 : vector<1024x192xi1>
    %add3A_115 = vector.broadcast %select_n3A_100 : i32 to vector<1024x192xi32>
    %add3A_116 = arith.addi %rem3A_102, %add3A_115 : vector<1024x192xi32>
    %select_n3A_117 = arith.select %and3A_114, %add3A_116, %rem3A_102 : vector<1024x192xi1>, vector<1024x192xi32>
    %eq3A_118 = arith.constant 0 : i32
    %eq3A_119 = vector.broadcast %eq3A_118 : i32 to vector<1024x192xi32>
    %eq3A_120 = arith.cmpi eq, %select_n3A_117, %eq3A_119 : vector<1024x192xi32>
    %sin3A = math.sin %mul3A_95 : vector<1024x192xf32>
    %cos3A = math.cos %mul3A_95 : vector<1024x192xf32>
    %select_n3A_121 = arith.select %eq3A_120, %sin3A, %cos3A : vector<1024x192xi1>, vector<1024x192xf32>
    %get3A_122 = arith.constant 0 : index
    %get3A_123 = arith.constant 0 : index
    %get3A_124 = vector.load %arg2[%get3A_122, %get3A_123] : memref<1024x3xf32, #tpu.memory_space<vmem>>, vector<1024x3xf32>
    %iota3A_125 = tpu.iota {dimensions = array<i32: 1>} : vector<1024x192xi32>
    %jit3A_126 = arith.constant 64 : i32
    %eq3A_127 = arith.constant 0 : i32
    %eq3A_128 = arith.cmpi eq, %jit3A_126, %eq3A_127 : i32
    %jit3A_129 = arith.constant 1 : i32
    %select_n3A_130 = arith.select %eq3A_128, %jit3A_129, %jit3A_126 : i32
    %rem3A_131 = vector.broadcast %select_n3A_130 : i32 to vector<1024x192xi32>
    %rem3A_132 = arith.remsi %iota3A_125, %rem3A_131 : vector<1024x192xi32>
    %ne3A_133 = arith.constant 0 : i32
    %ne3A_134 = vector.broadcast %ne3A_133 : i32 to vector<1024x192xi32>
    %ne3A_135 = arith.cmpi ne, %rem3A_132, %ne3A_134 : vector<1024x192xi32>
    %lt3A_136 = arith.constant 0 : i32
    %lt3A_137 = vector.broadcast %lt3A_136 : i32 to vector<1024x192xi32>
    %lt3A_138 = arith.cmpi slt, %rem3A_132, %lt3A_137 : vector<1024x192xi32>
    %lt3A_139 = arith.constant 0 : i32
    %lt3A_140 = arith.cmpi slt, %select_n3A_130, %lt3A_139 : i32
    %ne3A_141 = vector.broadcast %lt3A_140 : i1 to vector<1024x192xi1>
    %ne3A_142 = vector.broadcast %ne3A_141 : vector<1024x192xi1> to vector<1024x192xi1>
    %ne3A_143 = arith.xori %lt3A_138, %ne3A_142 : vector<1024x192xi1>
    %and3A_144 = arith.andi %ne3A_143, %ne3A_135 : vector<1024x192xi1>
    %add3A_145 = vector.broadcast %select_n3A_130 : i32 to vector<1024x192xi32>
    %add3A_146 = arith.addi %rem3A_132, %add3A_145 : vector<1024x192xi32>
    %select_n3A_147 = arith.select %and3A_144, %add3A_146, %rem3A_132 : vector<1024x192xi1>, vector<1024x192xi32>
    %jit3A_148 = arith.constant 2 : i32
    %div3A_149 = vector.broadcast %jit3A_148 : i32 to vector<1024x192xi32>
    %div3A_150 = arith.divsi %select_n3A_147, %div3A_149 : vector<1024x192xi32>
    %sign3A_151 = arith.constant 0 : i32
    %sign3A_152 = vector.broadcast %sign3A_151 : i32 to vector<1024x192xi32>
    %sign3A_153 = arith.cmpi sgt, %select_n3A_147, %sign3A_152 : vector<1024x192xi32>
    %sign3A_154 = arith.extui %sign3A_153 : vector<1024x192xi1> to vector<1024x192xi32>
    %sign3A_155 = arith.constant 0 : i32
    %sign3A_156 = vector.broadcast %sign3A_155 : i32 to vector<1024x192xi32>
    %sign3A_157 = arith.cmpi slt, %select_n3A_147, %sign3A_156 : vector<1024x192xi32>
    %sign3A_158 = arith.extui %sign3A_157 : vector<1024x192xi1> to vector<1024x192xi32>
    %sign3A_159 = arith.subi %sign3A_154, %sign3A_158 : vector<1024x192xi32>
    %sign3A_160 = arith.constant 0 : i32
    %sign3A_161 = arith.cmpi sgt, %jit3A_148, %sign3A_160 : i32
    %sign3A_162 = arith.extui %sign3A_161 : i1 to i32
    %sign3A_163 = arith.constant 0 : i32
    %sign3A_164 = arith.cmpi slt, %jit3A_148, %sign3A_163 : i32
    %sign3A_165 = arith.extui %sign3A_164 : i1 to i32
    %sign3A_166 = arith.subi %sign3A_162, %sign3A_165 : i32
    %ne3A_167 = vector.broadcast %sign3A_166 : i32 to vector<1024x192xi32>
    %ne3A_168 = arith.cmpi ne, %sign3A_159, %ne3A_167 : vector<1024x192xi32>
    %rem3A_169 = vector.broadcast %jit3A_148 : i32 to vector<1024x192xi32>
    %rem3A_170 = arith.remsi %select_n3A_147, %rem3A_169 : vector<1024x192xi32>
    %ne3A_171 = arith.constant 0 : i32
    %ne3A_172 = vector.broadcast %ne3A_171 : i32 to vector<1024x192xi32>
    %ne3A_173 = arith.cmpi ne, %rem3A_170, %ne3A_172 : vector<1024x192xi32>
    %and3A_174 = arith.andi %ne3A_168, %ne3A_173 : vector<1024x192xi1>
    %sub3A_175 = arith.constant 1 : i32
    %sub3A_176 = vector.broadcast %sub3A_175 : i32 to vector<1024x192xi32>
    %sub3A_177 = arith.subi %div3A_150, %sub3A_176 : vector<1024x192xi32>
    %select_n3A_178 = arith.select %and3A_174, %sub3A_177, %div3A_150 : vector<1024x192xi1>, vector<1024x192xi32>
    %convert_element_type3A_179 = arith.sitofp %select_n3A_178 : vector<1024x192xi32> to vector<1024x192xf32>
    %log3A_180 = arith.constant 1.000000e+04 : f32
    %log3A_181 = math.log %log3A_180 : f32
    %neg3A_182 = arith.constant 0.000000e+00 : f32
    %neg3A_183 = arith.subf %neg3A_182, %log3A_181 : f32
    %div3A_184 = arith.constant 3.200000e+01 : f32
    %div3A_185 = arith.divf %neg3A_183, %div3A_184 : f32
    %mul3A_186 = vector.broadcast %div3A_185 : f32 to vector<1024x192xf32>
    %mul3A_187 = arith.mulf %convert_element_type3A_179, %mul3A_186 : vector<1024x192xf32>
    %exp3A_188 = math.exp %mul3A_187 : vector<1024x192xf32>
    %jit3A_189 = arith.constant 64 : i32
    %div3A_190 = vector.broadcast %jit3A_189 : i32 to vector<1024x192xi32>
    %div3A_191 = arith.divsi %iota3A_125, %div3A_190 : vector<1024x192xi32>
    %sign3A_192 = arith.constant 0 : i32
    %sign3A_193 = vector.broadcast %sign3A_192 : i32 to vector<1024x192xi32>
    %sign3A_194 = arith.cmpi sgt, %iota3A_125, %sign3A_193 : vector<1024x192xi32>
    %sign3A_195 = arith.extui %sign3A_194 : vector<1024x192xi1> to vector<1024x192xi32>
    %sign3A_196 = arith.constant 0 : i32
    %sign3A_197 = vector.broadcast %sign3A_196 : i32 to vector<1024x192xi32>
    %sign3A_198 = arith.cmpi slt, %iota3A_125, %sign3A_197 : vector<1024x192xi32>
    %sign3A_199 = arith.extui %sign3A_198 : vector<1024x192xi1> to vector<1024x192xi32>
    %sign3A_200 = arith.subi %sign3A_195, %sign3A_199 : vector<1024x192xi32>
    %sign3A_201 = arith.constant 0 : i32
    %sign3A_202 = arith.cmpi sgt, %jit3A_189, %sign3A_201 : i32
    %sign3A_203 = arith.extui %sign3A_202 : i1 to i32
    %sign3A_204 = arith.constant 0 : i32
    %sign3A_205 = arith.cmpi slt, %jit3A_189, %sign3A_204 : i32
    %sign3A_206 = arith.extui %sign3A_205 : i1 to i32
    %sign3A_207 = arith.subi %sign3A_203, %sign3A_206 : i32
    %ne3A_208 = vector.broadcast %sign3A_207 : i32 to vector<1024x192xi32>
    %ne3A_209 = arith.cmpi ne, %sign3A_200, %ne3A_208 : vector<1024x192xi32>
    %rem3A_210 = vector.broadcast %jit3A_189 : i32 to vector<1024x192xi32>
    %rem3A_211 = arith.remsi %iota3A_125, %rem3A_210 : vector<1024x192xi32>
    %ne3A_212 = arith.constant 0 : i32
    %ne3A_213 = vector.broadcast %ne3A_212 : i32 to vector<1024x192xi32>
    %ne3A_214 = arith.cmpi ne, %rem3A_211, %ne3A_213 : vector<1024x192xi32>
    %and3A_215 = arith.andi %ne3A_209, %ne3A_214 : vector<1024x192xi1>
    %sub3A_216 = arith.constant 1 : i32
    %sub3A_217 = vector.broadcast %sub3A_216 : i32 to vector<1024x192xi32>
    %sub3A_218 = arith.subi %div3A_191, %sub3A_217 : vector<1024x192xi32>
    %select_n3A_219 = arith.select %and3A_215, %sub3A_218, %div3A_191 : vector<1024x192xi1>, vector<1024x192xi32>
    %eq3A_220 = arith.constant 0 : i32
    %eq3A_221 = vector.broadcast %eq3A_220 : i32 to vector<1024x192xi32>
    %eq3A_222 = arith.cmpi eq, %select_n3A_219, %eq3A_221 : vector<1024x192xi32>
    %slice3A_223 = vector.extract_strided_slice %get3A_124 {offsets = [0, 0], sizes = [1024, 1], strides = [1, 1]} : vector<1024x3xf32> to vector<1024x1xf32>
    %eq3A_224 = arith.constant 1 : i32
    %eq3A_225 = vector.broadcast %eq3A_224 : i32 to vector<1024x192xi32>
    %eq3A_226 = arith.cmpi eq, %select_n3A_219, %eq3A_225 : vector<1024x192xi32>
    %slice3A_227 = vector.extract_strided_slice %get3A_124 {offsets = [0, 1], sizes = [1024, 1], strides = [1, 1]} : vector<1024x3xf32> to vector<1024x1xf32>
    %slice3A_228 = vector.extract_strided_slice %get3A_124 {offsets = [0, 2], sizes = [1024, 1], strides = [1, 1]} : vector<1024x3xf32> to vector<1024x1xf32>
    %broadcast_in_dim3A_229 = vector.shape_cast %slice3A_227 : vector<1024x1xf32> to vector<1024x1xf32>
    %broadcast_in_dim3A_230 = vector.broadcast %broadcast_in_dim3A_229 : vector<1024x1xf32> to vector<1024x192xf32>
    %broadcast_in_dim3A_231 = vector.shape_cast %slice3A_228 : vector<1024x1xf32> to vector<1024x1xf32>
    %broadcast_in_dim3A_232 = vector.broadcast %broadcast_in_dim3A_231 : vector<1024x1xf32> to vector<1024x192xf32>
    %select_n3A_233 = arith.select %eq3A_226, %broadcast_in_dim3A_230, %broadcast_in_dim3A_232 : vector<1024x192xi1>, vector<1024x192xf32>
    %broadcast_in_dim3A_234 = vector.shape_cast %slice3A_223 : vector<1024x1xf32> to vector<1024x1xf32>
    %broadcast_in_dim3A_235 = vector.broadcast %broadcast_in_dim3A_234 : vector<1024x1xf32> to vector<1024x192xf32>
    %select_n3A_236 = arith.select %eq3A_222, %broadcast_in_dim3A_235, %select_n3A_233 : vector<1024x192xi1>, vector<1024x192xf32>
    %mul3A_237 = arith.mulf %select_n3A_236, %exp3A_188 : vector<1024x192xf32>
    %jit3A_238 = arith.constant 2 : i32
    %eq3A_239 = arith.constant 0 : i32
    %eq3A_240 = arith.cmpi eq, %jit3A_238, %eq3A_239 : i32
    %jit3A_241 = arith.constant 1 : i32
    %select_n3A_242 = arith.select %eq3A_240, %jit3A_241, %jit3A_238 : i32
    %rem3A_243 = vector.broadcast %select_n3A_242 : i32 to vector<1024x192xi32>
    %rem3A_244 = arith.remsi %iota3A_125, %rem3A_243 : vector<1024x192xi32>
    %ne3A_245 = arith.constant 0 : i32
    %ne3A_246 = vector.broadcast %ne3A_245 : i32 to vector<1024x192xi32>
    %ne3A_247 = arith.cmpi ne, %rem3A_244, %ne3A_246 : vector<1024x192xi32>
    %lt3A_248 = arith.constant 0 : i32
    %lt3A_249 = vector.broadcast %lt3A_248 : i32 to vector<1024x192xi32>
    %lt3A_250 = arith.cmpi slt, %rem3A_244, %lt3A_249 : vector<1024x192xi32>
    %lt3A_251 = arith.constant 0 : i32
    %lt3A_252 = arith.cmpi slt, %select_n3A_242, %lt3A_251 : i32
    %ne3A_253 = vector.broadcast %lt3A_252 : i1 to vector<1024x192xi1>
    %ne3A_254 = vector.broadcast %ne3A_253 : vector<1024x192xi1> to vector<1024x192xi1>
    %ne3A_255 = arith.xori %lt3A_250, %ne3A_254 : vector<1024x192xi1>
    %and3A_256 = arith.andi %ne3A_255, %ne3A_247 : vector<1024x192xi1>
    %add3A_257 = vector.broadcast %select_n3A_242 : i32 to vector<1024x192xi32>
    %add3A_258 = arith.addi %rem3A_244, %add3A_257 : vector<1024x192xi32>
    %select_n3A_259 = arith.select %and3A_256, %add3A_258, %rem3A_244 : vector<1024x192xi1>, vector<1024x192xi32>
    %eq3A_260 = arith.constant 0 : i32
    %eq3A_261 = vector.broadcast %eq3A_260 : i32 to vector<1024x192xi32>
    %eq3A_262 = arith.cmpi eq, %select_n3A_259, %eq3A_261 : vector<1024x192xi32>
    %sin3A_263 = math.sin %mul3A_237 : vector<1024x192xf32>
    %cos3A_264 = math.cos %mul3A_237 : vector<1024x192xf32>
    %select_n3A_265 = arith.select %eq3A_262, %sin3A_263, %cos3A_264 : vector<1024x192xi1>, vector<1024x192xf32>
    %get3A_266 = arith.constant 0 : index
    %get3A_267 = arith.constant 0 : index
    %get3A_268 = vector.load %arg4[%get3A_266, %get3A_267] : memref<384x128xf32, #tpu.memory_space<vmem>>, vector<384x128xf32>
    %slice3A_269 = vector.extract_strided_slice %get3A_268 {offsets = [0, 0], sizes = [192, 128], strides = [1, 1]} : vector<384x128xf32> to vector<192x128xf32>
    %dot_general3A = arith.constant dense<0.000000e+00> : vector<1024x128xf32>
    %dot_general3A_270 = tpu.matmul %select_n3A_121, %slice3A_269, %dot_general3A {dimension_numbers = #tpu.dot_dimension_numbers<[1], [0], [0], [1], [0, 0, 1, 1], [], []>, transpose_lhs_hint = false} : vector<1024x192xf32>, vector<192x128xf32>, vector<1024x128xf32> -> vector<1024x128xf32>
    %slice3A_271 = vector.extract_strided_slice %get3A_268 {offsets = [192, 0], sizes = [192, 128], strides = [1, 1]} : vector<384x128xf32> to vector<192x128xf32>
    %dot_general3A_272 = arith.constant dense<0.000000e+00> : vector<1024x128xf32>
    %dot_general3A_273 = tpu.matmul %select_n3A_265, %slice3A_271, %dot_general3A_272 {dimension_numbers = #tpu.dot_dimension_numbers<[1], [0], [0], [1], [0, 0, 1, 1], [], []>, transpose_lhs_hint = false} : vector<1024x192xf32>, vector<192x128xf32>, vector<1024x128xf32> -> vector<1024x128xf32>
    %get3A_274 = arith.constant 0 : index
    %get3A_275 = arith.constant 0 : index
    %get3A_276 = vector.load %arg5[%get3A_274, %get3A_275] : memref<1x128xf32, #tpu.memory_space<vmem>>, vector<1x128xf32>
    %add3A_277 = vector.broadcast %get3A_276 : vector<1x128xf32> to vector<1024x128xf32>
    %add3A_278 = arith.addf %dot_general3A_273, %add3A_277 : vector<1024x128xf32>
    %slice3A_279 = vector.extract_strided_slice %dot_general3A_270 {offsets = [0, 0], sizes = [1024, 64], strides = [1, 1]} : vector<1024x128xf32> to vector<1024x64xf32>
    %bitcast_convert_type3A = tpu.bitcast %slice3A_279 : vector<1024x64xf32> -> vector<1024x64xi32>
    %add3A_280 = arith.constant 32767 : i32
    %add3A_281 = vector.broadcast %add3A_280 : i32 to vector<1024x64xi32>
    %add3A_282 = arith.addi %bitcast_convert_type3A, %add3A_281 : vector<1024x64xi32>
    %shift_right_logical3A = arith.constant 16 : i32
    %shift_right_logical3A_283 = vector.broadcast %shift_right_logical3A : i32 to vector<1024x64xi32>
    %shift_right_logical3A_284 = arith.shrui %bitcast_convert_type3A, %shift_right_logical3A_283 : vector<1024x64xi32>
    %and3A_285 = arith.constant 1 : i32
    %and3A_286 = vector.broadcast %and3A_285 : i32 to vector<1024x64xi32>
    %and3A_287 = arith.andi %shift_right_logical3A_284, %and3A_286 : vector<1024x64xi32>
    %add3A_288 = arith.addi %add3A_282, %and3A_287 : vector<1024x64xi32>
    %shift_right_logical3A_289 = arith.constant 16 : i32
    %shift_right_logical3A_290 = vector.broadcast %shift_right_logical3A_289 : i32 to vector<1024x64xi32>
    %shift_right_logical3A_291 = arith.shrui %add3A_288, %shift_right_logical3A_290 : vector<1024x64xi32>
    %slice3A_292 = vector.extract_strided_slice %dot_general3A_270 {offsets = [0, 64], sizes = [1024, 64], strides = [1, 1]} : vector<1024x128xf32> to vector<1024x64xf32>
    %bitcast_convert_type3A_293 = tpu.bitcast %slice3A_292 : vector<1024x64xf32> -> vector<1024x64xi32>
    %add3A_294 = arith.constant 32767 : i32
    %add3A_295 = vector.broadcast %add3A_294 : i32 to vector<1024x64xi32>
    %add3A_296 = arith.addi %bitcast_convert_type3A_293, %add3A_295 : vector<1024x64xi32>
    %shift_right_logical3A_297 = arith.constant 16 : i32
    %shift_right_logical3A_298 = vector.broadcast %shift_right_logical3A_297 : i32 to vector<1024x64xi32>
    %shift_right_logical3A_299 = arith.shrui %bitcast_convert_type3A_293, %shift_right_logical3A_298 : vector<1024x64xi32>
    %and3A_300 = arith.constant 1 : i32
    %and3A_301 = vector.broadcast %and3A_300 : i32 to vector<1024x64xi32>
    %and3A_302 = arith.andi %shift_right_logical3A_299, %and3A_301 : vector<1024x64xi32>
    %add3A_303 = arith.addi %add3A_296, %and3A_302 : vector<1024x64xi32>
    %shift_right_logical3A_304 = arith.constant 16 : i32
    %shift_right_logical3A_305 = vector.broadcast %shift_right_logical3A_304 : i32 to vector<1024x64xi32>
    %shift_right_logical3A_306 = arith.shrui %add3A_303, %shift_right_logical3A_305 : vector<1024x64xi32>
    %shift_left3A = arith.constant 16 : i32
    %shift_left3A_307 = vector.broadcast %shift_left3A : i32 to vector<1024x64xi32>
    %shift_left3A_308 = arith.shli %shift_right_logical3A_306, %shift_left3A_307 : vector<1024x64xi32>
    %or3A = arith.ori %shift_right_logical3A_291, %shift_left3A_308 : vector<1024x64xi32>
    %get3A_309 = arith.constant 0 : index
    %get3A_310 = arith.constant 0 : index
    %get3A_311 = vector.load %arg3[%get3A_309, %get3A_310] : memref<1024x128xf32, #tpu.memory_space<vmem>>, vector<1024x128xf32>
    %slice3A_312 = vector.extract_strided_slice %get3A_311 {offsets = [0, 0], sizes = [1024, 64], strides = [1, 1]} : vector<1024x128xf32> to vector<1024x64xf32>
    %bitcast_convert_type3A_313 = tpu.bitcast %slice3A_312 : vector<1024x64xf32> -> vector<1024x64xi32>
    %add3A_314 = arith.constant 32767 : i32
    %add3A_315 = vector.broadcast %add3A_314 : i32 to vector<1024x64xi32>
    %add3A_316 = arith.addi %bitcast_convert_type3A_313, %add3A_315 : vector<1024x64xi32>
    %shift_right_logical3A_317 = arith.constant 16 : i32
    %shift_right_logical3A_318 = vector.broadcast %shift_right_logical3A_317 : i32 to vector<1024x64xi32>
    %shift_right_logical3A_319 = arith.shrui %bitcast_convert_type3A_313, %shift_right_logical3A_318 : vector<1024x64xi32>
    %and3A_320 = arith.constant 1 : i32
    %and3A_321 = vector.broadcast %and3A_320 : i32 to vector<1024x64xi32>
    %and3A_322 = arith.andi %shift_right_logical3A_319, %and3A_321 : vector<1024x64xi32>
    %add3A_323 = arith.addi %add3A_316, %and3A_322 : vector<1024x64xi32>
    %shift_right_logical3A_324 = arith.constant 16 : i32
    %shift_right_logical3A_325 = vector.broadcast %shift_right_logical3A_324 : i32 to vector<1024x64xi32>
    %shift_right_logical3A_326 = arith.shrui %add3A_323, %shift_right_logical3A_325 : vector<1024x64xi32>
    %slice3A_327 = vector.extract_strided_slice %get3A_311 {offsets = [0, 64], sizes = [1024, 64], strides = [1, 1]} : vector<1024x128xf32> to vector<1024x64xf32>
    %bitcast_convert_type3A_328 = tpu.bitcast %slice3A_327 : vector<1024x64xf32> -> vector<1024x64xi32>
    %add3A_329 = arith.constant 32767 : i32
    %add3A_330 = vector.broadcast %add3A_329 : i32 to vector<1024x64xi32>
    %add3A_331 = arith.addi %bitcast_convert_type3A_328, %add3A_330 : vector<1024x64xi32>
    %shift_right_logical3A_332 = arith.constant 16 : i32
    %shift_right_logical3A_333 = vector.broadcast %shift_right_logical3A_332 : i32 to vector<1024x64xi32>
    %shift_right_logical3A_334 = arith.shrui %bitcast_convert_type3A_328, %shift_right_logical3A_333 : vector<1024x64xi32>
    %and3A_335 = arith.constant 1 : i32
    %and3A_336 = vector.broadcast %and3A_335 : i32 to vector<1024x64xi32>
    %and3A_337 = arith.andi %shift_right_logical3A_334, %and3A_336 : vector<1024x64xi32>
    %add3A_338 = arith.addi %add3A_331, %and3A_337 : vector<1024x64xi32>
    %shift_right_logical3A_339 = arith.constant 16 : i32
    %shift_right_logical3A_340 = vector.broadcast %shift_right_logical3A_339 : i32 to vector<1024x64xi32>
    %shift_right_logical3A_341 = arith.shrui %add3A_338, %shift_right_logical3A_340 : vector<1024x64xi32>
    %shift_left3A_342 = arith.constant 16 : i32
    %shift_left3A_343 = vector.broadcast %shift_left3A_342 : i32 to vector<1024x64xi32>
    %shift_left3A_344 = arith.shli %shift_right_logical3A_341, %shift_left3A_343 : vector<1024x64xi32>
    %or3A_345 = arith.ori %shift_right_logical3A_326, %shift_left3A_344 : vector<1024x64xi32>
    %concatenate3A = tpu.concatenate %or3A, %or3A_345 in 1 : vector<1024x64xi32>, vector<1024x64xi32> -> vector<1024x128xi32>
    %swap3A = arith.constant 0 : index
    %swap3A_346 = arith.constant 0 : index
    %swap3A_347 = vector.load %arg6[%swap3A, %swap3A_346] : memref<1024x128xi32, #tpu.memory_space<vmem>>, vector<1024x128xi32>
    tpu.vector_store %arg6[%swap3A, %swap3A_346], %concatenate3A {strides = array<i32>} : memref<1024x128xi32, #tpu.memory_space<vmem>>, vector<1024x128xi32>,
    %swap3A_348 = arith.constant 0 : index
    %swap3A_349 = arith.constant 0 : index
    %swap3A_350 = vector.load %arg7[%swap3A_348, %swap3A_349] : memref<1024x128xf32, #tpu.memory_space<vmem>>, vector<1024x128xf32>
    tpu.vector_store %arg7[%swap3A_348, %swap3A_349], %add3A_278 {strides = array<i32>} : memref<1024x128xf32, #tpu.memory_space<vmem>>, vector<1024x128xf32>,
    return
  }
  func.func @transform_0(%arg0: i32) -> (i32, i32) {
    %c0_i32 = arith.constant 0 : i32
    %c0_i32_0 = arith.constant 0 : i32
    return %arg0, %c0_i32 : i32, i32
  }
  func.func @transform_1(%arg0: i32) -> (i32, i32) {
    %c0_i32 = arith.constant 0 : i32
    %c0_i32_0 = arith.constant 0 : i32
    return %arg0, %c0_i32 : i32, i32
  }
  func.func @transform_2(%arg0: i32) -> (i32, i32) {
    %c0_i32 = arith.constant 0 : i32
    %c0_i32_0 = arith.constant 0 : i32
    return %arg0, %c0_i32 : i32, i32
  }
  func.func @transform_3(%arg0: i32) -> (i32, i32) {
    %c0_i32 = arith.constant 0 : i32
    %c0_i32_0 = arith.constant 0 : i32
    %c0_i32_1 = arith.constant 0 : i32
    return %c0_i32, %c0_i32_0 : i32, i32
  }
  func.func @transform_4(%arg0: i32) -> (i32, i32) {
    %c0_i32 = arith.constant 0 : i32
    %c0_i32_0 = arith.constant 0 : i32
    %c0_i32_1 = arith.constant 0 : i32
    return %c0_i32, %c0_i32_0 : i32, i32
  }
  func.func @transform_5(%arg0: i32) -> (i32, i32) {
    %c0_i32 = arith.constant 0 : i32
    %c0_i32_0 = arith.constant 0 : i32
    return %arg0, %c0_i32 : i32, i32
  }
  func.func @transform_6(%arg0: i32) -> (i32, i32) {
    %c0_i32 = arith.constant 0 : i32
    %c0_i32_0 = arith.constant 0 : i32
    return %arg0, %c0_i32 : i32, i32
  }
}

module attributes {stable_mosaic.version = 14 : i64} {
  func.func @_mlp_kernel(%arg0: i32, %arg1: memref<1024x128xi32, #tpu.memory_space<vmem>>, %arg2: memref<1024x128xf32, #tpu.memory_space<vmem>>, %arg3: memref<128x256xbf16, #tpu.memory_space<vmem>>, %arg4: memref<1x256xf32, #tpu.memory_space<vmem>>, %arg5: memref<256x128xbf16, #tpu.memory_space<vmem>>, %arg6: memref<1x128xf32, #tpu.memory_space<vmem>>, %arg7: memref<1024x128xf32, #tpu.memory_space<vmem>>) attributes {dimension_semantics = [#tpu.dimension_semantics<arbitrary>], iteration_bounds = array<i64: 136>, scalar_prefetch = 0 : i64, scratch_operands = 0 : i64, tpu.core_type = #tpu.core_type<tc>, window_params = [{transform_indices = @transform_0, window_bounds = array<i64: 1024, 128>}, {transform_indices = @transform_1, window_bounds = array<i64: 1024, 128>}, {pipeline_mode = #tpu.pipeline_mode<synchronous>, transform_indices = @transform_2, window_bounds = array<i64: 128, 256>}, {pipeline_mode = #tpu.pipeline_mode<synchronous>, transform_indices = @transform_3, window_bounds = array<i64: 1, 256>}, {pipeline_mode = #tpu.pipeline_mode<synchronous>, transform_indices = @transform_4, window_bounds = array<i64: 256, 128>}, {pipeline_mode = #tpu.pipeline_mode<synchronous>, transform_indices = @transform_5, window_bounds = array<i64: 1, 128>}, {transform_indices = @transform_6, window_bounds = array<i64: 1024, 128>}]} {
    %get3A = arith.constant 0 : index
    %get3A_0 = arith.constant 0 : index
    %get3A_1 = vector.load %arg1[%get3A, %get3A_0] : memref<1024x128xi32, #tpu.memory_space<vmem>>, vector<1024x128xi32>
    %slice3A = vector.extract_strided_slice %get3A_1 {offsets = [0, 0], sizes = [1024, 64], strides = [1, 1]} : vector<1024x128xi32> to vector<1024x64xi32>
    %shift_left3A = arith.constant 16 : i32
    %shift_left3A_2 = vector.broadcast %shift_left3A : i32 to vector<1024x64xi32>
    %shift_left3A_3 = arith.shli %slice3A, %shift_left3A_2 : vector<1024x64xi32>
    %bitcast_convert_type3A = tpu.bitcast %shift_left3A_3 : vector<1024x64xi32> -> vector<1024x64xf32>
    %shift_right_logical3A = arith.constant 16 : i32
    %shift_right_logical3A_4 = vector.broadcast %shift_right_logical3A : i32 to vector<1024x64xi32>
    %shift_right_logical3A_5 = arith.shrui %slice3A, %shift_right_logical3A_4 : vector<1024x64xi32>
    %shift_left3A_6 = arith.constant 16 : i32
    %shift_left3A_7 = vector.broadcast %shift_left3A_6 : i32 to vector<1024x64xi32>
    %shift_left3A_8 = arith.shli %shift_right_logical3A_5, %shift_left3A_7 : vector<1024x64xi32>
    %bitcast_convert_type3A_9 = tpu.bitcast %shift_left3A_8 : vector<1024x64xi32> -> vector<1024x64xf32>
    %concatenate3A = tpu.concatenate %bitcast_convert_type3A, %bitcast_convert_type3A_9 in 1 : vector<1024x64xf32>, vector<1024x64xf32> -> vector<1024x128xf32>
    %get3A_10 = arith.constant 0 : index
    %get3A_11 = arith.constant 0 : index
    %get3A_12 = vector.load %arg2[%get3A_10, %get3A_11] : memref<1024x128xf32, #tpu.memory_space<vmem>>, vector<1024x128xf32>
    %add3A = arith.addf %concatenate3A, %get3A_12 : vector<1024x128xf32>
    %mul3A = arith.constant 5.000000e-01 : f32
    %mul3A_13 = vector.broadcast %mul3A : f32 to vector<1024x128xf32>
    %mul3A_14 = arith.mulf %mul3A_13, %add3A : vector<1024x128xf32>
    %mul3A_15 = arith.constant 0.707106769 : f32
    %mul3A_16 = vector.broadcast %mul3A_15 : f32 to vector<1024x128xf32>
    %mul3A_17 = arith.mulf %add3A, %mul3A_16 : vector<1024x128xf32>
    %erf3A = math.erf %mul3A_17 : vector<1024x128xf32>
    %add3A_18 = arith.constant 1.000000e+00 : f32
    %add3A_19 = vector.broadcast %add3A_18 : f32 to vector<1024x128xf32>
    %add3A_20 = arith.addf %add3A_19, %erf3A : vector<1024x128xf32>
    %mul3A_21 = arith.mulf %mul3A_14, %add3A_20 : vector<1024x128xf32>
    %convert_element_type3A = arith.truncf %mul3A_21 : vector<1024x128xf32> to vector<1024x128xbf16>
    %get3A_22 = arith.constant 0 : index
    %get3A_23 = arith.constant 0 : index
    %get3A_24 = vector.load %arg3[%get3A_22, %get3A_23] : memref<128x256xbf16, #tpu.memory_space<vmem>>, vector<128x256xbf16>
    %dot_general3A = arith.constant dense<0.000000e+00> : vector<1024x256xf32>
    %dot_general3A_25 = tpu.matmul %convert_element_type3A, %get3A_24, %dot_general3A {dimension_numbers = #tpu.dot_dimension_numbers<[1], [0], [0], [1], [0, 0, 1, 1], [], []>, transpose_lhs_hint = false} : vector<1024x128xbf16>, vector<128x256xbf16>, vector<1024x256xf32> -> vector<1024x256xf32>
    %get3A_26 = arith.constant 0 : index
    %get3A_27 = arith.constant 0 : index
    %get3A_28 = vector.load %arg4[%get3A_26, %get3A_27] : memref<1x256xf32, #tpu.memory_space<vmem>>, vector<1x256xf32>
    %add3A_29 = vector.broadcast %get3A_28 : vector<1x256xf32> to vector<1024x256xf32>
    %add3A_30 = arith.addf %dot_general3A_25, %add3A_29 : vector<1024x256xf32>
    %mul3A_31 = arith.constant 5.000000e-01 : f32
    %mul3A_32 = vector.broadcast %mul3A_31 : f32 to vector<1024x256xf32>
    %mul3A_33 = arith.mulf %mul3A_32, %add3A_30 : vector<1024x256xf32>
    %mul3A_34 = arith.constant 0.707106769 : f32
    %mul3A_35 = vector.broadcast %mul3A_34 : f32 to vector<1024x256xf32>
    %mul3A_36 = arith.mulf %add3A_30, %mul3A_35 : vector<1024x256xf32>
    %erf3A_37 = math.erf %mul3A_36 : vector<1024x256xf32>
    %add3A_38 = arith.constant 1.000000e+00 : f32
    %add3A_39 = vector.broadcast %add3A_38 : f32 to vector<1024x256xf32>
    %add3A_40 = arith.addf %add3A_39, %erf3A_37 : vector<1024x256xf32>
    %mul3A_41 = arith.mulf %mul3A_33, %add3A_40 : vector<1024x256xf32>
    %convert_element_type3A_42 = arith.truncf %mul3A_41 : vector<1024x256xf32> to vector<1024x256xbf16>
    %get3A_43 = arith.constant 0 : index
    %get3A_44 = arith.constant 0 : index
    %get3A_45 = vector.load %arg5[%get3A_43, %get3A_44] : memref<256x128xbf16, #tpu.memory_space<vmem>>, vector<256x128xbf16>
    %dot_general3A_46 = arith.constant dense<0.000000e+00> : vector<1024x128xf32>
    %dot_general3A_47 = tpu.matmul %convert_element_type3A_42, %get3A_45, %dot_general3A_46 {dimension_numbers = #tpu.dot_dimension_numbers<[1], [0], [0], [1], [0, 0, 1, 1], [], []>, transpose_lhs_hint = false} : vector<1024x256xbf16>, vector<256x128xbf16>, vector<1024x128xf32> -> vector<1024x128xf32>
    %get3A_48 = arith.constant 0 : index
    %get3A_49 = arith.constant 0 : index
    %get3A_50 = vector.load %arg6[%get3A_48, %get3A_49] : memref<1x128xf32, #tpu.memory_space<vmem>>, vector<1x128xf32>
    %add3A_51 = vector.broadcast %get3A_50 : vector<1x128xf32> to vector<1024x128xf32>
    %add3A_52 = arith.addf %dot_general3A_47, %add3A_51 : vector<1024x128xf32>
    %slice3A_53 = vector.extract_strided_slice %get3A_1 {offsets = [0, 64], sizes = [1024, 64], strides = [1, 1]} : vector<1024x128xi32> to vector<1024x64xi32>
    %shift_left3A_54 = arith.constant 16 : i32
    %shift_left3A_55 = vector.broadcast %shift_left3A_54 : i32 to vector<1024x64xi32>
    %shift_left3A_56 = arith.shli %slice3A_53, %shift_left3A_55 : vector<1024x64xi32>
    %bitcast_convert_type3A_57 = tpu.bitcast %shift_left3A_56 : vector<1024x64xi32> -> vector<1024x64xf32>
    %shift_right_logical3A_58 = arith.constant 16 : i32
    %shift_right_logical3A_59 = vector.broadcast %shift_right_logical3A_58 : i32 to vector<1024x64xi32>
    %shift_right_logical3A_60 = arith.shrui %slice3A_53, %shift_right_logical3A_59 : vector<1024x64xi32>
    %shift_left3A_61 = arith.constant 16 : i32
    %shift_left3A_62 = vector.broadcast %shift_left3A_61 : i32 to vector<1024x64xi32>
    %shift_left3A_63 = arith.shli %shift_right_logical3A_60, %shift_left3A_62 : vector<1024x64xi32>
    %bitcast_convert_type3A_64 = tpu.bitcast %shift_left3A_63 : vector<1024x64xi32> -> vector<1024x64xf32>
    %concatenate3A_65 = tpu.concatenate %bitcast_convert_type3A_57, %bitcast_convert_type3A_64 in 1 : vector<1024x64xf32>, vector<1024x64xf32> -> vector<1024x128xf32>
    %mul3A_66 = arith.mulf %add3A_52, %concatenate3A_65 : vector<1024x128xf32>
    %swap3A = arith.constant 0 : index
    %swap3A_67 = arith.constant 0 : index
    %swap3A_68 = vector.load %arg7[%swap3A, %swap3A_67] : memref<1024x128xf32, #tpu.memory_space<vmem>>, vector<1024x128xf32>
    tpu.vector_store %arg7[%swap3A, %swap3A_67], %mul3A_66 {strides = array<i32>} : memref<1024x128xf32, #tpu.memory_space<vmem>>, vector<1024x128xf32>,
    return
  }
  func.func @transform_0(%arg0: i32) -> (i32, i32) {
    %c0_i32 = arith.constant 0 : i32
    %c0_i32_0 = arith.constant 0 : i32
    return %arg0, %c0_i32 : i32, i32
  }
  func.func @transform_1(%arg0: i32) -> (i32, i32) {
    %c0_i32 = arith.constant 0 : i32
    %c0_i32_0 = arith.constant 0 : i32
    return %arg0, %c0_i32 : i32, i32
  }
  func.func @transform_2(%arg0: i32) -> (i32, i32) {
    %c0_i32 = arith.constant 0 : i32
    %c0_i32_0 = arith.constant 0 : i32
    %c0_i32_1 = arith.constant 0 : i32
    return %c0_i32, %c0_i32_0 : i32, i32
  }
  func.func @transform_3(%arg0: i32) -> (i32, i32) {
    %c0_i32 = arith.constant 0 : i32
    %c0_i32_0 = arith.constant 0 : i32
    %c0_i32_1 = arith.constant 0 : i32
    return %c0_i32, %c0_i32_0 : i32, i32
  }
  func.func @transform_4(%arg0: i32) -> (i32, i32) {
    %c0_i32 = arith.constant 0 : i32
    %c0_i32_0 = arith.constant 0 : i32
    %c0_i32_1 = arith.constant 0 : i32
    return %c0_i32, %c0_i32_0 : i32, i32
  }
  func.func @transform_5(%arg0: i32) -> (i32, i32) {
    %c0_i32 = arith.constant 0 : i32
    %c0_i32_0 = arith.constant 0 : i32
    %c0_i32_1 = arith.constant 0 : i32
    return %c0_i32, %c0_i32_0 : i32, i32
  }
  func.func @transform_6(%arg0: i32) -> (i32, i32) {
    %c0_i32 = arith.constant 0 : i32
    %c0_i32_0 = arith.constant 0 : i32
    return %arg0, %c0_i32 : i32, i32
  }
}

module attributes {stable_mosaic.version = 14 : i64} {
  func.func @_combine_kernel(%arg0: i32, %arg1: memref<2x1024x128xf32, #tpu.memory_space<vmem>>, %arg2: memref<2x1024x128xf32, #tpu.memory_space<vmem>>, %arg3: memref<1024x128xf32, #tpu.memory_space<vmem>>) attributes {dimension_semantics = [#tpu.dimension_semantics<arbitrary>], iteration_bounds = array<i64: 10>, scalar_prefetch = 0 : i64, scratch_operands = 0 : i64, tpu.core_type = #tpu.core_type<tc>, window_params = [{transform_indices = @transform_0, window_bounds = array<i64: 2, 1024, 128>}, {transform_indices = @transform_1, window_bounds = array<i64: 2, 1024, 128>}, {transform_indices = @transform_2, window_bounds = array<i64: 1024, 128>}]} {
    %get3A = arith.constant 0 : index
    %get3A_0 = arith.constant 0 : index
    %get3A_1 = arith.constant 0 : index
    %get3A_2 = vector.load %arg1[%get3A, %get3A_0, %get3A_1] : memref<2x1024x128xf32, #tpu.memory_space<vmem>>, vector<1x1024x128xf32>
    %get3A_3 = vector.shape_cast %get3A_2 : vector<1x1024x128xf32> to vector<1024x128xf32>
    %get3A_4 = arith.constant 1 : index
    %get3A_5 = arith.constant 0 : index
    %get3A_6 = arith.constant 0 : index
    %get3A_7 = vector.load %arg1[%get3A_4, %get3A_5, %get3A_6] : memref<2x1024x128xf32, #tpu.memory_space<vmem>>, vector<1x1024x128xf32>
    %get3A_8 = vector.shape_cast %get3A_7 : vector<1x1024x128xf32> to vector<1024x128xf32>
    %add3A = arith.addf %get3A_3, %get3A_8 : vector<1024x128xf32>
    %get3A_9 = arith.constant 0 : index
    %get3A_10 = arith.constant 0 : index
    %get3A_11 = arith.constant 0 : index
    %get3A_12 = vector.load %arg2[%get3A_9, %get3A_10, %get3A_11] : memref<2x1024x128xf32, #tpu.memory_space<vmem>>, vector<1x1024x128xf32>
    %get3A_13 = vector.shape_cast %get3A_12 : vector<1x1024x128xf32> to vector<1024x128xf32>
    %get3A_14 = arith.constant 1 : index
    %get3A_15 = arith.constant 0 : index
    %get3A_16 = arith.constant 0 : index
    %get3A_17 = vector.load %arg2[%get3A_14, %get3A_15, %get3A_16] : memref<2x1024x128xf32, #tpu.memory_space<vmem>>, vector<1x1024x128xf32>
    %get3A_18 = vector.shape_cast %get3A_17 : vector<1x1024x128xf32> to vector<1024x128xf32>
    %add3A_19 = arith.addf %get3A_13, %get3A_18 : vector<1024x128xf32>
    %add3A_20 = arith.addf %add3A, %add3A_19 : vector<1024x128xf32>
    %swap3A = arith.constant 0 : index
    %swap3A_21 = arith.constant 0 : index
    %swap3A_22 = vector.load %arg3[%swap3A, %swap3A_21] : memref<1024x128xf32, #tpu.memory_space<vmem>>, vector<1024x128xf32>
    tpu.vector_store %arg3[%swap3A, %swap3A_21], %add3A_20 {strides = array<i32>} : memref<1024x128xf32, #tpu.memory_space<vmem>>, vector<1024x128xf32>,
    return
  }
  func.func @transform_0(%arg0: i32) -> (i32, i32, i32) {
    %c0_i32 = arith.constant 0 : i32
    %c0_i32_0 = arith.constant 0 : i32
    %c0_i32_1 = arith.constant 0 : i32
    return %c0_i32, %arg0, %c0_i32_0 : i32, i32, i32
  }
  func.func @transform_1(%arg0: i32) -> (i32, i32, i32) {
    %c0_i32 = arith.constant 0 : i32
    %c0_i32_0 = arith.constant 0 : i32
    %c0_i32_1 = arith.constant 0 : i32
    return %c0_i32, %arg0, %c0_i32_0 : i32, i32, i32
  }
  func.func @transform_2(%arg0: i32) -> (i32, i32) {
    %c0_i32 = arith.constant 0 : i32
    %c0_i32_0 = arith.constant 0 : i32
    return %arg0, %c0_i32 : i32, i32
  }
}

</mosaic_0001>

<sc_bundles>
// kernel: kernel.11.cloned.1.call-start
scs
__scs_entry_jumppad:
0x0: {  	(pc) =	sbr.rel $0x88, $3  }
0x1: {  	(tag) =	ssettag $0x0;
	lr =	simm.s32 $0x1  }
0x2: {  	[smem:$0x3F96] =	sst lr;
	_ =	strace $0xD0000000  }
0x3: {  	_ = 	snop  }
0x4: {  	_ = 	snop  }
0x5: {  	_ = 	snop  }
0x6: {  	_ = 	snop  }
0x7: {  	_ = 	snop  }
__scs_overlays_trampoline_lowered:
0x8: {  	[smem:$0x3FA5] =	sst s0  }
0x9: {  	[smem:$0x3FA6] =	sst s1  }
0xa: {  	[smem:$0x3FA7] =	sst s2  }
0xb: {  	[smem:$0x3FA8] =	sst s3  }
0xc: {  	[smem:$0x3FA9] =	sst s4  }
0xd: {  	[smem:$0x3FAA] =	sst s5  }
0xe: {  	[smem:$0x3FAB] =	sst s6  }
0xf: {  	[smem:$0x3FAC] =	sst s7  }
0x10: {  	[smem:$0x3FAD] =	sst s8  }
0x11: {  	[smem:$0x3FAE] =	sst s9;
	s0 =	simm.s32 @!p0 $0x0  }
0x12: {  	s1 =	sld [smem:$0x3F94];
	s0 =	simm.s32 @p0 $0x1  }
0x13: {  	[smem:$0x3FAF] =	sst s0;
	s0 =	simm.s32 @!p1 $0x0  }
0x14: {  	s2 =	sld [smem:$0x3F93];
	s0 =	simm.s32 @p1 $0x1  }
0x15: {  	[smem:$0x3FB0] =	sst s0;
	s0 =	simm.s32 @!p2 $0x0  }
0x16: {  	s3 =	sld [smem:$0x3FDB];
	s0 =	simm.s32 @p2 $0x1  }
0x17: {  	s4 =	simm.s32 $0x1BF5;
	[smem:$0x3FB2] =	sst s0  }
0x18: {  	s0 =	sld [smem:$0x3F95];
	_ =	swait.ge [sflag:s4], $0x0  }
0x19: {  	s7 =	sld [smem:$0x3F96]  }
0x1a: {  	s8 =	sadd.s32 $0xFFFFE003, lr  }
0x1b: {  	s9 =	sadd.s32 $0xFFFFFEF7, lr;
	s5 =	simm.s32 $0xFFFFFFFF;
	p2 =	slt.u32 s8, $0xFFFFF086  }
0x1c: {  	p1 =	slt.u32 s9, $0xF7A;
	s5 =	simm.s32 @!p2 $0x0  }
0x1d: {  	s5 =	simm.s32 @p1 $0x1;
	p0 =	seq.s32 s7, s2  }
0x1e: {  	s7 =	smul.u32 @!p0 $0xF7A, s2;
	p2 =	seq.s32 @!p0 s5, $0x0  }
0x1f: {  	s9 =	smul.u32 $0xF7A, s1;
	s8 =	simm.s32 @!p0 $0x1BF5;
	p2 =	por !p2, p0  }
0x20: {  	[sflag:s8] =	ssyncset.s32 @!p0 $0xFFFFF086;
	s6 =	sadd.s32 @!p0 s3, s7;
	s7 =	simm.s32 @!p0 $0x108  }
0x21: {  	s3 =	sadd.s32 s3, s9;
	s6 =	sadd.s32 @!p0 $0x88, s6;
	s7 =	simm.s32 @p2 $0x1082  }
0x22: {  	[simem:s7], [sflag:s8] =	dma.local @!p0 [hbm:s6], $0xF7A  }
0x23: {  	s9 =	sor.u32 $0xD0000000, s2;
	s6 =	simm.s32 $0x108;
	_ =	swait.ge @!p0 [sflag:s8], $0x0  }
0x24: {  	s3 =	sadd.s32 $0x88, s3;
	s6 =	simm.s32 @!p1 $0x1082;
	[sflag:s4] =	ssyncset.s32 $0xFFFFF086  }
0x25: {  	[simem:s6], [sflag:s4] =	dma.local [hbm:s3], $0xF7A  }
0x26: {  	[smem:$0x3F96] =	sst s1;
	(tag) =	ssettag s2;
	_ =	strace s9  }
0x27: {  	s1 =	sld [smem:$0x3FA6]  }
0x28: {  	s2 =	sld [smem:$0x3FA7]  }
0x29: {  	s4 =	sld [smem:$0x3FA9]  }
0x2a: {  	p0 =	seq.s32 s5, $0x0;
	s5 =	sld [smem:$0x3FAA]  }
0x2b: {  	s6 =	sld [smem:$0x3FAB]  }
0x2c: {  	s7 =	sld [smem:$0x3FAC]  }
0x2d: {  	s3 =	simm.s32 $0x108;
	s8 =	sld [smem:$0x3FAD]  }
0x2e: {  	s3 =	simm.s32 @!p0 $0x1082;
	s9 =	sld [smem:$0x3FAE]  }
0x2f: {  	lr =	sadd.s32 s0, s3;
	s0 =	sld [smem:$0x3FA5]  }
0x30: {  	s3 =	sld [smem:$0x3FA8]  }
0x31: {  	[smem:$0x3FB1] =	sst s10  }
0x32: {  	s10 =	sld [smem:$0x3FAF];
	_ =	sdelay $0x3  }
0x33: {  	p0 =	seq.s32 s10, $0x1;
	s10 =	sld [smem:$0x3FB1];
	_ =	sdelay $0x3  }
0x34: {  	[smem:$0x3FB1] =	sst s10  }
0x35: {  	s10 =	sld [smem:$0x3FB0];
	_ =	sdelay $0x3  }
0x36: {  	p1 =	seq.s32 s10, $0x1;
	s10 =	sld [smem:$0x3FB1];
	_ =	sdelay $0x3  }
0x37: {  	[smem:$0x3FB1] =	sst s10  }
0x38: {  	s10 =	sld [smem:$0x3FB2]  }
0x39: {  	_ = 	snop;
	(pc) =	sbr.ind lr, $3  }
0x3a: {  	_ = 	snop  }
0x3b: {  	_ = 	snop  }
0x3c: {  	p2 =	seq.s32 s10, $0x1;
	s10 =	sld [smem:$0x3FB1]  }
0x3d: {  	_ =	shalt  }
0x3e: {  	_ =	shalt  }
0x3f: {  	_ =	shalt  }
0x40: {  	_ =	shalt  }
0x41: {  	_ =	shalt  }
0x42: {  	_ =	shalt  }
0x43: {  	_ =	shalt  }
0x44: {  	_ =	shalt  }
0x45: {  	_ =	shalt  }
0x46: {  	_ =	shalt  }
0x47: {  	_ =	shalt  }
0x48: {  	_ =	shalt  }
0x49: {  	_ =	shalt  }
0x4a: {  	_ =	shalt  }
0x4b: {  	_ =	shalt  }
0x4c: {  	_ =	shalt  }
0x4d: {  	_ =	shalt  }
0x4e: {  	_ =	shalt  }
0x4f: {  	_ =	shalt  }
0x50: {  	_ =	shalt  }
0x51: {  	_ =	shalt  }
0x52: {  	_ =	shalt  }
0x53: {  	_ =	shalt  }
0x54: {  	_ =	shalt  }
0x55: {  	_ =	shalt  }
0x56: {  	_ =	shalt  }
0x57: {  	_ =	shalt  }
0x58: {  	_ =	shalt  }
0x59: {  	_ =	shalt  }
0x5a: {  	_ =	shalt  }
0x5b: {  	_ =	shalt  }
0x5c: {  	_ =	shalt  }
0x5d: {  	_ =	shalt  }
0x5e: {  	_ =	shalt  }
0x5f: {  	_ =	shalt  }
0x60: {  	_ =	shalt  }
0x61: {  	_ =	shalt  }
0x62: {  	_ =	shalt  }
0x63: {  	_ =	shalt  }
0x64: {  	_ =	shalt  }
0x65: {  	_ =	shalt  }
0x66: {  	_ =	shalt  }
0x67: {  	_ =	shalt  }
0x68: {  	_ =	shalt  }
0x69: {  	_ =	shalt  }
0x6a: {  	_ =	shalt  }
0x6b: {  	_ =	shalt  }
0x6c: {  	_ =	shalt  }
0x6d: {  	_ =	shalt  }
0x6e: {  	_ =	shalt  }
0x6f: {  	_ =	shalt  }
0x70: {  	_ =	shalt  }
0x71: {  	_ =	shalt  }
0x72: {  	_ =	shalt  }
0x73: {  	_ =	shalt  }
0x74: {  	_ =	shalt  }
0x75: {  	_ =	shalt  }
0x76: {  	_ =	shalt  }
0x77: {  	_ =	shalt  }
0x78: {  	_ =	shalt  }
0x79: {  	_ =	shalt  }
0x7a: {  	_ =	shalt  }
0x7b: {  	_ =	shalt  }
0x7c: {  	_ =	shalt  }
0x7d: {  	_ =	shalt  }
0x7e: {  	_ =	shalt  }
0x7f: {  	_ =	shalt  }
0x80: {  	_ =	shalt  }
0x81: {  	_ =	shalt  }
0x82: {  	_ =	shalt  }
0x83: {  	_ =	shalt  }
0x84: {  	_ =	shalt  }
0x85: {  	_ =	shalt  }
0x86: {  	_ =	shalt  }
0x87: {  	_ =	shalt  }
.Lfunc_end0:
.L_simem_size_0:
called_computation_lowered:
.L_overlay_start_0:
0x88: {  	s2 =	sld [smem:$0x3FD9]  }
0x89: {  	s3 =	sld [smem:$0x3FFE];
	_ =	sdelay $0x1  }
0x8a: {  	s1 =	srdreg.scid  }
0x8b: {  	s0 =	sand.u32 $0x1, s1  }
0x8c: {  	s16 =	sshll.u32 s0, $0xA;
	s2 =	sadd.s32 s3, s2  }
0x8d: {  	s2 =	sadd.s32 s2, s16  }
0x8e: {  	[smem:$0x3FBD] =	sst s2  }
0x8f: {  	_ = 	snop  }
0x90: {  	(tm) =	ssettm $0x1  }
0x91: {  	s17 =	sld [smem:$0x3FFB];
	_ =	sdelay $0x3  }
0x92: {  	_ =	strace s17  }
0x93: {  	s2 =	sld [smem:$0x3FFC];
	_ =	sdelay $0x3  }
0x94: {  	_ =	strace s2  }
0x95: {  	s2 =	sld [smem:$0x3FFD];
	_ =	sdelay $0x3  }
0x96: {  	_ =	strace s2  }
0x97: {  	_ =	strace $0x8FFFFFFF  }
0x98: {  	s18 =	sld [smem:$0x3FDB];
	_ =	sdelay $0x1  }
0x99: {  	s19 =	simm.s32 $_scs_section_size  }
0x9a: {  	s4 =	simm.s32 $_size__tile_overlayer_lowered;
	s5 =	simm.s32 $_tile_overlayer_lowered  }
0x9b: {  	s22 =	simm.s32 $0x1BFF;
	s21 =	sshll.u32 s5, $0x1;
	s2 =	sadd.s32 s19, s18  }
0x9c: {  	s6 =	simm.s32 $0x0;
	s20 =	sshll.u32 s4, $0x1;
	s4 =	sadd.s32 s21, s2  }
0x9d: {  	[timem:s6], [sflag:s22] =	dma.local [hbm:s4], s20  }
0x9e: {  	_ =	swait.ge [sflag:s22], s20  }
0x9f: {  	s3 =	ssub.s32 $0x0, s20;
	[sflag:s22] =	ssyncset.done $0x0  }
0xa0: {  	[sflag:s22] =	ssyncadd.s32 s3;
	_ =	sdelay $0x1  }
0xa1: {  	s23 =	simm.s32 $0x1B8B  }
0xa2: {  	_ =	swait.ge [sflag:s23], $0x1  }
0xa3: {  	[sflag:s23] =	ssyncset.done $0x0  }
0xa4: {  	s25 =	simm.s32 $0x1B8E;
	s24 =	sld [smem:$0x3FFE];
	[sflag:s23] =	ssyncadd.s32 $0xFFFFFFFF  }
0xa5: {  	s26 =	simm.s32 $execute0_lowered;
	[smem:$0x3FD2] =	sst s25  }
0xa6: {  	s4 =	sshll.u32 s26, $0x1;
	_ =	strace $0x80000046;
	[dreg:$0x1] =	wrdreg $0xFFFFFFFF  }
0xa7: {  	s28 =	simm.s32 $_size_execute0_lowered;
	s2 =	sadd.s32 s2, s4;
	[dreg:$0x0] =	wrdreg $0x0  }
0xa8: {  	s4 =	sshll.u32 s28, $0x1;
	[dreg:$0x2] =	wrdreg s2  }
0xa9: {  	[dreg:$0x3] =	wrdreg s4  }
0xaa: {  	[dreg:$0x4] =	wrdreg $0xC0  }
0xab: {  	_ =	task [dreg:s6], $0x5FFFF  }
0xac: {  	[dreg:$0x1] =	wrdreg $0xFFFFFFFF  }
0xad: {  	[dreg:$0x0] =	wrdreg $0x60  }
0xae: {  	[dreg:$0x2] =	wrdreg s24  }
0xaf: {  	[dreg:$0x3] =	wrdreg $0x9  }
0xb0: {  	_ =	task.clear_ibuf [dreg:s6], $0x4FFFF;
	_ =	strace $0x90000046  }
0xb1: {  	s29 =	simm.s32 $0x9;
	_ =	strace $0x80000048  }
0xb2: {  	_ =	swait.ge [sflag:s29], $0x1  }
0xb3: {  	[sflag:s29] =	ssyncadd.s32 $0xFFFFFFFF  }
0xb4: {  	_ =	strace $0x90000048  }
0xb5: {  	_ =	sfence  }
0xb6: {  	s30 =	sld [smem:$0x0];
	_ =	sdelay $0x2  }
0xb7: {  	s31 =	sshll.u32 s1, $0xD;
	s1 =	sshrl.u32 s1, $0x2  }
0xb8: {  	s3 =	sand.u32 $0x4000, s31;
	s1 =	sadd.s32 s1, s30  }
0xb9: {  	s0 =	sor.u32 s3, s0;
	s1 =	sshll.u32 s1, $0x11  }
0xba: {  	s0 =	sor.u32 s1, s0  }
0xbb: {  	s0 =	sadd.s32 $0x8F2B, s0  }
0xbc: {  	[sflag:s0] =	ssyncadd.remote.s32 $0x1  }
0xbd: {  	_ =	sfence.sel $0xFFFF  }
0xbe: {  	[dreg:$0x0] =	wrdreg $0xFFFFFFFF;
	(pc) =	sbr.abs _section_cstart, $3  }
0xbf: {  	[dreg:$0x1] =	wrdreg $0xFFFFFFFF  }
0xc0: {  	_ =	task.clear_ibuf [dreg:s6], $0x2FFFF;
	_ =	strace $0x9FFFFFFF  }
0xc1: {  	(tm) =	ssettm $0x7FFFFFFF  }
tec
execute0_lowered:
.L_overlay_start_1:
0x0: {  	(tag) =	ssettag $0x1  }
0x1: {  	s1 =	srdreg.scid  }
0x2: {  	s0 =	stileid.u32;
	s4 =	rddreg [dreg:$0x0];
	s2 =	simm.s32 $0x0  }
0x3: {  	s3 =	sand.u32 $0x1, s1;
	s5 =	sshll.u32 s0, $0x1;
	s7 =	smul.u32 $0x4400, s0  }
0x4: {  	s1 =	rddreg [dreg:$0x1];
	s5 =	sor.u32 s3, s5;
	s9 =	smul.u32 $0x2200, s3  }
0x5: {  	v1 =	vimm.s32 $0x1389;
	[smem:$0x7FF] =	sst s2;
	s6 =	ssub.s32 $0x2, s3;
	s5 =	smul.u32 $0x2200, s5  }
0x6: {  	_ =	strace $0x80000047;
	s3 =	sadd.s32 $0x3E00, s4;
	s8 =	sshrl.u32 s6, $0x1  }
0x7: {  	s31 =	ssub.s32 s6, s8;
	s6 =	sadd.s32 s9, s7;
	s5 =	sshrl.u32 s5, $0x3  }
0x8: {  	s7 =	simm.s32 $0x2200;
	s8 =	simm.s32 $0x1;
	s4 =	sadd.s32 s5, s4  }
0x9: {  	v0 =	vlaneseq.u32;
	v2 =	vimm.s32 $0x2710;
	v3 =	vimm.s32 $0x1D4C;
	s9 =	simm.s32 $0x0;
	s5 =	smax.u32 s31, $0x1;
	s4 =	sadd.s32 $0x4400, s4  }
.LBB2_1:
0xa: {  	[tilespmem:s7], [sflag:$0x1] =	stream.linear.gather [hbm4b:s3+s2], $0x2780, $0x38;
	[tilespmem:$0x4980] =	vst v63  }
0xb: {  	_ =	swait.ge [sflag:s8], $0x2780  }
0xc: {  	[sflag:s8] =	ssyncset.done $0x0  }
0xd: {  	s10 =	smov.u32 s6;
	s11 =	simm.s32 $0x0;
	[sflag:s8] =	ssyncadd.s32 $0xFFFFD880  }
.LBB2_2:
0xe: {  	v4 =	vld.idx.msk [tilespmem:v1+s7+$0x0], $0xffff;
	_ =	sdelay $0x3  }
0xf: {  	v5 =	vor.u32 s10, v0  }
0x10: {  	vm0 =	vgt.s32 v4, v5  }
0x11: {  	v4 =	vsel vm0, $0x9C4, v3  }
0x12: {  	v6 =	vor.u32 $0x1, v4;
	_ =	sdelay $0x4  }
0x13: {  	v7 =	vld.idx.msk [tilespmem:v6+s7+$0x0], $0xffff;
	_ =	sdelay $0x4  }
0x14: {  	v8 =	vsel vm0, $0x1388, v2;
	vm1 =	vgt.s32 v7, v5  }
0x15: {  	v40 =	vsel vm0, $0x0, v1;
	v4 =	vsel vm1, v4, v8  }
0x16: {  	v6 =	vsel vm1, v40, v6;
	v41 =	vadd.s32 $0xFFFFFFFF, v4  }
0x17: {  	v7 =	vadd.s32 v41, v6  }
0x18: {  	v7 =	vadd.s32 $0x1, v7  }
0x19: {  	v7 =	vshrl.u32 v7, $0x1  }
0x1a: {  	v42 =	vor.u32 $0x1, v7;
	_ =	sdelay $0x4  }
0x1b: {  	v9 =	vld.idx.msk [tilespmem:v42+s7+$0x0], $0xffff;
	_ =	sdelay $0x4  }
0x1c: {  	vm4 =	vgt.s32 v9, v5  }
0x1d: {  	v6 =	vsel vm4, v6, v42;
	v4 =	vsel vm4, v7, v4  }
0x1e: {  	v7 =	vadd.s32 v4, v6  }
0x1f: {  	v7 =	vshrl.u32 v7, $0x1  }
0x20: {  	v43 =	vadd.s32 $0x1, v7;
	_ =	sdelay $0x4  }
0x21: {  	v44 =	vld.idx.msk [tilespmem:v43+s7+$0x0], $0xffff;
	_ =	sdelay $0x4  }
0x22: {  	vm5 =	vgt.s32 v44, v5  }
0x23: {  	v6 =	vsel vm5, v6, v43;
	v4 =	vsel vm5, v7, v4  }
0x24: {  	v7 =	vadd.s32 v4, v6  }
0x25: {  	v7 =	vshrl.u32 v7, $0x1  }
0x26: {  	v45 =	vadd.s32 $0x1, v7;
	_ =	sdelay $0x4  }
0x27: {  	v46 =	vld.idx.msk [tilespmem:v45+s7+$0x0], $0xffff;
	_ =	sdelay $0x4  }
0x28: {  	vm6 =	vgt.s32 v46, v5  }
0x29: {  	v6 =	vsel vm6, v6, v45;
	v4 =	vsel vm6, v7, v4  }
0x2a: {  	v7 =	vadd.s32 v4, v6  }
0x2b: {  	v7 =	vshrl.u32 v7, $0x1  }
0x2c: {  	v47 =	vadd.s32 $0x1, v7;
	_ =	sdelay $0x4  }
0x2d: {  	v48 =	vld.idx.msk [tilespmem:v47+s7+$0x0], $0xffff;
	_ =	sdelay $0x4  }
0x2e: {  	vm7 =	vgt.s32 v48, v5  }
0x2f: {  	v6 =	vsel vm7, v6, v47;
	v4 =	vsel vm7, v7, v4  }
0x30: {  	v7 =	vadd.s32 v4, v6  }
0x31: {  	v7 =	vshrl.u32 v7, $0x1  }
0x32: {  	v49 =	vadd.s32 $0x1, v7;
	_ =	sdelay $0x4  }
0x33: {  	v50 =	vld.idx.msk [tilespmem:v49+s7+$0x0], $0xffff;
	_ =	sdelay $0x4  }
0x34: {  	vm8 =	vgt.s32 v50, v5  }
0x35: {  	v6 =	vsel vm8, v6, v49;
	v4 =	vsel vm8, v7, v4  }
0x36: {  	v7 =	vadd.s32 v4, v6  }
0x37: {  	v7 =	vshrl.u32 v7, $0x1  }
0x38: {  	v51 =	vadd.s32 $0x1, v7;
	_ =	sdelay $0x4  }
0x39: {  	v52 =	vld.idx.msk [tilespmem:v51+s7+$0x0], $0xffff;
	_ =	sdelay $0x4  }
0x3a: {  	vm9 =	vgt.s32 v52, v5  }
0x3b: {  	v6 =	vsel vm9, v6, v51;
	v4 =	vsel vm9, v7, v4  }
0x3c: {  	v7 =	vadd.s32 v4, v6  }
0x3d: {  	v7 =	vshrl.u32 v7, $0x1  }
0x3e: {  	v53 =	vadd.s32 $0x1, v7;
	_ =	sdelay $0x4  }
0x3f: {  	v54 =	vld.idx.msk [tilespmem:v53+s7+$0x0], $0xffff;
	_ =	sdelay $0x4  }
0x40: {  	vm10 =	vgt.s32 v54, v5  }
0x41: {  	v6 =	vsel vm10, v6, v53;
	v4 =	vsel vm10, v7, v4  }
0x42: {  	v7 =	vadd.s32 v4, v6  }
0x43: {  	v7 =	vshrl.u32 v7, $0x1  }
0x44: {  	v55 =	vadd.s32 $0x1, v7;
	_ =	sdelay $0x4  }
0x45: {  	v56 =	vld.idx.msk [tilespmem:v55+s7+$0x0], $0xffff;
	_ =	sdelay $0x4  }
0x46: {  	vm11 =	vgt.s32 v56, v5  }
0x47: {  	v6 =	vsel vm11, v6, v55;
	v4 =	vsel vm11, v7, v4  }
0x48: {  	v7 =	vadd.s32 v4, v6  }
0x49: {  	v7 =	vshrl.u32 v7, $0x1  }
0x4a: {  	v57 =	vadd.s32 $0x1, v7;
	_ =	sdelay $0x4  }
0x4b: {  	v58 =	vld.idx.msk [tilespmem:v57+s7+$0x0], $0xffff;
	_ =	sdelay $0x4  }
0x4c: {  	vm12 =	vgt.s32 v58, v5  }
0x4d: {  	v6 =	vsel vm12, v6, v57;
	v4 =	vsel vm12, v7, v4  }
0x4e: {  	v7 =	vadd.s32 v4, v6  }
0x4f: {  	v7 =	vshrl.u32 v7, $0x1  }
0x50: {  	v59 =	vadd.s32 $0x1, v7;
	_ =	sdelay $0x4  }
0x51: {  	v60 =	vld.idx.msk [tilespmem:v59+s7+$0x0], $0xffff;
	_ =	sdelay $0x4  }
0x52: {  	vm13 =	vgt.s32 v60, v5  }
0x53: {  	v6 =	vsel vm13, v6, v59;
	v4 =	vsel vm13, v7, v4  }
0x54: {  	v7 =	vadd.s32 v4, v6  }
0x55: {  	v7 =	vshrl.u32 v7, $0x1  }
0x56: {  	v61 =	vadd.s32 $0x1, v7;
	_ =	sdelay $0x4  }
0x57: {  	v62 =	vld.idx.msk [tilespmem:v61+s7+$0x0], $0xffff;
	_ =	sdelay $0x4  }
0x58: {  	vm14 =	vgt.s32 v62, v5  }
0x59: {  	v6 =	vsel vm14, v6, v61;
	v4 =	vsel vm14, v7, v4  }
0x5a: {  	v4 =	vadd.s32 v4, v6  }
0x5b: {  	v4 =	vand.u32 $0xFFFF, v4  }
0x5c: {  	v4 =	vshrl.u32 v4, $0x1  }
0x5d: {  	v4 =	vadd.s32 $0x1, v4;
	_ =	sdelay $0x4  }
0x5e: {  	v63 =	vld.idx.msk [tilespmem:v4+s7+$0x0], $0xffff;
	_ =	sdelay $0x1  }
0x5f: {  	p0 =	sne.s32 s11, $0x87C0  }
.Ltmp0:
0x60: {  	_ = 	snop;
	(pc) =	sbr.rel @p0 .LBB2_2-.Ltmp0, $4  }
0x61: {  	_ = 	snop  }
0x62: {  	vm15 =	vgt.s32 v63, v5  }
0x63: {  	s12 =	sshra.s32 s11, $0x2;
	v4 =	vsel vm15, v6, v4  }
0x64: {  	s10 =	sadd.s32 $0x10, s10;
	s11 =	sadd.s32 $0x40, s11;
	[tilespmem:s12+$0x0] =	vst v4  }
0x65: {  	s9 =	sadd.s32 $0x1, s9  }
0x66: {  	p0 =	sne.s32 s9, s5  }
.Ltmp1:
0x67: {  	_ = 	snop;
	(pc) =	sbr.rel @p0 .LBB2_1-.Ltmp1, $4  }
0x68: {  	[hbm4b:s4+s2] =	stream.linear.scatter [tilespmem:s2], [sflag:$0x1], $0x2200, $0x38;
	[tilespmem:$0x4980] =	vst v63  }
0x69: {  	_ =	swait.ge [sflag:s8], $0x2200  }
0x6a: {  	[sflag:s8] =	ssyncset.done $0x0  }
0x6b: {  	[sflag:s8] =	ssyncadd.s32 $0xFFFFDE00  }
0x6c: {  	_ =	sfence.sel $0x180000  }
0x6d: {  	[bflag:$0x0] =	sbarrier.arrive $0xFFFF  }
0x6e: {  	p0 =	sne.s32 s0, $0x0;
	_ =	strace $0x90000047  }
0x6f: {  	s0 =	sadd.s32 @!p0 $0x100000, s1;
	[bflag:$0x2] =	sbarrier.arrive $0xFFFF  }
0x70: {  	[sflag:s0] =	ssyncadd.tile.s32 @!p0 $0x1;
	_ =	shalt  }
.Lfunc_end2:
_tile_overlayer_lowered:
.L_overlay_start_2:
0x71: {  	(tag) =	ssettag $0x2  }
0x72: {  	s0 =	rddreg [dreg:$0x0];
	s2 =	stileid.u32  }
0x73: {  	s1 =	rddreg [dreg:$0x1];
	p0 =	sne.s32 s2, $0x0  }
0x74: {  	s3 =	rddreg [dreg:$0x2];
	[bflag:$0x3] =	sbarrier.arrive $0xFFFF;
	s2 =	simm.s32 @!p0 $0x1C01  }
0x75: {  	[timem:s3], [sflag:s2] =	dma.local @!p0 [hbm:s0], s1  }
0x76: {  	s0 =	simm.s32 @!p0 $0x1  }
0x77: {  	_ =	swait.ge @!p0 [sflag:s0], s1  }
0x78: {  	s1 =	ssub.s32 @!p0 $0x0, s1;
	[sflag:s0] =	ssyncset.done @!p0 $0x0  }
0x79: {  	[sflag:s0] =	ssyncadd.s32 @!p0 s1  }
0x7a: {  	[bflag:$0x3] =	sbarrier.arrive $0xFFFF  }
0x7b: {  	_ =	shalt  }

// kernel: kernel.14.cloned.1.call-start
scs
__scs_entry_jumppad:
0x0: {  	(pc) =	sbr.rel $0x88, $3  }
0x1: {  	(tag) =	ssettag $0x0;
	lr =	simm.s32 $0x1  }
0x2: {  	[smem:$0x3F96] =	sst lr;
	_ =	strace $0xD0000000  }
0x3: {  	_ = 	snop  }
0x4: {  	_ = 	snop  }
0x5: {  	_ = 	snop  }
0x6: {  	_ = 	snop  }
0x7: {  	_ = 	snop  }
__scs_overlays_trampoline_lowered:
0x8: {  	[smem:$0x3FA5] =	sst s0  }
0x9: {  	[smem:$0x3FA6] =	sst s1  }
0xa: {  	[smem:$0x3FA7] =	sst s2  }
0xb: {  	[smem:$0x3FA8] =	sst s3  }
0xc: {  	[smem:$0x3FA9] =	sst s4  }
0xd: {  	[smem:$0x3FAA] =	sst s5  }
0xe: {  	[smem:$0x3FAB] =	sst s6  }
0xf: {  	[smem:$0x3FAC] =	sst s7  }
0x10: {  	[smem:$0x3FAD] =	sst s8  }
0x11: {  	[smem:$0x3FAE] =	sst s9;
	s0 =	simm.s32 @!p0 $0x0  }
0x12: {  	s1 =	sld [smem:$0x3F94];
	s0 =	simm.s32 @p0 $0x1  }
0x13: {  	[smem:$0x3FAF] =	sst s0;
	s0 =	simm.s32 @!p1 $0x0  }
0x14: {  	s2 =	sld [smem:$0x3F93];
	s0 =	simm.s32 @p1 $0x1  }
0x15: {  	[smem:$0x3FB0] =	sst s0;
	s0 =	simm.s32 @!p2 $0x0  }
0x16: {  	s3 =	sld [smem:$0x3FDB];
	s0 =	simm.s32 @p2 $0x1  }
0x17: {  	s4 =	simm.s32 $0x1BF5;
	[smem:$0x3FB2] =	sst s0  }
0x18: {  	s0 =	sld [smem:$0x3F95];
	_ =	swait.ge [sflag:s4], $0x0  }
0x19: {  	s7 =	sld [smem:$0x3F96]  }
0x1a: {  	s8 =	sadd.s32 $0xFFFFE003, lr  }
0x1b: {  	s9 =	sadd.s32 $0xFFFFFEF7, lr;
	s5 =	simm.s32 $0xFFFFFFFF;
	p2 =	slt.u32 s8, $0xFFFFF086  }
0x1c: {  	p1 =	slt.u32 s9, $0xF7A;
	s5 =	simm.s32 @!p2 $0x0  }
0x1d: {  	s5 =	simm.s32 @p1 $0x1;
	p0 =	seq.s32 s7, s2  }
0x1e: {  	s7 =	smul.u32 @!p0 $0xF7A, s2;
	p2 =	seq.s32 @!p0 s5, $0x0  }
0x1f: {  	s9 =	smul.u32 $0xF7A, s1;
	s8 =	simm.s32 @!p0 $0x1BF5;
	p2 =	por !p2, p0  }
0x20: {  	[sflag:s8] =	ssyncset.s32 @!p0 $0xFFFFF086;
	s6 =	sadd.s32 @!p0 s3, s7;
	s7 =	simm.s32 @!p0 $0x108  }
0x21: {  	s3 =	sadd.s32 s3, s9;
	s6 =	sadd.s32 @!p0 $0x88, s6;
	s7 =	simm.s32 @p2 $0x1082  }
0x22: {  	[simem:s7], [sflag:s8] =	dma.local @!p0 [hbm:s6], $0xF7A  }
0x23: {  	s9 =	sor.u32 $0xD0000000, s2;
	s6 =	simm.s32 $0x108;
	_ =	swait.ge @!p0 [sflag:s8], $0x0  }
0x24: {  	s3 =	sadd.s32 $0x88, s3;
	s6 =	simm.s32 @!p1 $0x1082;
	[sflag:s4] =	ssyncset.s32 $0xFFFFF086  }
0x25: {  	[simem:s6], [sflag:s4] =	dma.local [hbm:s3], $0xF7A  }
0x26: {  	[smem:$0x3F96] =	sst s1;
	(tag) =	ssettag s2;
	_ =	strace s9  }
0x27: {  	s1 =	sld [smem:$0x3FA6]  }
0x28: {  	s2 =	sld [smem:$0x3FA7]  }
0x29: {  	s4 =	sld [smem:$0x3FA9]  }
0x2a: {  	p0 =	seq.s32 s5, $0x0;
	s5 =	sld [smem:$0x3FAA]  }
0x2b: {  	s6 =	sld [smem:$0x3FAB]  }
0x2c: {  	s7 =	sld [smem:$0x3FAC]  }
0x2d: {  	s3 =	simm.s32 $0x108;
	s8 =	sld [smem:$0x3FAD]  }
0x2e: {  	s3 =	simm.s32 @!p0 $0x1082;
	s9 =	sld [smem:$0x3FAE]  }
0x2f: {  	lr =	sadd.s32 s0, s3;
	s0 =	sld [smem:$0x3FA5]  }
0x30: {  	s3 =	sld [smem:$0x3FA8]  }
0x31: {  	[smem:$0x3FB1] =	sst s10  }
0x32: {  	s10 =	sld [smem:$0x3FAF];
	_ =	sdelay $0x3  }
0x33: {  	p0 =	seq.s32 s10, $0x1;
	s10 =	sld [smem:$0x3FB1];
	_ =	sdelay $0x3  }
0x34: {  	[smem:$0x3FB1] =	sst s10  }
0x35: {  	s10 =	sld [smem:$0x3FB0];
	_ =	sdelay $0x3  }
0x36: {  	p1 =	seq.s32 s10, $0x1;
	s10 =	sld [smem:$0x3FB1];
	_ =	sdelay $0x3  }
0x37: {  	[smem:$0x3FB1] =	sst s10  }
0x38: {  	s10 =	sld [smem:$0x3FB2]  }
0x39: {  	_ = 	snop;
	(pc) =	sbr.ind lr, $3  }
0x3a: {  	_ = 	snop  }
0x3b: {  	_ = 	snop  }
0x3c: {  	p2 =	seq.s32 s10, $0x1;
	s10 =	sld [smem:$0x3FB1]  }
0x3d: {  	_ =	shalt  }
0x3e: {  	_ =	shalt  }
0x3f: {  	_ =	shalt  }
0x40: {  	_ =	shalt  }
0x41: {  	_ =	shalt  }
0x42: {  	_ =	shalt  }
0x43: {  	_ =	shalt  }
0x44: {  	_ =	shalt  }
0x45: {  	_ =	shalt  }
0x46: {  	_ =	shalt  }
0x47: {  	_ =	shalt  }
0x48: {  	_ =	shalt  }
0x49: {  	_ =	shalt  }
0x4a: {  	_ =	shalt  }
0x4b: {  	_ =	shalt  }
0x4c: {  	_ =	shalt  }
0x4d: {  	_ =	shalt  }
0x4e: {  	_ =	shalt  }
0x4f: {  	_ =	shalt  }
0x50: {  	_ =	shalt  }
0x51: {  	_ =	shalt  }
0x52: {  	_ =	shalt  }
0x53: {  	_ =	shalt  }
0x54: {  	_ =	shalt  }
0x55: {  	_ =	shalt  }
0x56: {  	_ =	shalt  }
0x57: {  	_ =	shalt  }
0x58: {  	_ =	shalt  }
0x59: {  	_ =	shalt  }
0x5a: {  	_ =	shalt  }
0x5b: {  	_ =	shalt  }
0x5c: {  	_ =	shalt  }
0x5d: {  	_ =	shalt  }
0x5e: {  	_ =	shalt  }
0x5f: {  	_ =	shalt  }
0x60: {  	_ =	shalt  }
0x61: {  	_ =	shalt  }
0x62: {  	_ =	shalt  }
0x63: {  	_ =	shalt  }
0x64: {  	_ =	shalt  }
0x65: {  	_ =	shalt  }
0x66: {  	_ =	shalt  }
0x67: {  	_ =	shalt  }
0x68: {  	_ =	shalt  }
0x69: {  	_ =	shalt  }
0x6a: {  	_ =	shalt  }
0x6b: {  	_ =	shalt  }
0x6c: {  	_ =	shalt  }
0x6d: {  	_ =	shalt  }
0x6e: {  	_ =	shalt  }
0x6f: {  	_ =	shalt  }
0x70: {  	_ =	shalt  }
0x71: {  	_ =	shalt  }
0x72: {  	_ =	shalt  }
0x73: {  	_ =	shalt  }
0x74: {  	_ =	shalt  }
0x75: {  	_ =	shalt  }
0x76: {  	_ =	shalt  }
0x77: {  	_ =	shalt  }
0x78: {  	_ =	shalt  }
0x79: {  	_ =	shalt  }
0x7a: {  	_ =	shalt  }
0x7b: {  	_ =	shalt  }
0x7c: {  	_ =	shalt  }
0x7d: {  	_ =	shalt  }
0x7e: {  	_ =	shalt  }
0x7f: {  	_ =	shalt  }
0x80: {  	_ =	shalt  }
0x81: {  	_ =	shalt  }
0x82: {  	_ =	shalt  }
0x83: {  	_ =	shalt  }
0x84: {  	_ =	shalt  }
0x85: {  	_ =	shalt  }
0x86: {  	_ =	shalt  }
0x87: {  	_ =	shalt  }
.Lfunc_end0:
.L_simem_size_0:
called_computation.1_lowered:
.L_overlay_start_0:
0x88: {  	s2 =	sld [smem:$0x3FD9]  }
0x89: {  	s3 =	sld [smem:$0x3FFE];
	_ =	sdelay $0x1  }
0x8a: {  	s1 =	srdreg.scid  }
0x8b: {  	s0 =	sand.u32 $0x1, s1  }
0x8c: {  	s17 =	sshll.u32 s0, $0xA;
	s2 =	sadd.s32 s3, s2  }
0x8d: {  	s2 =	sadd.s32 s2, s17  }
0x8e: {  	[smem:$0x3FBD] =	sst s2  }
0x8f: {  	_ = 	snop  }
0x90: {  	s18 =	sld [smem:$0x3FD0];
	(tm) =	ssettm $0x1  }
0x91: {  	s19 =	sld [smem:$0x3FFB];
	_ =	sdelay $0x3  }
0x92: {  	_ =	strace s19  }
0x93: {  	s2 =	sld [smem:$0x3FFC];
	_ =	sdelay $0x3  }
0x94: {  	_ =	strace s2  }
0x95: {  	s2 =	sld [smem:$0x3FFD];
	_ =	sdelay $0x3  }
0x96: {  	_ =	strace s2  }
0x97: {  	_ =	strace $0x8FFFFFFF  }
0x98: {  	s20 =	sld [smem:$0x3FDB];
	_ =	sdelay $0x1  }
0x99: {  	s4 =	simm.s32 $_scs_section_size  }
0x9a: {  	s5 =	simm.s32 $_size__tile_overlayer_lowered;
	s6 =	simm.s32 $_tile_overlayer_lowered  }
0x9b: {  	s7 =	simm.s32 $0x1BFF;
	s21 =	sshll.u32 s6, $0x1;
	s4 =	sadd.s32 s4, s20  }
0x9c: {  	s22 =	simm.s32 $0x0;
	s5 =	sshll.u32 s5, $0x1;
	s6 =	sadd.s32 s21, s4  }
0x9d: {  	[timem:s22], [sflag:s7] =	dma.local [hbm:s6], s5  }
0x9e: {  	_ =	swait.ge [sflag:s7], s5  }
0x9f: {  	s5 =	ssub.s32 $0x0, s5;
	[sflag:s7] =	ssyncset.done $0x0  }
0xa0: {  	[sflag:s7] =	ssyncadd.s32 s5;
	_ =	sdelay $0x1  }
0xa1: {  	s23 =	simm.s32 $0x1B8B  }
0xa2: {  	_ =	swait.ge [sflag:s23], $0x1  }
0xa3: {  	[sflag:s23] =	ssyncset.done $0x0  }
0xa4: {  	[sflag:s23] =	ssyncadd.s32 $0xFFFFFFFF  }
0xa5: {  	s5 =	sld [smem:$0x0]  }
0xa6: {  	s6 =	sand.u32 $0xFFFFFFFE, s1  }
0xa7: {  	p0 =	sne.s32 s1, s6  }
0xa8: {  	s6 =	sshll.u32 @p0 s6, $0xE  }
0xa9: {  	s6 =	sadd.s32 @p0 $0x11B8D, s6;
	s7 =	sshll.u32 @p0 s5, $0x11  }
0xaa: {  	s6 =	sor.u32 @p0 s7, s6  }
0xab: {  	[sflag:s6] =	ssyncadd.remote.s32 @p0 $0x1;
	_ =	sdelay $0x1  }
0xac: {  	s6 =	simm.s32 @p0 $0x1B8D  }
0xad: {  	_ =	swait.eq @p0 [sflag:s6], $0x1  }
0xae: {  	[sflag:s6] =	ssyncadd.s32 @p0 $0xFFFFFFFF  }
0xaf: {  	s7 =	sshll.u32 @!p0 s1, $0xE  }
0xb0: {  	s7 =	sor.u32 @!p0 $0x4000, s7;
	s6 =	simm.s32 @!p0 $0x1B8D  }
0xb1: {  	s5 =	sshll.u32 @!p0 s5, $0x11;
	s7 =	sadd.s32 @!p0 $0x11B8D, s7;
	_ =	swait.eq @!p0 [sflag:s6], $0x1  }
0xb2: {  	s5 =	sor.u32 @!p0 s5, s7;
	[sflag:s6] =	ssyncadd.s32 @!p0 $0xFFFFFFFF  }
0xb3: {  	s25 =	simm.s32 $0x1B8E;
	s24 =	sld [smem:$0x3FFE];
	[sflag:s5] =	ssyncadd.remote.s32 @!p0 $0x1  }
0xb4: {  	s26 =	simm.s32 $execute0_lowered;
	[smem:$0x3FD2] =	sst s25  }
0xb5: {  	s6 =	sshll.u32 s26, $0x1;
	_ =	strace $0x8000004C;
	[dreg:$0x1] =	wrdreg $0xFFFFFFFF  }
0xb6: {  	s28 =	simm.s32 $_size_execute0_lowered;
	s4 =	sadd.s32 s4, s6;
	[dreg:$0x0] =	wrdreg $0x0  }
0xb7: {  	s6 =	sshll.u32 s28, $0x1;
	[dreg:$0x2] =	wrdreg s4  }
0xb8: {  	[dreg:$0x3] =	wrdreg s6  }
0xb9: {  	[dreg:$0x4] =	wrdreg $0xC0  }
0xba: {  	_ =	task [dreg:s22], $0x5FFFF  }
0xbb: {  	[dreg:$0x1] =	wrdreg $0xFFFFFFFF  }
0xbc: {  	[dreg:$0x0] =	wrdreg $0x60  }
0xbd: {  	[dreg:$0x2] =	wrdreg s18  }
0xbe: {  	[dreg:$0x3] =	wrdreg s24  }
0xbf: {  	[dreg:$0x4] =	wrdreg $0x9  }
0xc0: {  	_ =	task.clear_ibuf [dreg:s22], $0x5FFFF;
	_ =	strace $0x9000004C  }
0xc1: {  	s29 =	simm.s32 $0x9;
	_ =	strace $0x8000004E  }
0xc2: {  	_ =	swait.ge [sflag:s29], $0x1  }
0xc3: {  	[sflag:s29] =	ssyncadd.s32 $0xFFFFFFFF  }
0xc4: {  	_ =	strace $0x9000004E  }
0xc5: {  	_ =	sfence  }
0xc6: {  	s30 =	sld [smem:$0x0];
	_ =	sdelay $0x2  }
0xc7: {  	s31 =	sshll.u32 s1, $0xD;
	s1 =	sshrl.u32 s1, $0x2  }
0xc8: {  	s4 =	sand.u32 $0x4000, s31;
	s1 =	sadd.s32 s1, s30  }
0xc9: {  	s0 =	sor.u32 s4, s0;
	s1 =	sshll.u32 s1, $0x11  }
0xca: {  	s0 =	sor.u32 s1, s0  }
0xcb: {  	s0 =	sadd.s32 $0x8F2B, s0  }
0xcc: {  	[sflag:s0] =	ssyncadd.remote.s32 $0x1  }
0xcd: {  	_ =	sfence.sel $0xFFFF  }
0xce: {  	[dreg:$0x0] =	wrdreg $0xFFFFFFFF;
	(pc) =	sbr.abs _section_cstart, $3  }
0xcf: {  	[dreg:$0x1] =	wrdreg $0xFFFFFFFF  }
0xd0: {  	_ =	task.clear_ibuf [dreg:s22], $0x2FFFF;
	_ =	strace $0x9FFFFFFF  }
0xd1: {  	(tm) =	ssettm $0x7FFFFFFF  }
tec
execute0_lowered:
.L_overlay_start_1:
0x0: {  	(tag) =	ssettag $0x1  }
0x1: {  	s1 =	srdreg.scid;
	s6 =	rddreg [dreg:$0x0]  }
0x2: {  	s0 =	stileid.u32;
	s7 =	rddreg [dreg:$0x1];
	s2 =	simm.s32 $0x0  }
0x3: {  	s14 =	simm.s32 $0xA200;
	s15 =	simm.s32 $0xE200;
	s16 =	simm.s32 $0x1  }
0x4: {  	s17 =	simm.s32 $0x2;
	s18 =	simm.s32 $0x3;
	s19 =	simm.s32 $0x0  }
0x5: {  	s5 =	sand.u32 $0x1, s1;
	s29 =	sshll.u32 s0, $0x1;
	s10 =	smul.u32 $0x22000, s0  }
0x6: {  	[smem:$0x7FF] =	sst s2;
	s1 =	sor.u32 s5, s29;
	s13 =	smul.u32 $0x11000, s5  }
0x7: {  	s4 =	sadd.s32 $0x34C00, s7;
	s11 =	ssub.s32 $0x2, s5;
	s3 =	smul.u32 $0x1100, s1  }
0x8: {  	s1 =	rddreg [dreg:$0x2];
	s12 =	sshrl.u32 s11, $0x1;
	s10 =	sadd.s32 s10, s7  }
0x9: {  	_ =	strace $0x8000004D;
	s30 =	ssub.s32 s11, s12;
	s31 =	sadd.s32 s13, s10  }
0xa: {  	s10 =	simm.s32 $0x4;
	s11 =	simm.s32 $0x80;
	s12 =	simm.s32 $0x2200  }
0xb: {  	s13 =	simm.s32 $0x6200;
	s8 =	sshrl.u32 s3, $0x3;
	s3 =	sadd.s32 $0xCC00, s7  }
0xc: {  	s9 =	sadd.s32 s8, s7;
	s5 =	sadd.s32 s6, s8;
	s8 =	sadd.s32 $0x49CC00, s31  }
0xd: {  	s7 =	smax.u32 s30, $0x1;
	s6 =	sadd.s32 $0x4400, s9;
	s9 =	sadd.s32 $0x6BCC00, s31  }
.LBB2_1:
0xe: {  	[tilespmem:s2], [sflag:$0x4] =	stream.linear.gather [hbm4b:s5+s2], $0x1100, $0x38;
	[tilespmem:$0x12200] =	vst v63  }
0xf: {  	_ =	swait.ge [sflag:s10], $0x1100  }
0x10: {  	[sflag:s10] =	ssyncset.done $0x0  }
0x11: {  	s20 =	simm.s32 $0x1100;
	[sflag:s10] =	ssyncadd.s32 $0xFFFFEF00  }
0x12: {  	[tilespmem:s20], [sflag:$0x4] =	stream.linear.gather [hbm4b:s6+s2], $0x1100, $0x38;
	[tilespmem:$0x12200] =	vst v63  }
0x13: {  	_ =	swait.ge [sflag:s10], $0x1100  }
0x14: {  	[sflag:s10] =	ssyncset.done $0x0  }
0x15: {  	[sflag:s10] =	ssyncadd.s32 $0xFFFFEF00  }
0x16: {  	[tilespmem:s12], [sflag:$0x1] =	stream.indirect.gather [hbm4b:s3+s11], $0x80, s2, s11, $0xb8;
	[tilespmem:$0x12200] =	vst v63  }
0x17: {  	_ = 	snop  }
0x18: {  	[tilespmem:s13], [sflag:$0x1] =	stream.indirect.gather [hbm4b:s4+s11], $0x80, s20, s11, $0xb8;
	[tilespmem:$0x12200] =	vst v63  }
0x19: {  	s21 =	simm.s32 $0x80  }
0x1a: {  	[tilespmem:s14], [sflag:$0x2] =	stream.indirect.gather [hbm4b:s3+s11], $0x80, s21, s11, $0xb8;
	[tilespmem:$0x12200] =	vst v63  }
0x1b: {  	s29 =	simm.s32 $0x1180  }
0x1c: {  	[tilespmem:s15], [sflag:$0x2] =	stream.indirect.gather [hbm4b:s4+s11], $0x80, s29, s11, $0xb8;
	[tilespmem:$0x12200] =	vst v63  }
0x1d: {  	_ =	swait.ge [sflag:s16], $0x4000  }
0x1e: {  	[sflag:s16] =	ssyncset.done $0x0  }
0x1f: {  	[sflag:s16] =	ssyncadd.s32 $0xFFFFC000  }
0x20: {  	_ =	swait.ge [sflag:s16], $0x4000  }
0x21: {  	[sflag:s16] =	ssyncset.done $0x0  }
0x22: {  	s30 =	sadd.s32 $0x0, s8;
	[sflag:s16] =	ssyncadd.s32 $0xFFFFC000  }
0x23: {  	[hbm4b:s30+s2] =	stream.linear.scatter [tilespmem:s12], [sflag:$0x3], $0x4000, $0x38;
	[tilespmem:$0x12200] =	vst v63  }
0x24: {  	s22 =	sadd.s32 $0x0, s9  }
0x25: {  	[hbm4b:s22+s2] =	stream.linear.scatter [tilespmem:s13], [sflag:$0x3], $0x4000, $0x38;
	[tilespmem:$0x12200] =	vst v63  }
0x26: {  	_ =	swait.ge [sflag:s17], $0x4000  }
0x27: {  	[sflag:s17] =	ssyncset.done $0x0  }
0x28: {  	[sflag:s17] =	ssyncadd.s32 $0xFFFFC000  }
0x29: {  	_ =	swait.ge [sflag:s17], $0x4000  }
0x2a: {  	[sflag:s17] =	ssyncset.done $0x0  }
0x2b: {  	s21 =	sadd.s32 $0x800, s30;
	[sflag:s17] =	ssyncadd.s32 $0xFFFFC000  }
0x2c: {  	[hbm4b:s21+s2] =	stream.linear.scatter [tilespmem:s14], [sflag:$0x3], $0x4000, $0x38;
	[tilespmem:$0x12200] =	vst v63  }
0x2d: {  	s31 =	sadd.s32 $0x800, s22  }
0x2e: {  	[hbm4b:s31+s2] =	stream.linear.scatter [tilespmem:s15], [sflag:$0x3], $0x4000, $0x38;
	[tilespmem:$0x12200] =	vst v63  }
0x2f: {  	_ =	swait.ge [sflag:s18], $0x4000  }
0x30: {  	[sflag:s18] =	ssyncset.done $0x0  }
0x31: {  	[sflag:s18] =	ssyncadd.s32 $0xFFFFC000  }
0x32: {  	_ =	swait.ge [sflag:s18], $0x4000  }
0x33: {  	[sflag:s18] =	ssyncset.done $0x0  }
0x34: {  	[sflag:s18] =	ssyncadd.s32 $0xFFFFC000  }
0x35: {  	_ =	swait.ge [sflag:s18], $0x4000  }
0x36: {  	[sflag:s18] =	ssyncset.done $0x0  }
0x37: {  	[sflag:s18] =	ssyncadd.s32 $0xFFFFC000  }
0x38: {  	_ =	swait.ge [sflag:s18], $0x4000  }
0x39: {  	s22 =	simm.s32 $0x0;
	s21 =	simm.s32 $0x1000;
	[sflag:s18] =	ssyncset.done $0x0  }
.LBB2_2:
0x3a: {  	[sflag:s18] =	ssyncadd.s32 $0xFFFFC000;
	s20 =	sadd.s32 $0x100, s20;
	s22 =	sadd.s32 $0x100, s22  }
0x3b: {  	[tilespmem:s12], [sflag:$0x1] =	stream.indirect.gather [hbm4b:s3+s11], $0x80, s22, s11, $0xb8;
	[tilespmem:$0x12200] =	vst v63  }
0x3c: {  	p0 =	sne.s32 s21, $0x10000;
	s23 =	smov.u32 s21;
	s21 =	sadd.s32 $0x1000, s21  }
0x3d: {  	[tilespmem:s13], [sflag:$0x1] =	stream.indirect.gather [hbm4b:s4+s11], $0x80, s20, s11, $0xb8;
	[tilespmem:$0x12200] =	vst v63  }
0x3e: {  	s24 =	sadd.s32 $0x80, s22  }
0x3f: {  	[tilespmem:s14], [sflag:$0x2] =	stream.indirect.gather [hbm4b:s3+s11], $0x80, s24, s11, $0xb8;
	[tilespmem:$0x12200] =	vst v63  }
0x40: {  	s24 =	sadd.s32 $0x80, s20  }
0x41: {  	[tilespmem:s15], [sflag:$0x2] =	stream.indirect.gather [hbm4b:s4+s11], $0x80, s24, s11, $0xb8;
	[tilespmem:$0x12200] =	vst v63  }
0x42: {  	_ =	swait.ge [sflag:s16], $0x4000  }
0x43: {  	[sflag:s16] =	ssyncset.done $0x0  }
0x44: {  	[sflag:s16] =	ssyncadd.s32 $0xFFFFC000  }
0x45: {  	_ =	swait.ge [sflag:s16], $0x4000  }
0x46: {  	[sflag:s16] =	ssyncset.done $0x0  }
0x47: {  	s24 =	sadd.s32 s23, s8;
	[sflag:s16] =	ssyncadd.s32 $0xFFFFC000  }
0x48: {  	[hbm4b:s24+s2] =	stream.linear.scatter [tilespmem:s12], [sflag:$0x3], $0x4000, $0x38;
	[tilespmem:$0x12200] =	vst v63  }
0x49: {  	s23 =	sadd.s32 s23, s9  }
0x4a: {  	[hbm4b:s23+s2] =	stream.linear.scatter [tilespmem:s13], [sflag:$0x3], $0x4000, $0x38;
	[tilespmem:$0x12200] =	vst v63  }
0x4b: {  	_ =	swait.ge [sflag:s17], $0x4000  }
0x4c: {  	[sflag:s17] =	ssyncset.done $0x0  }
0x4d: {  	[sflag:s17] =	ssyncadd.s32 $0xFFFFC000  }
0x4e: {  	_ =	swait.ge [sflag:s17], $0x4000  }
0x4f: {  	[sflag:s17] =	ssyncset.done $0x0  }
0x50: {  	s24 =	sadd.s32 $0x800, s24;
	[sflag:s17] =	ssyncadd.s32 $0xFFFFC000  }
0x51: {  	[hbm4b:s24+s2] =	stream.linear.scatter [tilespmem:s14], [sflag:$0x3], $0x4000, $0x38;
	[tilespmem:$0x12200] =	vst v63  }
0x52: {  	s23 =	sadd.s32 $0x800, s23  }
0x53: {  	[hbm4b:s23+s2] =	stream.linear.scatter [tilespmem:s15], [sflag:$0x3], $0x4000, $0x38;
	[tilespmem:$0x12200] =	vst v63  }
0x54: {  	_ =	swait.ge [sflag:s18], $0x4000  }
0x55: {  	[sflag:s18] =	ssyncset.done $0x0  }
0x56: {  	[sflag:s18] =	ssyncadd.s32 $0xFFFFC000  }
0x57: {  	_ =	swait.ge [sflag:s18], $0x4000  }
0x58: {  	[sflag:s18] =	ssyncset.done $0x0  }
0x59: {  	[sflag:s18] =	ssyncadd.s32 $0xFFFFC000  }
.Ltmp0:
0x5a: {  	_ =	swait.ge [sflag:s18], $0x4000;
	(pc) =	sbr.rel @p0 .LBB2_2-.Ltmp0, $4  }
0x5b: {  	[sflag:s18] =	ssyncset.done $0x0  }
0x5c: {  	[sflag:s18] =	ssyncadd.s32 $0xFFFFC000  }
0x5d: {  	_ =	swait.ge [sflag:s18], $0x4000  }
0x5e: {  	[sflag:s18] =	ssyncset.done $0x0  }
0x5f: {  	s19 =	sadd.s32 $0x1, s19  }
0x60: {  	p0 =	sne.s32 s19, s7  }
.Ltmp1:
0x61: {  	_ = 	snop;
	(pc) =	sbr.rel @p0 .LBB2_1-.Ltmp1, $2  }
0x62: {  	_ =	sdelay $0x2  }
0x63: {  	[sflag:s18] =	ssyncadd.s32 $0xFFFFC000  }
0x64: {  	_ =	sfence.sel $0x180000  }
0x65: {  	[bflag:$0x0] =	sbarrier.arrive $0xFFFF  }
0x66: {  	p0 =	sne.s32 s0, $0x0;
	_ =	strace $0x9000004D  }
0x67: {  	s0 =	sadd.s32 @!p0 $0x100000, s1;
	[bflag:$0x2] =	sbarrier.arrive $0xFFFF  }
0x68: {  	[sflag:s0] =	ssyncadd.tile.s32 @!p0 $0x1;
	_ =	shalt  }
.Lfunc_end2:
_tile_overlayer_lowered:
.L_overlay_start_2:
0x69: {  	(tag) =	ssettag $0x2  }
0x6a: {  	s0 =	rddreg [dreg:$0x0];
	s2 =	stileid.u32  }
0x6b: {  	s1 =	rddreg [dreg:$0x1];
	p0 =	sne.s32 s2, $0x0  }
0x6c: {  	s3 =	rddreg [dreg:$0x2];
	[bflag:$0x3] =	sbarrier.arrive $0xFFFF;
	s2 =	simm.s32 @!p0 $0x1C04  }
0x6d: {  	[timem:s3], [sflag:s2] =	dma.local @!p0 [hbm:s0], s1  }
0x6e: {  	s0 =	simm.s32 @!p0 $0x4  }
0x6f: {  	_ =	swait.ge @!p0 [sflag:s0], s1  }
0x70: {  	s1 =	ssub.s32 @!p0 $0x0, s1;
	[sflag:s0] =	ssyncset.done @!p0 $0x0  }
0x71: {  	[sflag:s0] =	ssyncadd.s32 @!p0 s1  }
0x72: {  	[bflag:$0x3] =	sbarrier.arrive $0xFFFF  }
0x73: {  	_ =	shalt  }

// kernel: kernel.17.cloned.1.call-start
scs
__scs_entry_jumppad:
0x0: {  	(pc) =	sbr.rel $0x88, $3  }
0x1: {  	(tag) =	ssettag $0x0;
	lr =	simm.s32 $0x1  }
0x2: {  	[smem:$0x3F96] =	sst lr;
	_ =	strace $0xD0000000  }
0x3: {  	_ = 	snop  }
0x4: {  	_ = 	snop  }
0x5: {  	_ = 	snop  }
0x6: {  	_ = 	snop  }
0x7: {  	_ = 	snop  }
__scs_overlays_trampoline_lowered:
0x8: {  	[smem:$0x3FA5] =	sst s0  }
0x9: {  	[smem:$0x3FA6] =	sst s1  }
0xa: {  	[smem:$0x3FA7] =	sst s2  }
0xb: {  	[smem:$0x3FA8] =	sst s3  }
0xc: {  	[smem:$0x3FA9] =	sst s4  }
0xd: {  	[smem:$0x3FAA] =	sst s5  }
0xe: {  	[smem:$0x3FAB] =	sst s6  }
0xf: {  	[smem:$0x3FAC] =	sst s7  }
0x10: {  	[smem:$0x3FAD] =	sst s8  }
0x11: {  	[smem:$0x3FAE] =	sst s9;
	s0 =	simm.s32 @!p0 $0x0  }
0x12: {  	s1 =	sld [smem:$0x3F94];
	s0 =	simm.s32 @p0 $0x1  }
0x13: {  	[smem:$0x3FAF] =	sst s0;
	s0 =	simm.s32 @!p1 $0x0  }
0x14: {  	s2 =	sld [smem:$0x3F93];
	s0 =	simm.s32 @p1 $0x1  }
0x15: {  	[smem:$0x3FB0] =	sst s0;
	s0 =	simm.s32 @!p2 $0x0  }
0x16: {  	s3 =	sld [smem:$0x3FDB];
	s0 =	simm.s32 @p2 $0x1  }
0x17: {  	s4 =	simm.s32 $0x1BF5;
	[smem:$0x3FB2] =	sst s0  }
0x18: {  	s0 =	sld [smem:$0x3F95];
	_ =	swait.ge [sflag:s4], $0x0  }
0x19: {  	s7 =	sld [smem:$0x3F96]  }
0x1a: {  	s8 =	sadd.s32 $0xFFFFE003, lr  }
0x1b: {  	s9 =	sadd.s32 $0xFFFFFEF7, lr;
	s5 =	simm.s32 $0xFFFFFFFF;
	p2 =	slt.u32 s8, $0xFFFFF086  }
0x1c: {  	p1 =	slt.u32 s9, $0xF7A;
	s5 =	simm.s32 @!p2 $0x0  }
0x1d: {  	s5 =	simm.s32 @p1 $0x1;
	p0 =	seq.s32 s7, s2  }
0x1e: {  	s7 =	smul.u32 @!p0 $0xF7A, s2;
	p2 =	seq.s32 @!p0 s5, $0x0  }
0x1f: {  	s9 =	smul.u32 $0xF7A, s1;
	s8 =	simm.s32 @!p0 $0x1BF5;
	p2 =	por !p2, p0  }
0x20: {  	[sflag:s8] =	ssyncset.s32 @!p0 $0xFFFFF086;
	s6 =	sadd.s32 @!p0 s3, s7;
	s7 =	simm.s32 @!p0 $0x108  }
0x21: {  	s3 =	sadd.s32 s3, s9;
	s6 =	sadd.s32 @!p0 $0x88, s6;
	s7 =	simm.s32 @p2 $0x1082  }
0x22: {  	[simem:s7], [sflag:s8] =	dma.local @!p0 [hbm:s6], $0xF7A  }
0x23: {  	s9 =	sor.u32 $0xD0000000, s2;
	s6 =	simm.s32 $0x108;
	_ =	swait.ge @!p0 [sflag:s8], $0x0  }
0x24: {  	s3 =	sadd.s32 $0x88, s3;
	s6 =	simm.s32 @!p1 $0x1082;
	[sflag:s4] =	ssyncset.s32 $0xFFFFF086  }
0x25: {  	[simem:s6], [sflag:s4] =	dma.local [hbm:s3], $0xF7A  }
0x26: {  	[smem:$0x3F96] =	sst s1;
	(tag) =	ssettag s2;
	_ =	strace s9  }
0x27: {  	s1 =	sld [smem:$0x3FA6]  }
0x28: {  	s2 =	sld [smem:$0x3FA7]  }
0x29: {  	s4 =	sld [smem:$0x3FA9]  }
0x2a: {  	p0 =	seq.s32 s5, $0x0;
	s5 =	sld [smem:$0x3FAA]  }
0x2b: {  	s6 =	sld [smem:$0x3FAB]  }
0x2c: {  	s7 =	sld [smem:$0x3FAC]  }
0x2d: {  	s3 =	simm.s32 $0x108;
	s8 =	sld [smem:$0x3FAD]  }
0x2e: {  	s3 =	simm.s32 @!p0 $0x1082;
	s9 =	sld [smem:$0x3FAE]  }
0x2f: {  	lr =	sadd.s32 s0, s3;
	s0 =	sld [smem:$0x3FA5]  }
0x30: {  	s3 =	sld [smem:$0x3FA8]  }
0x31: {  	[smem:$0x3FB1] =	sst s10  }
0x32: {  	s10 =	sld [smem:$0x3FAF];
	_ =	sdelay $0x3  }
0x33: {  	p0 =	seq.s32 s10, $0x1;
	s10 =	sld [smem:$0x3FB1];
	_ =	sdelay $0x3  }
0x34: {  	[smem:$0x3FB1] =	sst s10  }
0x35: {  	s10 =	sld [smem:$0x3FB0];
	_ =	sdelay $0x3  }
0x36: {  	p1 =	seq.s32 s10, $0x1;
	s10 =	sld [smem:$0x3FB1];
	_ =	sdelay $0x3  }
0x37: {  	[smem:$0x3FB1] =	sst s10  }
0x38: {  	s10 =	sld [smem:$0x3FB2]  }
0x39: {  	_ = 	snop;
	(pc) =	sbr.ind lr, $3  }
0x3a: {  	_ = 	snop  }
0x3b: {  	_ = 	snop  }
0x3c: {  	p2 =	seq.s32 s10, $0x1;
	s10 =	sld [smem:$0x3FB1]  }
0x3d: {  	_ =	shalt  }
0x3e: {  	_ =	shalt  }
0x3f: {  	_ =	shalt  }
0x40: {  	_ =	shalt  }
0x41: {  	_ =	shalt  }
0x42: {  	_ =	shalt  }
0x43: {  	_ =	shalt  }
0x44: {  	_ =	shalt  }
0x45: {  	_ =	shalt  }
0x46: {  	_ =	shalt  }
0x47: {  	_ =	shalt  }
0x48: {  	_ =	shalt  }
0x49: {  	_ =	shalt  }
0x4a: {  	_ =	shalt  }
0x4b: {  	_ =	shalt  }
0x4c: {  	_ =	shalt  }
0x4d: {  	_ =	shalt  }
0x4e: {  	_ =	shalt  }
0x4f: {  	_ =	shalt  }
0x50: {  	_ =	shalt  }
0x51: {  	_ =	shalt  }
0x52: {  	_ =	shalt  }
0x53: {  	_ =	shalt  }
0x54: {  	_ =	shalt  }
0x55: {  	_ =	shalt  }
0x56: {  	_ =	shalt  }
0x57: {  	_ =	shalt  }
0x58: {  	_ =	shalt  }
0x59: {  	_ =	shalt  }
0x5a: {  	_ =	shalt  }
0x5b: {  	_ =	shalt  }
0x5c: {  	_ =	shalt  }
0x5d: {  	_ =	shalt  }
0x5e: {  	_ =	shalt  }
0x5f: {  	_ =	shalt  }
0x60: {  	_ =	shalt  }
0x61: {  	_ =	shalt  }
0x62: {  	_ =	shalt  }
0x63: {  	_ =	shalt  }
0x64: {  	_ =	shalt  }
0x65: {  	_ =	shalt  }
0x66: {  	_ =	shalt  }
0x67: {  	_ =	shalt  }
0x68: {  	_ =	shalt  }
0x69: {  	_ =	shalt  }
0x6a: {  	_ =	shalt  }
0x6b: {  	_ =	shalt  }
0x6c: {  	_ =	shalt  }
0x6d: {  	_ =	shalt  }
0x6e: {  	_ =	shalt  }
0x6f: {  	_ =	shalt  }
0x70: {  	_ =	shalt  }
0x71: {  	_ =	shalt  }
0x72: {  	_ =	shalt  }
0x73: {  	_ =	shalt  }
0x74: {  	_ =	shalt  }
0x75: {  	_ =	shalt  }
0x76: {  	_ =	shalt  }
0x77: {  	_ =	shalt  }
0x78: {  	_ =	shalt  }
0x79: {  	_ =	shalt  }
0x7a: {  	_ =	shalt  }
0x7b: {  	_ =	shalt  }
0x7c: {  	_ =	shalt  }
0x7d: {  	_ =	shalt  }
0x7e: {  	_ =	shalt  }
0x7f: {  	_ =	shalt  }
0x80: {  	_ =	shalt  }
0x81: {  	_ =	shalt  }
0x82: {  	_ =	shalt  }
0x83: {  	_ =	shalt  }
0x84: {  	_ =	shalt  }
0x85: {  	_ =	shalt  }
0x86: {  	_ =	shalt  }
0x87: {  	_ =	shalt  }
.Lfunc_end0:
.L_simem_size_0:
called_computation.2_lowered:
.L_overlay_start_0:
0x88: {  	s2 =	sld [smem:$0x3FD9]  }
0x89: {  	s3 =	sld [smem:$0x3FFE];
	_ =	sdelay $0x1  }
0x8a: {  	s1 =	srdreg.scid  }
0x8b: {  	s0 =	sand.u32 $0x1, s1  }
0x8c: {  	s17 =	sshll.u32 s0, $0xA;
	s2 =	sadd.s32 s3, s2  }
0x8d: {  	s2 =	sadd.s32 s2, s17  }
0x8e: {  	[smem:$0x3FBD] =	sst s2  }
0x8f: {  	_ = 	snop  }
0x90: {  	s2 =	sld [smem:$0x3FD0];
	(tm) =	ssettm $0x1  }
0x91: {  	s18 =	sld [smem:$0x3FFB];
	_ =	sdelay $0x3  }
0x92: {  	_ =	strace s18  }
0x93: {  	s3 =	sld [smem:$0x3FFC];
	_ =	sdelay $0x3  }
0x94: {  	_ =	strace s3  }
0x95: {  	s3 =	sld [smem:$0x3FFD];
	_ =	sdelay $0x3  }
0x96: {  	_ =	strace s3  }
0x97: {  	_ =	strace $0x8FFFFFFF  }
0x98: {  	s19 =	sld [smem:$0x3FDB];
	_ =	sdelay $0x1  }
0x99: {  	s4 =	simm.s32 $_scs_section_size  }
0x9a: {  	s5 =	simm.s32 $_size__tile_overlayer_lowered;
	s6 =	simm.s32 $_tile_overlayer_lowered  }
0x9b: {  	s22 =	simm.s32 $0x1BFF;
	s21 =	sshll.u32 s6, $0x1;
	s3 =	sadd.s32 s4, s19  }
0x9c: {  	s7 =	simm.s32 $0x0;
	s20 =	sshll.u32 s5, $0x1;
	s5 =	sadd.s32 s21, s3  }
0x9d: {  	[timem:s7], [sflag:s22] =	dma.local [hbm:s5], s20  }
0x9e: {  	_ =	swait.ge [sflag:s22], s20  }
0x9f: {  	s4 =	ssub.s32 $0x0, s20;
	[sflag:s22] =	ssyncset.done $0x0  }
0xa0: {  	[sflag:s22] =	ssyncadd.s32 s4;
	_ =	sdelay $0x1  }
0xa1: {  	s23 =	simm.s32 $0x1B8B  }
0xa2: {  	_ =	swait.ge [sflag:s23], $0x1  }
0xa3: {  	[sflag:s23] =	ssyncset.done $0x0  }
0xa4: {  	s25 =	simm.s32 $0x1B8E;
	s24 =	sld [smem:$0x3FFE];
	[sflag:s23] =	ssyncadd.s32 $0xFFFFFFFF  }
0xa5: {  	s26 =	simm.s32 $execute0_lowered;
	[smem:$0x3FD2] =	sst s25  }
0xa6: {  	s5 =	sshll.u32 s26, $0x1;
	_ =	strace $0x80000049;
	[dreg:$0x1] =	wrdreg $0xFFFFFFFF  }
0xa7: {  	s28 =	simm.s32 $_size_execute0_lowered;
	s3 =	sadd.s32 s3, s5;
	[dreg:$0x0] =	wrdreg $0x0  }
0xa8: {  	s5 =	sshll.u32 s28, $0x1;
	[dreg:$0x2] =	wrdreg s3  }
0xa9: {  	[dreg:$0x3] =	wrdreg s5  }
0xaa: {  	[dreg:$0x4] =	wrdreg $0xC0  }
0xab: {  	_ =	task [dreg:s7], $0x5FFFF  }
0xac: {  	[dreg:$0x1] =	wrdreg $0xFFFFFFFF  }
0xad: {  	[dreg:$0x0] =	wrdreg $0x60  }
0xae: {  	[dreg:$0x2] =	wrdreg s2  }
0xaf: {  	[dreg:$0x3] =	wrdreg s24  }
0xb0: {  	[dreg:$0x4] =	wrdreg $0xA  }
0xb1: {  	_ =	task.clear_ibuf [dreg:s7], $0x5FFFF;
	_ =	strace $0x90000049  }
0xb2: {  	s29 =	simm.s32 $0xA;
	_ =	strace $0x8000004B  }
0xb3: {  	_ =	swait.ge [sflag:s29], $0x1  }
0xb4: {  	[sflag:s29] =	ssyncadd.s32 $0xFFFFFFFF  }
0xb5: {  	_ =	strace $0x9000004B  }
0xb6: {  	_ =	sfence  }
0xb7: {  	s30 =	sld [smem:$0x0];
	_ =	sdelay $0x2  }
0xb8: {  	s31 =	sshll.u32 s1, $0xD;
	s1 =	sshrl.u32 s1, $0x2  }
0xb9: {  	s3 =	sand.u32 $0x4000, s31;
	s1 =	sadd.s32 s1, s30  }
0xba: {  	s0 =	sor.u32 s3, s0;
	s1 =	sshll.u32 s1, $0x11  }
0xbb: {  	s0 =	sor.u32 s1, s0  }
0xbc: {  	s0 =	sadd.s32 $0x8F2B, s0  }
0xbd: {  	[sflag:s0] =	ssyncadd.remote.s32 $0x1  }
0xbe: {  	_ =	sfence.sel $0xFFFF  }
0xbf: {  	[dreg:$0x0] =	wrdreg $0xFFFFFFFF;
	(pc) =	sbr.abs _section_cstart, $3  }
0xc0: {  	[dreg:$0x1] =	wrdreg $0xFFFFFFFF  }
0xc1: {  	_ =	task.clear_ibuf [dreg:s7], $0x2FFFF;
	_ =	strace $0x9FFFFFFF  }
0xc2: {  	(tm) =	ssettm $0x7FFFFFFF  }
0xc3: {  	_ =	shalt  }
tec
execute0_lowered:
.L_overlay_start_1:
0x0: {  	(tag) =	ssettag $0x1  }
0x1: {  	s1 =	srdreg.scid  }
0x2: {  	s0 =	stileid.u32;
	s6 =	rddreg [dreg:$0x0]  }
0x3: {  	s7 =	rddreg [dreg:$0x1];
	s2 =	simm.s32 $0x0;
	s14 =	simm.s32 $0xA200  }
0x4: {  	s15 =	simm.s32 $0xE200;
	s16 =	simm.s32 $0x1;
	s17 =	simm.s32 $0x2  }
0x5: {  	s18 =	simm.s32 $0x3;
	s19 =	simm.s32 $0x0;
	s5 =	sand.u32 $0x1, s1  }
0x6: {  	s29 =	sshll.u32 s0, $0x1;
	[smem:$0x7FF] =	sst s2;
	s10 =	smul.u32 $0x22000, s0  }
0x7: {  	s4 =	sadd.s32 $0x34C00, s7;
	s1 =	sor.u32 s5, s29;
	s13 =	smul.u32 $0x11000, s5  }
0x8: {  	s11 =	ssub.s32 $0x2, s5;
	s3 =	smul.u32 $0x1100, s1;
	s1 =	rddreg [dreg:$0x2]  }
0x9: {  	_ =	strace $0x8000004A;
	s12 =	sshrl.u32 s11, $0x1;
	s10 =	sadd.s32 s10, s7  }
0xa: {  	s30 =	ssub.s32 s11, s12;
	s31 =	sadd.s32 s13, s10;
	s10 =	simm.s32 $0x4  }
0xb: {  	s11 =	simm.s32 $0x80;
	s12 =	simm.s32 $0x2200;
	s3 =	sshrl.u32 s3, $0x3  }
0xc: {  	s13 =	simm.s32 $0x6200;
	s8 =	sadd.s32 $0x4400, s3;
	s3 =	sadd.s32 $0xCC00, s7  }
0xd: {  	s9 =	sadd.s32 s8, s7;
	s5 =	sadd.s32 s6, s8;
	s7 =	smax.u32 s30, $0x1  }
0xe: {  	s8 =	sadd.s32 $0x5CC00, s31;
	s6 =	sadd.s32 $0x4400, s9;
	s9 =	sadd.s32 $0x27CC00, s31  }
.LBB2_1:
0xf: {  	[tilespmem:s2], [sflag:$0x4] =	stream.linear.gather [hbm4b:s5+s2], $0x1100, $0x38;
	[tilespmem:$0x12200] =	vst v63  }
0x10: {  	_ =	swait.ge [sflag:s10], $0x1100  }
0x11: {  	[sflag:s10] =	ssyncset.done $0x0  }
0x12: {  	s20 =	simm.s32 $0x1100;
	[sflag:s10] =	ssyncadd.s32 $0xFFFFEF00  }
0x13: {  	[tilespmem:s20], [sflag:$0x4] =	stream.linear.gather [hbm4b:s6+s2], $0x1100, $0x38;
	[tilespmem:$0x12200] =	vst v63  }
0x14: {  	_ =	swait.ge [sflag:s10], $0x1100  }
0x15: {  	[sflag:s10] =	ssyncset.done $0x0  }
0x16: {  	[sflag:s10] =	ssyncadd.s32 $0xFFFFEF00  }
0x17: {  	[tilespmem:s12], [sflag:$0x1] =	stream.indirect.gather [hbm4b:s3+s11], $0x80, s2, s11, $0xb8;
	[tilespmem:$0x12200] =	vst v63  }
0x18: {  	_ = 	snop  }
0x19: {  	[tilespmem:s13], [sflag:$0x1] =	stream.indirect.gather [hbm4b:s4+s11], $0x80, s20, s11, $0xb8;
	[tilespmem:$0x12200] =	vst v63  }
0x1a: {  	s21 =	simm.s32 $0x80  }
0x1b: {  	[tilespmem:s14], [sflag:$0x2] =	stream.indirect.gather [hbm4b:s3+s11], $0x80, s21, s11, $0xb8;
	[tilespmem:$0x12200] =	vst v63  }
0x1c: {  	s29 =	simm.s32 $0x1180  }
0x1d: {  	[tilespmem:s15], [sflag:$0x2] =	stream.indirect.gather [hbm4b:s4+s11], $0x80, s29, s11, $0xb8;
	[tilespmem:$0x12200] =	vst v63  }
0x1e: {  	_ =	swait.ge [sflag:s16], $0x4000  }
0x1f: {  	[sflag:s16] =	ssyncset.done $0x0  }
0x20: {  	[sflag:s16] =	ssyncadd.s32 $0xFFFFC000  }
0x21: {  	_ =	swait.ge [sflag:s16], $0x4000  }
0x22: {  	[sflag:s16] =	ssyncset.done $0x0  }
0x23: {  	s30 =	sadd.s32 $0x0, s8;
	[sflag:s16] =	ssyncadd.s32 $0xFFFFC000  }
0x24: {  	[hbm4b:s30+s2] =	stream.linear.scatter [tilespmem:s12], [sflag:$0x3], $0x4000, $0x38;
	[tilespmem:$0x12200] =	vst v63  }
0x25: {  	s22 =	sadd.s32 $0x0, s9  }
0x26: {  	[hbm4b:s22+s2] =	stream.linear.scatter [tilespmem:s13], [sflag:$0x3], $0x4000, $0x38;
	[tilespmem:$0x12200] =	vst v63  }
0x27: {  	_ =	swait.ge [sflag:s17], $0x4000  }
0x28: {  	[sflag:s17] =	ssyncset.done $0x0  }
0x29: {  	[sflag:s17] =	ssyncadd.s32 $0xFFFFC000  }
0x2a: {  	_ =	swait.ge [sflag:s17], $0x4000  }
0x2b: {  	[sflag:s17] =	ssyncset.done $0x0  }
0x2c: {  	s21 =	sadd.s32 $0x800, s30;
	[sflag:s17] =	ssyncadd.s32 $0xFFFFC000  }
0x2d: {  	[hbm4b:s21+s2] =	stream.linear.scatter [tilespmem:s14], [sflag:$0x3], $0x4000, $0x38;
	[tilespmem:$0x12200] =	vst v63  }
0x2e: {  	s31 =	sadd.s32 $0x800, s22  }
0x2f: {  	[hbm4b:s31+s2] =	stream.linear.scatter [tilespmem:s15], [sflag:$0x3], $0x4000, $0x38;
	[tilespmem:$0x12200] =	vst v63  }
0x30: {  	_ =	swait.ge [sflag:s18], $0x4000  }
0x31: {  	[sflag:s18] =	ssyncset.done $0x0  }
0x32: {  	[sflag:s18] =	ssyncadd.s32 $0xFFFFC000  }
0x33: {  	_ =	swait.ge [sflag:s18], $0x4000  }
0x34: {  	[sflag:s18] =	ssyncset.done $0x0  }
0x35: {  	[sflag:s18] =	ssyncadd.s32 $0xFFFFC000  }
0x36: {  	_ =	swait.ge [sflag:s18], $0x4000  }
0x37: {  	[sflag:s18] =	ssyncset.done $0x0  }
0x38: {  	[sflag:s18] =	ssyncadd.s32 $0xFFFFC000  }
0x39: {  	_ =	swait.ge [sflag:s18], $0x4000  }
0x3a: {  	s22 =	simm.s32 $0x0;
	s21 =	simm.s32 $0x1000;
	[sflag:s18] =	ssyncset.done $0x0  }
.LBB2_2:
0x3b: {  	[sflag:s18] =	ssyncadd.s32 $0xFFFFC000;
	s20 =	sadd.s32 $0x100, s20;
	s22 =	sadd.s32 $0x100, s22  }
0x3c: {  	[tilespmem:s12], [sflag:$0x1] =	stream.indirect.gather [hbm4b:s3+s11], $0x80, s22, s11, $0xb8;
	[tilespmem:$0x12200] =	vst v63  }
0x3d: {  	p0 =	sne.s32 s21, $0x10000;
	s23 =	smov.u32 s21;
	s21 =	sadd.s32 $0x1000, s21  }
0x3e: {  	[tilespmem:s13], [sflag:$0x1] =	stream.indirect.gather [hbm4b:s4+s11], $0x80, s20, s11, $0xb8;
	[tilespmem:$0x12200] =	vst v63  }
0x3f: {  	s24 =	sadd.s32 $0x80, s22  }
0x40: {  	[tilespmem:s14], [sflag:$0x2] =	stream.indirect.gather [hbm4b:s3+s11], $0x80, s24, s11, $0xb8;
	[tilespmem:$0x12200] =	vst v63  }
0x41: {  	s24 =	sadd.s32 $0x80, s20  }
0x42: {  	[tilespmem:s15], [sflag:$0x2] =	stream.indirect.gather [hbm4b:s4+s11], $0x80, s24, s11, $0xb8;
	[tilespmem:$0x12200] =	vst v63  }
0x43: {  	_ =	swait.ge [sflag:s16], $0x4000  }
0x44: {  	[sflag:s16] =	ssyncset.done $0x0  }
0x45: {  	[sflag:s16] =	ssyncadd.s32 $0xFFFFC000  }
0x46: {  	_ =	swait.ge [sflag:s16], $0x4000  }
0x47: {  	[sflag:s16] =	ssyncset.done $0x0  }
0x48: {  	s24 =	sadd.s32 s23, s8;
	[sflag:s16] =	ssyncadd.s32 $0xFFFFC000  }
0x49: {  	[hbm4b:s24+s2] =	stream.linear.scatter [tilespmem:s12], [sflag:$0x3], $0x4000, $0x38;
	[tilespmem:$0x12200] =	vst v63  }
0x4a: {  	s23 =	sadd.s32 s23, s9  }
0x4b: {  	[hbm4b:s23+s2] =	stream.linear.scatter [tilespmem:s13], [sflag:$0x3], $0x4000, $0x38;
	[tilespmem:$0x12200] =	vst v63  }
0x4c: {  	_ =	swait.ge [sflag:s17], $0x4000  }
0x4d: {  	[sflag:s17] =	ssyncset.done $0x0  }
0x4e: {  	[sflag:s17] =	ssyncadd.s32 $0xFFFFC000  }
0x4f: {  	_ =	swait.ge [sflag:s17], $0x4000  }
0x50: {  	[sflag:s17] =	ssyncset.done $0x0  }
0x51: {  	s24 =	sadd.s32 $0x800, s24;
	[sflag:s17] =	ssyncadd.s32 $0xFFFFC000  }
0x52: {  	[hbm4b:s24+s2] =	stream.linear.scatter [tilespmem:s14], [sflag:$0x3], $0x4000, $0x38;
	[tilespmem:$0x12200] =	vst v63  }
0x53: {  	s23 =	sadd.s32 $0x800, s23  }
0x54: {  	[hbm4b:s23+s2] =	stream.linear.scatter [tilespmem:s15], [sflag:$0x3], $0x4000, $0x38;
	[tilespmem:$0x12200] =	vst v63  }
0x55: {  	_ =	swait.ge [sflag:s18], $0x4000  }
0x56: {  	[sflag:s18] =	ssyncset.done $0x0  }
0x57: {  	[sflag:s18] =	ssyncadd.s32 $0xFFFFC000  }
0x58: {  	_ =	swait.ge [sflag:s18], $0x4000  }
0x59: {  	[sflag:s18] =	ssyncset.done $0x0  }
0x5a: {  	[sflag:s18] =	ssyncadd.s32 $0xFFFFC000  }
.Ltmp0:
0x5b: {  	_ =	swait.ge [sflag:s18], $0x4000;
	(pc) =	sbr.rel @p0 .LBB2_2-.Ltmp0, $4  }
0x5c: {  	[sflag:s18] =	ssyncset.done $0x0  }
0x5d: {  	[sflag:s18] =	ssyncadd.s32 $0xFFFFC000  }
0x5e: {  	_ =	swait.ge [sflag:s18], $0x4000  }
0x5f: {  	[sflag:s18] =	ssyncset.done $0x0  }
0x60: {  	s19 =	sadd.s32 $0x1, s19  }
0x61: {  	p0 =	sne.s32 s19, s7  }
.Ltmp1:
0x62: {  	_ = 	snop;
	(pc) =	sbr.rel @p0 .LBB2_1-.Ltmp1, $2  }
0x63: {  	_ =	sdelay $0x2  }
0x64: {  	[sflag:s18] =	ssyncadd.s32 $0xFFFFC000  }
0x65: {  	_ =	sfence.sel $0x180000  }
0x66: {  	[bflag:$0x0] =	sbarrier.arrive $0xFFFF  }
0x67: {  	p0 =	sne.s32 s0, $0x0;
	_ =	strace $0x9000004A  }
0x68: {  	s0 =	sadd.s32 @!p0 $0x100000, s1;
	[bflag:$0x2] =	sbarrier.arrive $0xFFFF  }
0x69: {  	[sflag:s0] =	ssyncadd.tile.s32 @!p0 $0x1;
	_ =	shalt  }
.Lfunc_end2:
_tile_overlayer_lowered:
.L_overlay_start_2:
0x6a: {  	(tag) =	ssettag $0x2  }
0x6b: {  	s0 =	rddreg [dreg:$0x0];
	s2 =	stileid.u32  }
0x6c: {  	s1 =	rddreg [dreg:$0x1];
	p0 =	sne.s32 s2, $0x0  }
0x6d: {  	s3 =	rddreg [dreg:$0x2];
	[bflag:$0x3] =	sbarrier.arrive $0xFFFF;
	s2 =	simm.s32 @!p0 $0x1C04  }
0x6e: {  	[timem:s3], [sflag:s2] =	dma.local @!p0 [hbm:s0], s1  }
0x6f: {  	s0 =	simm.s32 @!p0 $0x4  }
0x70: {  	_ =	swait.ge @!p0 [sflag:s0], s1  }
0x71: {  	s1 =	ssub.s32 @!p0 $0x0, s1;
	[sflag:s0] =	ssyncset.done @!p0 $0x0  }
0x72: {  	[sflag:s0] =	ssyncadd.s32 @!p0 s1  }
0x73: {  	[bflag:$0x3] =	sbarrier.arrive $0xFFFF  }
0x74: {  	_ =	shalt  }

// kernel: kernel.20.cloned.1.call-start
scs
__scs_entry_jumppad:
0x0: {  	(pc) =	sbr.rel $0x88, $3  }
0x1: {  	(tag) =	ssettag $0x0;
	lr =	simm.s32 $0x1  }
0x2: {  	[smem:$0x3F96] =	sst lr;
	_ =	strace $0xD0000000  }
0x3: {  	_ = 	snop  }
0x4: {  	_ = 	snop  }
0x5: {  	_ = 	snop  }
0x6: {  	_ = 	snop  }
0x7: {  	_ = 	snop  }
__scs_overlays_trampoline_lowered:
0x8: {  	[smem:$0x3FA5] =	sst s0  }
0x9: {  	[smem:$0x3FA6] =	sst s1  }
0xa: {  	[smem:$0x3FA7] =	sst s2  }
0xb: {  	[smem:$0x3FA8] =	sst s3  }
0xc: {  	[smem:$0x3FA9] =	sst s4  }
0xd: {  	[smem:$0x3FAA] =	sst s5  }
0xe: {  	[smem:$0x3FAB] =	sst s6  }
0xf: {  	[smem:$0x3FAC] =	sst s7  }
0x10: {  	[smem:$0x3FAD] =	sst s8  }
0x11: {  	[smem:$0x3FAE] =	sst s9;
	s0 =	simm.s32 @!p0 $0x0  }
0x12: {  	s1 =	sld [smem:$0x3F94];
	s0 =	simm.s32 @p0 $0x1  }
0x13: {  	[smem:$0x3FAF] =	sst s0;
	s0 =	simm.s32 @!p1 $0x0  }
0x14: {  	s2 =	sld [smem:$0x3F93];
	s0 =	simm.s32 @p1 $0x1  }
0x15: {  	[smem:$0x3FB0] =	sst s0;
	s0 =	simm.s32 @!p2 $0x0  }
0x16: {  	s3 =	sld [smem:$0x3FDB];
	s0 =	simm.s32 @p2 $0x1  }
0x17: {  	s4 =	simm.s32 $0x1BF5;
	[smem:$0x3FB2] =	sst s0  }
0x18: {  	s0 =	sld [smem:$0x3F95];
	_ =	swait.ge [sflag:s4], $0x0  }
0x19: {  	s7 =	sld [smem:$0x3F96]  }
0x1a: {  	s8 =	sadd.s32 $0xFFFFE003, lr  }
0x1b: {  	s9 =	sadd.s32 $0xFFFFFEF7, lr;
	s5 =	simm.s32 $0xFFFFFFFF;
	p2 =	slt.u32 s8, $0xFFFFF086  }
0x1c: {  	p1 =	slt.u32 s9, $0xF7A;
	s5 =	simm.s32 @!p2 $0x0  }
0x1d: {  	s5 =	simm.s32 @p1 $0x1;
	p0 =	seq.s32 s7, s2  }
0x1e: {  	s7 =	smul.u32 @!p0 $0xF7A, s2;
	p2 =	seq.s32 @!p0 s5, $0x0  }
0x1f: {  	s9 =	smul.u32 $0xF7A, s1;
	s8 =	simm.s32 @!p0 $0x1BF5;
	p2 =	por !p2, p0  }
0x20: {  	[sflag:s8] =	ssyncset.s32 @!p0 $0xFFFFF086;
	s6 =	sadd.s32 @!p0 s3, s7;
	s7 =	simm.s32 @!p0 $0x108  }
0x21: {  	s3 =	sadd.s32 s3, s9;
	s6 =	sadd.s32 @!p0 $0x88, s6;
	s7 =	simm.s32 @p2 $0x1082  }
0x22: {  	[simem:s7], [sflag:s8] =	dma.local @!p0 [hbm:s6], $0xF7A  }
0x23: {  	s9 =	sor.u32 $0xD0000000, s2;
	s6 =	simm.s32 $0x108;
	_ =	swait.ge @!p0 [sflag:s8], $0x0  }
0x24: {  	s3 =	sadd.s32 $0x88, s3;
	s6 =	simm.s32 @!p1 $0x1082;
	[sflag:s4] =	ssyncset.s32 $0xFFFFF086  }
0x25: {  	[simem:s6], [sflag:s4] =	dma.local [hbm:s3], $0xF7A  }
0x26: {  	[smem:$0x3F96] =	sst s1;
	(tag) =	ssettag s2;
	_ =	strace s9  }
0x27: {  	s1 =	sld [smem:$0x3FA6]  }
0x28: {  	s2 =	sld [smem:$0x3FA7]  }
0x29: {  	s4 =	sld [smem:$0x3FA9]  }
0x2a: {  	p0 =	seq.s32 s5, $0x0;
	s5 =	sld [smem:$0x3FAA]  }
0x2b: {  	s6 =	sld [smem:$0x3FAB]  }
0x2c: {  	s7 =	sld [smem:$0x3FAC]  }
0x2d: {  	s3 =	simm.s32 $0x108;
	s8 =	sld [smem:$0x3FAD]  }
0x2e: {  	s3 =	simm.s32 @!p0 $0x1082;
	s9 =	sld [smem:$0x3FAE]  }
0x2f: {  	lr =	sadd.s32 s0, s3;
	s0 =	sld [smem:$0x3FA5]  }
0x30: {  	s3 =	sld [smem:$0x3FA8]  }
0x31: {  	[smem:$0x3FB1] =	sst s10  }
0x32: {  	s10 =	sld [smem:$0x3FAF];
	_ =	sdelay $0x3  }
0x33: {  	p0 =	seq.s32 s10, $0x1;
	s10 =	sld [smem:$0x3FB1];
	_ =	sdelay $0x3  }
0x34: {  	[smem:$0x3FB1] =	sst s10  }
0x35: {  	s10 =	sld [smem:$0x3FB0];
	_ =	sdelay $0x3  }
0x36: {  	p1 =	seq.s32 s10, $0x1;
	s10 =	sld [smem:$0x3FB1];
	_ =	sdelay $0x3  }
0x37: {  	[smem:$0x3FB1] =	sst s10  }
0x38: {  	s10 =	sld [smem:$0x3FB2]  }
0x39: {  	_ = 	snop;
	(pc) =	sbr.ind lr, $3  }
0x3a: {  	_ = 	snop  }
0x3b: {  	_ = 	snop  }
0x3c: {  	p2 =	seq.s32 s10, $0x1;
	s10 =	sld [smem:$0x3FB1]  }
0x3d: {  	_ =	shalt  }
0x3e: {  	_ =	shalt  }
0x3f: {  	_ =	shalt  }
0x40: {  	_ =	shalt  }
0x41: {  	_ =	shalt  }
0x42: {  	_ =	shalt  }
0x43: {  	_ =	shalt  }
0x44: {  	_ =	shalt  }
0x45: {  	_ =	shalt  }
0x46: {  	_ =	shalt  }
0x47: {  	_ =	shalt  }
0x48: {  	_ =	shalt  }
0x49: {  	_ =	shalt  }
0x4a: {  	_ =	shalt  }
0x4b: {  	_ =	shalt  }
0x4c: {  	_ =	shalt  }
0x4d: {  	_ =	shalt  }
0x4e: {  	_ =	shalt  }
0x4f: {  	_ =	shalt  }
0x50: {  	_ =	shalt  }
0x51: {  	_ =	shalt  }
0x52: {  	_ =	shalt  }
0x53: {  	_ =	shalt  }
0x54: {  	_ =	shalt  }
0x55: {  	_ =	shalt  }
0x56: {  	_ =	shalt  }
0x57: {  	_ =	shalt  }
0x58: {  	_ =	shalt  }
0x59: {  	_ =	shalt  }
0x5a: {  	_ =	shalt  }
0x5b: {  	_ =	shalt  }
0x5c: {  	_ =	shalt  }
0x5d: {  	_ =	shalt  }
0x5e: {  	_ =	shalt  }
0x5f: {  	_ =	shalt  }
0x60: {  	_ =	shalt  }
0x61: {  	_ =	shalt  }
0x62: {  	_ =	shalt  }
0x63: {  	_ =	shalt  }
0x64: {  	_ =	shalt  }
0x65: {  	_ =	shalt  }
0x66: {  	_ =	shalt  }
0x67: {  	_ =	shalt  }
0x68: {  	_ =	shalt  }
0x69: {  	_ =	shalt  }
0x6a: {  	_ =	shalt  }
0x6b: {  	_ =	shalt  }
0x6c: {  	_ =	shalt  }
0x6d: {  	_ =	shalt  }
0x6e: {  	_ =	shalt  }
0x6f: {  	_ =	shalt  }
0x70: {  	_ =	shalt  }
0x71: {  	_ =	shalt  }
0x72: {  	_ =	shalt  }
0x73: {  	_ =	shalt  }
0x74: {  	_ =	shalt  }
0x75: {  	_ =	shalt  }
0x76: {  	_ =	shalt  }
0x77: {  	_ =	shalt  }
0x78: {  	_ =	shalt  }
0x79: {  	_ =	shalt  }
0x7a: {  	_ =	shalt  }
0x7b: {  	_ =	shalt  }
0x7c: {  	_ =	shalt  }
0x7d: {  	_ =	shalt  }
0x7e: {  	_ =	shalt  }
0x7f: {  	_ =	shalt  }
0x80: {  	_ =	shalt  }
0x81: {  	_ =	shalt  }
0x82: {  	_ =	shalt  }
0x83: {  	_ =	shalt  }
0x84: {  	_ =	shalt  }
0x85: {  	_ =	shalt  }
0x86: {  	_ =	shalt  }
0x87: {  	_ =	shalt  }
.Lfunc_end0:
.L_simem_size_0:
called_computation.3_lowered:
.L_overlay_start_0:
0x88: {  	s2 =	sld [smem:$0x3FD9]  }
0x89: {  	s3 =	sld [smem:$0x3FFE];
	_ =	sdelay $0x1  }
0x8a: {  	s1 =	srdreg.scid  }
0x8b: {  	s0 =	sand.u32 $0x1, s1  }
0x8c: {  	s17 =	sshll.u32 s0, $0xA;
	s2 =	sadd.s32 s3, s2  }
0x8d: {  	s2 =	sadd.s32 s2, s17  }
0x8e: {  	[smem:$0x3FBD] =	sst s2  }
0x8f: {  	_ = 	snop  }
0x90: {  	(tm) =	ssettm $0x1  }
0x91: {  	s18 =	sld [smem:$0x3FFB];
	_ =	sdelay $0x3  }
0x92: {  	_ =	strace s18  }
0x93: {  	s2 =	sld [smem:$0x3FFC];
	_ =	sdelay $0x3  }
0x94: {  	_ =	strace s2  }
0x95: {  	s2 =	sld [smem:$0x3FFD];
	_ =	sdelay $0x3  }
0x96: {  	_ =	strace s2  }
0x97: {  	_ =	strace $0x8FFFFFFF  }
0x98: {  	s19 =	sld [smem:$0x3FDB];
	_ =	sdelay $0x1  }
0x99: {  	s20 =	simm.s32 $_scs_section_size  }
0x9a: {  	s4 =	simm.s32 $_size__tile_overlayer_lowered;
	s5 =	simm.s32 $_tile_overlayer_lowered  }
0x9b: {  	s6 =	simm.s32 $0x1BFF;
	s21 =	sshll.u32 s5, $0x1;
	s3 =	sadd.s32 s20, s19  }
0x9c: {  	s22 =	simm.s32 $0x0;
	s4 =	sshll.u32 s4, $0x1;
	s5 =	sadd.s32 s21, s3  }
0x9d: {  	[timem:s22], [sflag:s6] =	dma.local [hbm:s5], s4  }
0x9e: {  	_ =	swait.ge [sflag:s6], s4  }
0x9f: {  	s4 =	ssub.s32 $0x0, s4;
	[sflag:s6] =	ssyncset.done $0x0  }
0xa0: {  	[sflag:s6] =	ssyncadd.s32 s4;
	_ =	sdelay $0x1  }
0xa1: {  	s23 =	simm.s32 $0x1B8B  }
0xa2: {  	_ =	swait.ge [sflag:s23], $0x1  }
0xa3: {  	[sflag:s23] =	ssyncset.done $0x0  }
0xa4: {  	[sflag:s23] =	ssyncadd.s32 $0xFFFFFFFF  }
0xa5: {  	s4 =	sld [smem:$0x0]  }
0xa6: {  	s5 =	sand.u32 $0xFFFFFFFE, s1  }
0xa7: {  	p0 =	sne.s32 s1, s5  }
0xa8: {  	s5 =	sshll.u32 @p0 s5, $0xE  }
0xa9: {  	s5 =	sadd.s32 @p0 $0x11B8D, s5;
	s6 =	sshll.u32 @p0 s4, $0x11  }
0xaa: {  	s5 =	sor.u32 @p0 s6, s5  }
0xab: {  	[sflag:s5] =	ssyncadd.remote.s32 @p0 $0x1;
	_ =	sdelay $0x1  }
0xac: {  	s5 =	simm.s32 @p0 $0x1B8D  }
0xad: {  	_ =	swait.eq @p0 [sflag:s5], $0x1  }
0xae: {  	[sflag:s5] =	ssyncadd.s32 @p0 $0xFFFFFFFF  }
0xaf: {  	s6 =	sshll.u32 @!p0 s1, $0xE  }
0xb0: {  	s6 =	sor.u32 @!p0 $0x4000, s6;
	s5 =	simm.s32 @!p0 $0x1B8D  }
0xb1: {  	s4 =	sshll.u32 @!p0 s4, $0x11;
	s6 =	sadd.s32 @!p0 $0x11B8D, s6;
	_ =	swait.eq @!p0 [sflag:s5], $0x1  }
0xb2: {  	s4 =	sor.u32 @!p0 s4, s6;
	[sflag:s5] =	ssyncadd.s32 @!p0 $0xFFFFFFFF  }
0xb3: {  	s25 =	simm.s32 $0x1B8E;
	s24 =	sld [smem:$0x3FFE];
	[sflag:s4] =	ssyncadd.remote.s32 @!p0 $0x1  }
0xb4: {  	s26 =	simm.s32 $execute0_lowered;
	[smem:$0x3FD2] =	sst s25  }
0xb5: {  	s5 =	sshll.u32 s26, $0x1;
	_ =	strace $0x80000052;
	[dreg:$0x1] =	wrdreg $0xFFFFFFFF  }
0xb6: {  	s28 =	simm.s32 $_size_execute0_lowered;
	s3 =	sadd.s32 s3, s5;
	[dreg:$0x0] =	wrdreg $0x0  }
0xb7: {  	s5 =	sshll.u32 s28, $0x1;
	[dreg:$0x2] =	wrdreg s3  }
0xb8: {  	[dreg:$0x3] =	wrdreg s5  }
0xb9: {  	[dreg:$0x4] =	wrdreg $0xC0  }
0xba: {  	_ =	task [dreg:s22], $0x5FFFF  }
0xbb: {  	[dreg:$0x1] =	wrdreg $0xFFFFFFFF  }
0xbc: {  	[dreg:$0x0] =	wrdreg $0x60  }
0xbd: {  	[dreg:$0x2] =	wrdreg s24  }
0xbe: {  	[dreg:$0x3] =	wrdreg $0x0  }
0xbf: {  	[dreg:$0x4] =	wrdreg $0x9  }
0xc0: {  	_ =	task.clear_ibuf [dreg:s22], $0x5FFFF;
	_ =	strace $0x90000052  }
0xc1: {  	s29 =	simm.s32 $0x9;
	_ =	strace $0x80000054  }
0xc2: {  	_ =	swait.ge [sflag:s29], $0x1  }
0xc3: {  	[sflag:s29] =	ssyncadd.s32 $0xFFFFFFFF  }
0xc4: {  	_ =	strace $0x90000054  }
0xc5: {  	_ =	sfence  }
0xc6: {  	s30 =	sld [smem:$0x0];
	_ =	sdelay $0x2  }
0xc7: {  	s31 =	sshll.u32 s1, $0xD;
	s1 =	sshrl.u32 s1, $0x2  }
0xc8: {  	s4 =	sand.u32 $0x4000, s31;
	s1 =	sadd.s32 s1, s30  }
0xc9: {  	s0 =	sor.u32 s4, s0;
	s1 =	sshll.u32 s1, $0x11  }
0xca: {  	s0 =	sor.u32 s1, s0  }
0xcb: {  	s0 =	sadd.s32 $0x8F2B, s0  }
0xcc: {  	[sflag:s0] =	ssyncadd.remote.s32 $0x1  }
0xcd: {  	_ =	sfence.sel $0xFFFF  }
0xce: {  	[dreg:$0x0] =	wrdreg $0xFFFFFFFF;
	(pc) =	sbr.abs _section_cstart, $3  }
0xcf: {  	[dreg:$0x1] =	wrdreg $0xFFFFFFFF  }
0xd0: {  	_ =	task.clear_ibuf [dreg:s22], $0x2FFFF;
	_ =	strace $0x9FFFFFFF  }
0xd1: {  	(tm) =	ssettm $0x7FFFFFFF  }
tec
execute0_lowered:
.L_overlay_start_1:
0x0: {  	(tag) =	ssettag $0x1  }
0x1: {  	s0 =	srdreg.scid  }
0x2: {  	s4 =	rddreg [dreg:$0x0];
	s5 =	sand.u32 $0x1, s0  }
0x3: {  	s0 =	stileid.u32;
	s6 =	smul.u32 $0x11000, s5  }
0x4: {  	s2 =	rddreg [dreg:$0x1];
	s7 =	smul.u32 $0x1100, s0  }
0x5: {  	s1 =	rddreg [dreg:$0x2];
	s8 =	smul.u32 $0x110000, s5  }
0x6: {  	s3 =	simm.s32 $0x0;
	s20 =	simm.s32 $0x0;
	s28 =	smul.u32 $0x50000, s0  }
0x7: {  	[smem:$0x7FF] =	sst s3;
	s13 =	sadd.s32 $0xCC00, s4;
	s9 =	smul.u32 $0x14000, s0  }
0x8: {  	_ =	strace $0x80000053;
	s29 =	ssub.s32 $0x2, s5;
	s12 =	smul.u32 $0x140000, s5  }
0x9: {  	s19 =	smul.u32 $0x11000, s0;
	s30 =	sshrl.u32 s29, $0x1;
	s6 =	sadd.s32 s7, s6  }
0xa: {  	s15 =	sadd.s32 s8, s4;
	s7 =	sshrl.u32 s28, $0x2;
	s14 =	ssub.s32 s29, s30  }
0xb: {  	s10 =	sadd.s32 $0x4000, s9;
	s11 =	sadd.s32 $0x8000, s9;
	s17 =	sadd.s32 $0xC000, s9  }
0xc: {  	s18 =	sadd.s32 $0x10000, s9;
	s9 =	sadd.s32 s9, s12;
	s6 =	sshrl.u32 s6, $0x3  }
0xd: {  	s5 =	sadd.s32 s10, s2;
	s8 =	sadd.s32 s18, s2;
	s9 =	sshrl.u32 s9, $0x3  }
0xe: {  	s10 =	sadd.s32 s12, s10;
	s18 =	sadd.s32 s12, s18;
	s14 =	smax.u32 s14, $0x1  }
0xf: {  	s15 =	sadd.s32 s19, s15;
	s19 =	simm.s32 $0x80;
	s16 =	sadd.s32 s6, s4  }
0x10: {  	s4 =	sadd.s32 s7, s2;
	s6 =	sadd.s32 s11, s2;
	s7 =	sadd.s32 s17, s2  }
0x11: {  	s9 =	sadd.s32 s13, s9;
	s10 =	sshrl.u32 s10, $0x3;
	s11 =	sadd.s32 s12, s11  }
0x12: {  	s17 =	sadd.s32 s12, s17;
	s31 =	sshrl.u32 s18, $0x3;
	s15 =	sadd.s32 $0xACC00, s15  }
0x13: {  	s18 =	simm.s32 $0x1;
	s10 =	sadd.s32 s13, s10;
	s11 =	sshrl.u32 s11, $0x3  }
0x14: {  	s17 =	sshrl.u32 s17, $0x3;
	s16 =	sadd.s32 $0x4400, s16;
	s11 =	sadd.s32 s13, s11  }
0x15: {  	v0 =	vimm.f32 $0.0e+00;
	s12 =	sadd.s32 s13, s17;
	s13 =	sadd.s32 s13, s31;
	s17 =	simm.s32 $0x14000  }
.LBB2_1:
0x16: {  	s21 =	simm.s32 $0x0;
	s22 =	simm.s32 $0x200  }
.LBB2_2:
0x17: {  	p0 =	sne.s32 s22, $0xFE00;
	[tilespmem:s21+$0x14070] =	vst v0  }
0x18: {  	[tilespmem:s21+$0x14000] =	vst v0  }
0x19: {  	[tilespmem:s21+$0x14010] =	vst v0  }
.Ltmp0:
0x1a: {  	[tilespmem:s21+$0x14020] =	vst v0;
	(pc) =	sbr.rel @p0 .LBB2_2-.Ltmp0, $4  }
0x1b: {  	[tilespmem:s21+$0x14030] =	vst v0  }
0x1c: {  	[tilespmem:s21+$0x14040] =	vst v0  }
0x1d: {  	[tilespmem:s21+$0x14050] =	vst v0  }
0x1e: {  	[tilespmem:s21+$0x14060] =	vst v0;
	s21 =	sshra.s32 s22, $0x2;
	s22 =	sadd.s32 $0x200, s22  }
0x1f: {  	[tilespmem:s21+$0x14070] =	vst v0  }
0x20: {  	[tilespmem:s21+$0x14000] =	vst v0  }
0x21: {  	[tilespmem:s21+$0x14010] =	vst v0  }
0x22: {  	[tilespmem:s21+$0x14020] =	vst v0  }
0x23: {  	[tilespmem:s21+$0x14030] =	vst v0  }
0x24: {  	[tilespmem:s21+$0x14040] =	vst v0  }
0x25: {  	[tilespmem:s21+$0x14050] =	vst v0  }
0x26: {  	[tilespmem:s21+$0x14060] =	vst v0  }
0x27: {  	[spmem:s4] =	stream.linear.scatter [tilespmem:s17], [sflag:$0x1], $0x4000, $0x38;
	[tilespmem:$0x19400] =	vst v63  }
0x28: {  	_ =	swait.ge [sflag:s18], $0x4000  }
0x29: {  	[sflag:s18] =	ssyncset.done $0x0  }
0x2a: {  	[sflag:s18] =	ssyncadd.s32 $0xFFFFC000  }
0x2b: {  	[spmem:s5] =	stream.linear.scatter [tilespmem:s17], [sflag:$0x1], $0x4000, $0x38;
	[tilespmem:$0x19400] =	vst v63  }
0x2c: {  	_ =	swait.ge [sflag:s18], $0x4000  }
0x2d: {  	[sflag:s18] =	ssyncset.done $0x0  }
0x2e: {  	[sflag:s18] =	ssyncadd.s32 $0xFFFFC000  }
0x2f: {  	[spmem:s6] =	stream.linear.scatter [tilespmem:s17], [sflag:$0x1], $0x4000, $0x38;
	[tilespmem:$0x19400] =	vst v63  }
0x30: {  	_ =	swait.ge [sflag:s18], $0x4000  }
0x31: {  	[sflag:s18] =	ssyncset.done $0x0  }
0x32: {  	[sflag:s18] =	ssyncadd.s32 $0xFFFFC000  }
0x33: {  	[spmem:s7] =	stream.linear.scatter [tilespmem:s17], [sflag:$0x1], $0x4000, $0x38;
	[tilespmem:$0x19400] =	vst v63  }
0x34: {  	_ =	swait.ge [sflag:s18], $0x4000  }
0x35: {  	[sflag:s18] =	ssyncset.done $0x0  }
0x36: {  	[sflag:s18] =	ssyncadd.s32 $0xFFFFC000  }
0x37: {  	[spmem:s8] =	stream.linear.scatter [tilespmem:s17], [sflag:$0x1], $0x4000, $0x38;
	[tilespmem:$0x19400] =	vst v63  }
0x38: {  	_ =	swait.ge [sflag:s18], $0x4000  }
0x39: {  	[sflag:s18] =	ssyncset.done $0x0  }
0x3a: {  	[sflag:s18] =	ssyncadd.s32 $0xFFFFC000  }
0x3b: {  	s31 =	simm.s32 $0x18000;
	s22 =	sadd.s32 $0x0, s16;
	[bflag:$0x0] =	sbarrier.arrive $0xFFFF  }
0x3c: {  	[tilespmem:s31], [sflag:$0x1] =	stream.linear.gather [hbm4b:s22+s3], $0x80, $0x38;
	[tilespmem:$0x19400] =	vst v63  }
0x3d: {  	_ =	swait.ge [sflag:s18], $0x80  }
0x3e: {  	[sflag:s18] =	ssyncset.done $0x0  }
0x3f: {  	[sflag:s18] =	ssyncadd.s32 $0xFFFFFF80  }
0x40: {  	[tilespmem:s17], [sflag:$0x1] =	stream.linear.gather [hbm4b:s15+s3], $0x4000, $0x38;
	[tilespmem:$0x19400] =	vst v63  }
0x41: {  	_ =	swait.ge [sflag:s18], $0x4000  }
0x42: {  	[sflag:s18] =	ssyncset.done $0x0  }
0x43: {  	[sflag:s18] =	ssyncadd.s32 $0xFFFFC000  }
0x44: {  	[spmem:s2] =	stream.indirect.scatter.add.f32 [tilespmem:s17], [sflag:$0x1], $0x80, s31, s19, $0xb8;
	[tilespmem:$0x19400] =	vst v63  }
0x45: {  	s23 =	simm.s32 $0x10;
	s24 =	simm.s32 $0x20;
	_ =	swait.ge [sflag:s18], $0x4000  }
0x46: {  	s21 =	simm.s32 $0x18080;
	s22 =	sadd.s32 $0x800, s15;
	[sflag:s18] =	ssyncset.done $0x0  }
.LBB2_4:
0x47: {  	s25 =	sadd.s32 s23, s16  }
0x48: {  	[sflag:s18] =	ssyncadd.s32 $0xFFFFC000;
	s23 =	smov.u32 s24;
	s26 =	sadd.s32 $0x10, s24  }
0x49: {  	[tilespmem:s21], [sflag:$0x1] =	stream.linear.gather [hbm4b:s25+s3], $0x80, $0x38;
	[tilespmem:$0x19400] =	vst v63  }
0x4a: {  	p0 =	sne.s32 s24, $0x210;
	_ =	swait.ge [sflag:s18], $0x80  }
0x4b: {  	[sflag:s18] =	ssyncset.done $0x0  }
0x4c: {  	[sflag:s18] =	ssyncadd.s32 $0xFFFFFF80  }
0x4d: {  	[tilespmem:s17], [sflag:$0x1] =	stream.linear.gather [hbm4b:s22+s3], $0x4000, $0x38;
	[tilespmem:$0x19400] =	vst v63  }
0x4e: {  	_ =	swait.ge [sflag:s18], $0x4000  }
.Ltmp1:
0x4f: {  	[sflag:s18] =	ssyncset.done $0x0;
	(pc) =	sbr.rel @p0 .LBB2_4-.Ltmp1, $4  }
0x50: {  	[sflag:s18] =	ssyncadd.s32 $0xFFFFC000  }
0x51: {  	[spmem:s2] =	stream.indirect.scatter.add.f32 [tilespmem:s17], [sflag:$0x1], $0x80, s21, s19, $0xb8;
	[tilespmem:$0x19400] =	vst v63  }
0x52: {  	s24 =	smov.u32 s26;
	_ =	swait.ge [sflag:s18], $0x4000  }
0x53: {  	s22 =	sadd.s32 $0x800, s22;
	s21 =	sadd.s32 $0x80, s21;
	[sflag:s18] =	ssyncset.done $0x0  }
0x54: {  	s23 =	sadd.s32 s23, s16;
	[sflag:s18] =	ssyncadd.s32 $0xFFFFC000  }
0x55: {  	[tilespmem:s21], [sflag:$0x1] =	stream.linear.gather [hbm4b:s23+s3], $0x80, $0x38;
	[tilespmem:$0x19400] =	vst v63  }
0x56: {  	_ =	swait.ge [sflag:s18], $0x80  }
0x57: {  	[sflag:s18] =	ssyncset.done $0x0  }
0x58: {  	[sflag:s18] =	ssyncadd.s32 $0xFFFFFF80  }
0x59: {  	[tilespmem:s17], [sflag:$0x1] =	stream.linear.gather [hbm4b:s22+s3], $0x4000, $0x38;
	[tilespmem:$0x19400] =	vst v63  }
0x5a: {  	_ =	swait.ge [sflag:s18], $0x4000  }
0x5b: {  	[sflag:s18] =	ssyncset.done $0x0  }
0x5c: {  	[sflag:s18] =	ssyncadd.s32 $0xFFFFC000  }
0x5d: {  	[spmem:s2] =	stream.indirect.scatter.add.f32 [tilespmem:s17], [sflag:$0x1], $0x80, s21, s19, $0xb8;
	[tilespmem:$0x19400] =	vst v63  }
0x5e: {  	_ =	swait.ge [sflag:s18], $0x4000  }
0x5f: {  	[sflag:s18] =	ssyncset.done $0x0  }
0x60: {  	s25 =	sshll.u32 s0, $0x6;
	[sflag:s18] =	ssyncadd.s32 $0xFFFFC000  }
0x61: {  	s26 =	sshrl.u32 s4, $0x3;
	s21 =	sor.u32 $0x1C01, s25;
	[bflag:$0x0] =	sbarrier.arrive $0xFFFF  }
0x62: {  	[hbm:s9], [sflag:s21] =	dma.local [spmem:s26], $0x800  }
0x63: {  	_ =	swait.ge [sflag:s18], $0x800  }
0x64: {  	[sflag:s18] =	ssyncset.done $0x0  }
0x65: {  	s28 =	sshrl.u32 s5, $0x3;
	[sflag:s18] =	ssyncadd.s32 $0xFFFFF800  }
0x66: {  	[hbm:s10], [sflag:s21] =	dma.local [spmem:s28], $0x800  }
0x67: {  	_ =	swait.ge [sflag:s18], $0x800  }
0x68: {  	[sflag:s18] =	ssyncset.done $0x0  }
0x69: {  	s29 =	sshrl.u32 s6, $0x3;
	[sflag:s18] =	ssyncadd.s32 $0xFFFFF800  }
0x6a: {  	[hbm:s11], [sflag:s21] =	dma.local [spmem:s29], $0x800  }
0x6b: {  	_ =	swait.ge [sflag:s18], $0x800  }
0x6c: {  	[sflag:s18] =	ssyncset.done $0x0  }
0x6d: {  	s30 =	sshrl.u32 s7, $0x3;
	[sflag:s18] =	ssyncadd.s32 $0xFFFFF800  }
0x6e: {  	[hbm:s12], [sflag:s21] =	dma.local [spmem:s30], $0x800  }
0x6f: {  	s20 =	sadd.s32 $0x1, s20;
	_ =	swait.ge [sflag:s18], $0x800  }
0x70: {  	p0 =	sne.s32 s20, s14;
	[sflag:s18] =	ssyncset.done $0x0  }
.Ltmp2:
0x71: {  	s31 =	sshrl.u32 s8, $0x3;
	[sflag:s18] =	ssyncadd.s32 $0xFFFFF800;
	(pc) =	sbr.rel @p0 .LBB2_1-.Ltmp2, $4  }
0x72: {  	[hbm:s13], [sflag:s21] =	dma.local [spmem:s31], $0x800  }
0x73: {  	_ =	swait.ge [sflag:s18], $0x800  }
0x74: {  	[sflag:s18] =	ssyncset.done $0x0  }
0x75: {  	[sflag:s18] =	ssyncadd.s32 $0xFFFFF800  }
0x76: {  	_ =	sfence.sel $0x180000  }
0x77: {  	[bflag:$0x0] =	sbarrier.arrive $0xFFFF  }
0x78: {  	p0 =	sne.s32 s0, $0x0;
	_ =	strace $0x90000053  }
0x79: {  	s0 =	sadd.s32 @!p0 $0x100000, s1;
	[bflag:$0x2] =	sbarrier.arrive $0xFFFF  }
0x7a: {  	[sflag:s0] =	ssyncadd.tile.s32 @!p0 $0x1;
	_ =	shalt  }
.Lfunc_end2:
_tile_overlayer_lowered:
.L_overlay_start_2:
0x7b: {  	(tag) =	ssettag $0x2  }
0x7c: {  	s0 =	rddreg [dreg:$0x0];
	s2 =	stileid.u32  }
0x7d: {  	s1 =	rddreg [dreg:$0x1];
	p0 =	sne.s32 s2, $0x0  }
0x7e: {  	s3 =	rddreg [dreg:$0x2];
	[bflag:$0x3] =	sbarrier.arrive $0xFFFF;
	s2 =	simm.s32 @!p0 $0x1C01  }
0x7f: {  	[timem:s3], [sflag:s2] =	dma.local @!p0 [hbm:s0], s1  }
0x80: {  	s0 =	simm.s32 @!p0 $0x1  }
0x81: {  	_ =	swait.ge @!p0 [sflag:s0], s1  }
0x82: {  	s1 =	ssub.s32 @!p0 $0x0, s1;
	[sflag:s0] =	ssyncset.done @!p0 $0x0  }
0x83: {  	[sflag:s0] =	ssyncadd.s32 @!p0 s1  }
0x84: {  	[bflag:$0x3] =	sbarrier.arrive $0xFFFF  }
0x85: {  	_ =	shalt  }

// kernel: kernel.23.cloned.1.call-start
scs
__scs_entry_jumppad:
0x0: {  	(pc) =	sbr.rel $0x88, $3  }
0x1: {  	(tag) =	ssettag $0x0;
	lr =	simm.s32 $0x1  }
0x2: {  	[smem:$0x3F96] =	sst lr;
	_ =	strace $0xD0000000  }
0x3: {  	_ = 	snop  }
0x4: {  	_ = 	snop  }
0x5: {  	_ = 	snop  }
0x6: {  	_ = 	snop  }
0x7: {  	_ = 	snop  }
__scs_overlays_trampoline_lowered:
0x8: {  	[smem:$0x3FA5] =	sst s0  }
0x9: {  	[smem:$0x3FA6] =	sst s1  }
0xa: {  	[smem:$0x3FA7] =	sst s2  }
0xb: {  	[smem:$0x3FA8] =	sst s3  }
0xc: {  	[smem:$0x3FA9] =	sst s4  }
0xd: {  	[smem:$0x3FAA] =	sst s5  }
0xe: {  	[smem:$0x3FAB] =	sst s6  }
0xf: {  	[smem:$0x3FAC] =	sst s7  }
0x10: {  	[smem:$0x3FAD] =	sst s8  }
0x11: {  	[smem:$0x3FAE] =	sst s9;
	s0 =	simm.s32 @!p0 $0x0  }
0x12: {  	s1 =	sld [smem:$0x3F94];
	s0 =	simm.s32 @p0 $0x1  }
0x13: {  	[smem:$0x3FAF] =	sst s0;
	s0 =	simm.s32 @!p1 $0x0  }
0x14: {  	s2 =	sld [smem:$0x3F93];
	s0 =	simm.s32 @p1 $0x1  }
0x15: {  	[smem:$0x3FB0] =	sst s0;
	s0 =	simm.s32 @!p2 $0x0  }
0x16: {  	s3 =	sld [smem:$0x3FDB];
	s0 =	simm.s32 @p2 $0x1  }
0x17: {  	s4 =	simm.s32 $0x1BF5;
	[smem:$0x3FB2] =	sst s0  }
0x18: {  	s0 =	sld [smem:$0x3F95];
	_ =	swait.ge [sflag:s4], $0x0  }
0x19: {  	s7 =	sld [smem:$0x3F96]  }
0x1a: {  	s8 =	sadd.s32 $0xFFFFE003, lr  }
0x1b: {  	s9 =	sadd.s32 $0xFFFFFEF7, lr;
	s5 =	simm.s32 $0xFFFFFFFF;
	p2 =	slt.u32 s8, $0xFFFFF086  }
0x1c: {  	p1 =	slt.u32 s9, $0xF7A;
	s5 =	simm.s32 @!p2 $0x0  }
0x1d: {  	s5 =	simm.s32 @p1 $0x1;
	p0 =	seq.s32 s7, s2  }
0x1e: {  	s7 =	smul.u32 @!p0 $0xF7A, s2;
	p2 =	seq.s32 @!p0 s5, $0x0  }
0x1f: {  	s9 =	smul.u32 $0xF7A, s1;
	s8 =	simm.s32 @!p0 $0x1BF5;
	p2 =	por !p2, p0  }
0x20: {  	[sflag:s8] =	ssyncset.s32 @!p0 $0xFFFFF086;
	s6 =	sadd.s32 @!p0 s3, s7;
	s7 =	simm.s32 @!p0 $0x108  }
0x21: {  	s3 =	sadd.s32 s3, s9;
	s6 =	sadd.s32 @!p0 $0x88, s6;
	s7 =	simm.s32 @p2 $0x1082  }
0x22: {  	[simem:s7], [sflag:s8] =	dma.local @!p0 [hbm:s6], $0xF7A  }
0x23: {  	s9 =	sor.u32 $0xD0000000, s2;
	s6 =	simm.s32 $0x108;
	_ =	swait.ge @!p0 [sflag:s8], $0x0  }
0x24: {  	s3 =	sadd.s32 $0x88, s3;
	s6 =	simm.s32 @!p1 $0x1082;
	[sflag:s4] =	ssyncset.s32 $0xFFFFF086  }
0x25: {  	[simem:s6], [sflag:s4] =	dma.local [hbm:s3], $0xF7A  }
0x26: {  	[smem:$0x3F96] =	sst s1;
	(tag) =	ssettag s2;
	_ =	strace s9  }
0x27: {  	s1 =	sld [smem:$0x3FA6]  }
0x28: {  	s2 =	sld [smem:$0x3FA7]  }
0x29: {  	s4 =	sld [smem:$0x3FA9]  }
0x2a: {  	p0 =	seq.s32 s5, $0x0;
	s5 =	sld [smem:$0x3FAA]  }
0x2b: {  	s6 =	sld [smem:$0x3FAB]  }
0x2c: {  	s7 =	sld [smem:$0x3FAC]  }
0x2d: {  	s3 =	simm.s32 $0x108;
	s8 =	sld [smem:$0x3FAD]  }
0x2e: {  	s3 =	simm.s32 @!p0 $0x1082;
	s9 =	sld [smem:$0x3FAE]  }
0x2f: {  	lr =	sadd.s32 s0, s3;
	s0 =	sld [smem:$0x3FA5]  }
0x30: {  	s3 =	sld [smem:$0x3FA8]  }
0x31: {  	[smem:$0x3FB1] =	sst s10  }
0x32: {  	s10 =	sld [smem:$0x3FAF];
	_ =	sdelay $0x3  }
0x33: {  	p0 =	seq.s32 s10, $0x1;
	s10 =	sld [smem:$0x3FB1];
	_ =	sdelay $0x3  }
0x34: {  	[smem:$0x3FB1] =	sst s10  }
0x35: {  	s10 =	sld [smem:$0x3FB0];
	_ =	sdelay $0x3  }
0x36: {  	p1 =	seq.s32 s10, $0x1;
	s10 =	sld [smem:$0x3FB1];
	_ =	sdelay $0x3  }
0x37: {  	[smem:$0x3FB1] =	sst s10  }
0x38: {  	s10 =	sld [smem:$0x3FB2]  }
0x39: {  	_ = 	snop;
	(pc) =	sbr.ind lr, $3  }
0x3a: {  	_ = 	snop  }
0x3b: {  	_ = 	snop  }
0x3c: {  	p2 =	seq.s32 s10, $0x1;
	s10 =	sld [smem:$0x3FB1]  }
0x3d: {  	_ =	shalt  }
0x3e: {  	_ =	shalt  }
0x3f: {  	_ =	shalt  }
0x40: {  	_ =	shalt  }
0x41: {  	_ =	shalt  }
0x42: {  	_ =	shalt  }
0x43: {  	_ =	shalt  }
0x44: {  	_ =	shalt  }
0x45: {  	_ =	shalt  }
0x46: {  	_ =	shalt  }
0x47: {  	_ =	shalt  }
0x48: {  	_ =	shalt  }
0x49: {  	_ =	shalt  }
0x4a: {  	_ =	shalt  }
0x4b: {  	_ =	shalt  }
0x4c: {  	_ =	shalt  }
0x4d: {  	_ =	shalt  }
0x4e: {  	_ =	shalt  }
0x4f: {  	_ =	shalt  }
0x50: {  	_ =	shalt  }
0x51: {  	_ =	shalt  }
0x52: {  	_ =	shalt  }
0x53: {  	_ =	shalt  }
0x54: {  	_ =	shalt  }
0x55: {  	_ =	shalt  }
0x56: {  	_ =	shalt  }
0x57: {  	_ =	shalt  }
0x58: {  	_ =	shalt  }
0x59: {  	_ =	shalt  }
0x5a: {  	_ =	shalt  }
0x5b: {  	_ =	shalt  }
0x5c: {  	_ =	shalt  }
0x5d: {  	_ =	shalt  }
0x5e: {  	_ =	shalt  }
0x5f: {  	_ =	shalt  }
0x60: {  	_ =	shalt  }
0x61: {  	_ =	shalt  }
0x62: {  	_ =	shalt  }
0x63: {  	_ =	shalt  }
0x64: {  	_ =	shalt  }
0x65: {  	_ =	shalt  }
0x66: {  	_ =	shalt  }
0x67: {  	_ =	shalt  }
0x68: {  	_ =	shalt  }
0x69: {  	_ =	shalt  }
0x6a: {  	_ =	shalt  }
0x6b: {  	_ =	shalt  }
0x6c: {  	_ =	shalt  }
0x6d: {  	_ =	shalt  }
0x6e: {  	_ =	shalt  }
0x6f: {  	_ =	shalt  }
0x70: {  	_ =	shalt  }
0x71: {  	_ =	shalt  }
0x72: {  	_ =	shalt  }
0x73: {  	_ =	shalt  }
0x74: {  	_ =	shalt  }
0x75: {  	_ =	shalt  }
0x76: {  	_ =	shalt  }
0x77: {  	_ =	shalt  }
0x78: {  	_ =	shalt  }
0x79: {  	_ =	shalt  }
0x7a: {  	_ =	shalt  }
0x7b: {  	_ =	shalt  }
0x7c: {  	_ =	shalt  }
0x7d: {  	_ =	shalt  }
0x7e: {  	_ =	shalt  }
0x7f: {  	_ =	shalt  }
0x80: {  	_ =	shalt  }
0x81: {  	_ =	shalt  }
0x82: {  	_ =	shalt  }
0x83: {  	_ =	shalt  }
0x84: {  	_ =	shalt  }
0x85: {  	_ =	shalt  }
0x86: {  	_ =	shalt  }
0x87: {  	_ =	shalt  }
.Lfunc_end0:
.L_simem_size_0:
called_computation.4_lowered:
.L_overlay_start_0:
0x88: {  	s2 =	sld [smem:$0x3FD9]  }
0x89: {  	s3 =	sld [smem:$0x3FFE];
	_ =	sdelay $0x1  }
0x8a: {  	s1 =	srdreg.scid  }
0x8b: {  	s0 =	sand.u32 $0x1, s1  }
0x8c: {  	s17 =	sshll.u32 s0, $0xA;
	s2 =	sadd.s32 s3, s2  }
0x8d: {  	s2 =	sadd.s32 s2, s17  }
0x8e: {  	[smem:$0x3FBD] =	sst s2  }
0x8f: {  	_ = 	snop  }
0x90: {  	(tm) =	ssettm $0x1  }
0x91: {  	s18 =	sld [smem:$0x3FFB];
	_ =	sdelay $0x3  }
0x92: {  	_ =	strace s18  }
0x93: {  	s2 =	sld [smem:$0x3FFC];
	_ =	sdelay $0x3  }
0x94: {  	_ =	strace s2  }
0x95: {  	s2 =	sld [smem:$0x3FFD];
	_ =	sdelay $0x3  }
0x96: {  	_ =	strace s2  }
0x97: {  	_ =	strace $0x8FFFFFFF  }
0x98: {  	s19 =	sld [smem:$0x3FDB];
	_ =	sdelay $0x1  }
0x99: {  	s20 =	simm.s32 $_scs_section_size  }
0x9a: {  	s4 =	simm.s32 $_size__tile_overlayer_lowered;
	s5 =	simm.s32 $_tile_overlayer_lowered  }
0x9b: {  	s6 =	simm.s32 $0x1BFF;
	s21 =	sshll.u32 s5, $0x1;
	s3 =	sadd.s32 s20, s19  }
0x9c: {  	s22 =	simm.s32 $0x0;
	s4 =	sshll.u32 s4, $0x1;
	s5 =	sadd.s32 s21, s3  }
0x9d: {  	[timem:s22], [sflag:s6] =	dma.local [hbm:s5], s4  }
0x9e: {  	_ =	swait.ge [sflag:s6], s4  }
0x9f: {  	s4 =	ssub.s32 $0x0, s4;
	[sflag:s6] =	ssyncset.done $0x0  }
0xa0: {  	[sflag:s6] =	ssyncadd.s32 s4;
	_ =	sdelay $0x1  }
0xa1: {  	s23 =	simm.s32 $0x1B8B  }
0xa2: {  	_ =	swait.ge [sflag:s23], $0x1  }
0xa3: {  	[sflag:s23] =	ssyncset.done $0x0  }
0xa4: {  	[sflag:s23] =	ssyncadd.s32 $0xFFFFFFFF  }
0xa5: {  	s4 =	sld [smem:$0x0]  }
0xa6: {  	s5 =	sand.u32 $0xFFFFFFFE, s1  }
0xa7: {  	p0 =	sne.s32 s1, s5  }
0xa8: {  	s5 =	sshll.u32 @p0 s5, $0xE  }
0xa9: {  	s5 =	sadd.s32 @p0 $0x11B8D, s5;
	s6 =	sshll.u32 @p0 s4, $0x11  }
0xaa: {  	s5 =	sor.u32 @p0 s6, s5  }
0xab: {  	[sflag:s5] =	ssyncadd.remote.s32 @p0 $0x1;
	_ =	sdelay $0x1  }
0xac: {  	s5 =	simm.s32 @p0 $0x1B8D  }
0xad: {  	_ =	swait.eq @p0 [sflag:s5], $0x1  }
0xae: {  	[sflag:s5] =	ssyncadd.s32 @p0 $0xFFFFFFFF  }
0xaf: {  	s6 =	sshll.u32 @!p0 s1, $0xE  }
0xb0: {  	s6 =	sor.u32 @!p0 $0x4000, s6;
	s5 =	simm.s32 @!p0 $0x1B8D  }
0xb1: {  	s4 =	sshll.u32 @!p0 s4, $0x11;
	s6 =	sadd.s32 @!p0 $0x11B8D, s6;
	_ =	swait.eq @!p0 [sflag:s5], $0x1  }
0xb2: {  	s4 =	sor.u32 @!p0 s4, s6;
	[sflag:s5] =	ssyncadd.s32 @!p0 $0xFFFFFFFF  }
0xb3: {  	s25 =	simm.s32 $0x1B8E;
	s24 =	sld [smem:$0x3FFE];
	[sflag:s4] =	ssyncadd.remote.s32 @!p0 $0x1  }
0xb4: {  	s26 =	simm.s32 $execute0_lowered;
	[smem:$0x3FD2] =	sst s25  }
0xb5: {  	s5 =	sshll.u32 s26, $0x1;
	_ =	strace $0x8000004F;
	[dreg:$0x1] =	wrdreg $0xFFFFFFFF  }
0xb6: {  	s28 =	simm.s32 $_size_execute0_lowered;
	s3 =	sadd.s32 s3, s5;
	[dreg:$0x0] =	wrdreg $0x0  }
0xb7: {  	s5 =	sshll.u32 s28, $0x1;
	[dreg:$0x2] =	wrdreg s3  }
0xb8: {  	[dreg:$0x3] =	wrdreg s5  }
0xb9: {  	[dreg:$0x4] =	wrdreg $0xC0  }
0xba: {  	_ =	task [dreg:s22], $0x5FFFF  }
0xbb: {  	[dreg:$0x1] =	wrdreg $0xFFFFFFFF  }
0xbc: {  	[dreg:$0x0] =	wrdreg $0x60  }
0xbd: {  	[dreg:$0x2] =	wrdreg s24  }
0xbe: {  	[dreg:$0x3] =	wrdreg $0x0  }
0xbf: {  	[dreg:$0x4] =	wrdreg $0xA  }
0xc0: {  	_ =	task.clear_ibuf [dreg:s22], $0x5FFFF;
	_ =	strace $0x9000004F  }
0xc1: {  	s29 =	simm.s32 $0xA;
	_ =	strace $0x80000051  }
0xc2: {  	_ =	swait.ge [sflag:s29], $0x1  }
0xc3: {  	[sflag:s29] =	ssyncadd.s32 $0xFFFFFFFF  }
0xc4: {  	_ =	strace $0x90000051  }
0xc5: {  	_ =	sfence  }
0xc6: {  	s30 =	sld [smem:$0x0];
	_ =	sdelay $0x2  }
0xc7: {  	s31 =	sshll.u32 s1, $0xD;
	s1 =	sshrl.u32 s1, $0x2  }
0xc8: {  	s4 =	sand.u32 $0x4000, s31;
	s1 =	sadd.s32 s1, s30  }
0xc9: {  	s0 =	sor.u32 s4, s0;
	s1 =	sshll.u32 s1, $0x11  }
0xca: {  	s0 =	sor.u32 s1, s0  }
0xcb: {  	s0 =	sadd.s32 $0x8F2B, s0  }
0xcc: {  	[sflag:s0] =	ssyncadd.remote.s32 $0x1  }
0xcd: {  	_ =	sfence.sel $0xFFFF  }
0xce: {  	[dreg:$0x0] =	wrdreg $0xFFFFFFFF;
	(pc) =	sbr.abs _section_cstart, $3  }
0xcf: {  	[dreg:$0x1] =	wrdreg $0xFFFFFFFF  }
0xd0: {  	_ =	task.clear_ibuf [dreg:s22], $0x2FFFF;
	_ =	strace $0x9FFFFFFF  }
0xd1: {  	(tm) =	ssettm $0x7FFFFFFF  }
tec
execute0_lowered:
.L_overlay_start_1:
0x0: {  	(tag) =	ssettag $0x1  }
0x1: {  	s0 =	srdreg.scid  }
0x2: {  	s5 =	sand.u32 $0x1, s0  }
0x3: {  	s0 =	stileid.u32;
	s4 =	smul.u32 $0x11000, s5  }
0x4: {  	s6 =	rddreg [dreg:$0x0];
	s7 =	smul.u32 $0x1100, s0  }
0x5: {  	s2 =	rddreg [dreg:$0x1];
	s28 =	smul.u32 $0x110000, s5  }
0x6: {  	s1 =	rddreg [dreg:$0x2];
	s8 =	smul.u32 $0x50000, s0  }
0x7: {  	s3 =	simm.s32 $0x0;
	s20 =	simm.s32 $0x0;
	s9 =	smul.u32 $0x14000, s0  }
0x8: {  	[smem:$0x7FF] =	sst s3;
	s13 =	sadd.s32 $0x5CC00, s6;
	s12 =	smul.u32 $0x140000, s5  }
0x9: {  	_ =	strace $0x80000050;
	s29 =	ssub.s32 $0x2, s5;
	s19 =	smul.u32 $0x11000, s0  }
0xa: {  	s30 =	sshrl.u32 s29, $0x1;
	s4 =	sadd.s32 s7, s4;
	s15 =	sadd.s32 s28, s6  }
0xb: {  	s8 =	sshrl.u32 s8, $0x2;
	s14 =	ssub.s32 s29, s30;
	s10 =	sadd.s32 $0x4000, s9  }
0xc: {  	s11 =	sadd.s32 $0x8000, s9;
	s17 =	sadd.s32 $0xC000, s9;
	s18 =	sadd.s32 $0x10000, s9  }
0xd: {  	s9 =	sadd.s32 s9, s12;
	s4 =	sadd.s32 $0x22000, s4;
	s5 =	sadd.s32 s10, s2  }
0xe: {  	s7 =	sadd.s32 s17, s2;
	s9 =	sshrl.u32 s9, $0x3;
	s10 =	sadd.s32 s12, s10  }
0xf: {  	s17 =	sadd.s32 s12, s17;
	s14 =	smax.u32 s14, $0x1;
	s15 =	sadd.s32 s19, s15  }
0x10: {  	s19 =	simm.s32 $0x80;
	s4 =	sshrl.u32 s4, $0x3;
	s9 =	sadd.s32 s13, s9  }
0x11: {  	s10 =	sshrl.u32 s10, $0x3;
	s17 =	sshrl.u32 s17, $0x3;
	s15 =	sadd.s32 $0x8DCC00, s15  }
0x12: {  	s16 =	sadd.s32 s4, s6;
	s4 =	sadd.s32 s8, s2;
	s6 =	sadd.s32 s11, s2  }
0x13: {  	s8 =	sadd.s32 s18, s2;
	s11 =	sadd.s32 s12, s11;
	s10 =	sadd.s32 s13, s10  }
0x14: {  	s18 =	sadd.s32 s12, s18;
	s12 =	sadd.s32 s13, s17;
	s17 =	simm.s32 $0x14000  }
0x15: {  	s11 =	sshrl.u32 s11, $0x3;
	s31 =	sshrl.u32 s18, $0x3;
	s16 =	sadd.s32 $0x4400, s16  }
0x16: {  	v0 =	vimm.f32 $0.0e+00;
	s18 =	simm.s32 $0x1;
	s11 =	sadd.s32 s13, s11;
	s13 =	sadd.s32 s13, s31  }
.LBB2_1:
0x17: {  	s21 =	simm.s32 $0x0;
	s22 =	simm.s32 $0x200  }
.LBB2_2:
0x18: {  	p0 =	sne.s32 s22, $0xFE00;
	[tilespmem:s21+$0x14070] =	vst v0  }
0x19: {  	[tilespmem:s21+$0x14000] =	vst v0  }
0x1a: {  	[tilespmem:s21+$0x14010] =	vst v0  }
.Ltmp0:
0x1b: {  	[tilespmem:s21+$0x14020] =	vst v0;
	(pc) =	sbr.rel @p0 .LBB2_2-.Ltmp0, $4  }
0x1c: {  	[tilespmem:s21+$0x14030] =	vst v0  }
0x1d: {  	[tilespmem:s21+$0x14040] =	vst v0  }
0x1e: {  	[tilespmem:s21+$0x14050] =	vst v0  }
0x1f: {  	[tilespmem:s21+$0x14060] =	vst v0;
	s21 =	sshra.s32 s22, $0x2;
	s22 =	sadd.s32 $0x200, s22  }
0x20: {  	[tilespmem:s21+$0x14070] =	vst v0  }
0x21: {  	[tilespmem:s21+$0x14000] =	vst v0  }
0x22: {  	[tilespmem:s21+$0x14010] =	vst v0  }
0x23: {  	[tilespmem:s21+$0x14020] =	vst v0  }
0x24: {  	[tilespmem:s21+$0x14030] =	vst v0  }
0x25: {  	[tilespmem:s21+$0x14040] =	vst v0  }
0x26: {  	[tilespmem:s21+$0x14050] =	vst v0  }
0x27: {  	[tilespmem:s21+$0x14060] =	vst v0  }
0x28: {  	[spmem:s4] =	stream.linear.scatter [tilespmem:s17], [sflag:$0x1], $0x4000, $0x38;
	[tilespmem:$0x19400] =	vst v63  }
0x29: {  	_ =	swait.ge [sflag:s18], $0x4000  }
0x2a: {  	[sflag:s18] =	ssyncset.done $0x0  }
0x2b: {  	[sflag:s18] =	ssyncadd.s32 $0xFFFFC000  }
0x2c: {  	[spmem:s5] =	stream.linear.scatter [tilespmem:s17], [sflag:$0x1], $0x4000, $0x38;
	[tilespmem:$0x19400] =	vst v63  }
0x2d: {  	_ =	swait.ge [sflag:s18], $0x4000  }
0x2e: {  	[sflag:s18] =	ssyncset.done $0x0  }
0x2f: {  	[sflag:s18] =	ssyncadd.s32 $0xFFFFC000  }
0x30: {  	[spmem:s6] =	stream.linear.scatter [tilespmem:s17], [sflag:$0x1], $0x4000, $0x38;
	[tilespmem:$0x19400] =	vst v63  }
0x31: {  	_ =	swait.ge [sflag:s18], $0x4000  }
0x32: {  	[sflag:s18] =	ssyncset.done $0x0  }
0x33: {  	[sflag:s18] =	ssyncadd.s32 $0xFFFFC000  }
0x34: {  	[spmem:s7] =	stream.linear.scatter [tilespmem:s17], [sflag:$0x1], $0x4000, $0x38;
	[tilespmem:$0x19400] =	vst v63  }
0x35: {  	_ =	swait.ge [sflag:s18], $0x4000  }
0x36: {  	[sflag:s18] =	ssyncset.done $0x0  }
0x37: {  	[sflag:s18] =	ssyncadd.s32 $0xFFFFC000  }
0x38: {  	[spmem:s8] =	stream.linear.scatter [tilespmem:s17], [sflag:$0x1], $0x4000, $0x38;
	[tilespmem:$0x19400] =	vst v63  }
0x39: {  	_ =	swait.ge [sflag:s18], $0x4000  }
0x3a: {  	[sflag:s18] =	ssyncset.done $0x0  }
0x3b: {  	[sflag:s18] =	ssyncadd.s32 $0xFFFFC000  }
0x3c: {  	s31 =	simm.s32 $0x18000;
	s22 =	sadd.s32 $0x0, s16;
	[bflag:$0x0] =	sbarrier.arrive $0xFFFF  }
0x3d: {  	[tilespmem:s31], [sflag:$0x1] =	stream.linear.gather [hbm4b:s22+s3], $0x80, $0x38;
	[tilespmem:$0x19400] =	vst v63  }
0x3e: {  	_ =	swait.ge [sflag:s18], $0x80  }
0x3f: {  	[sflag:s18] =	ssyncset.done $0x0  }
0x40: {  	[sflag:s18] =	ssyncadd.s32 $0xFFFFFF80  }
0x41: {  	[tilespmem:s17], [sflag:$0x1] =	stream.linear.gather [hbm4b:s15+s3], $0x4000, $0x38;
	[tilespmem:$0x19400] =	vst v63  }
0x42: {  	_ =	swait.ge [sflag:s18], $0x4000  }
0x43: {  	[sflag:s18] =	ssyncset.done $0x0  }
0x44: {  	[sflag:s18] =	ssyncadd.s32 $0xFFFFC000  }
0x45: {  	[spmem:s2] =	stream.indirect.scatter.add.f32 [tilespmem:s17], [sflag:$0x1], $0x80, s31, s19, $0xb8;
	[tilespmem:$0x19400] =	vst v63  }
0x46: {  	s23 =	simm.s32 $0x10;
	s24 =	simm.s32 $0x20;
	_ =	swait.ge [sflag:s18], $0x4000  }
0x47: {  	s21 =	simm.s32 $0x18080;
	s22 =	sadd.s32 $0x800, s15;
	[sflag:s18] =	ssyncset.done $0x0  }
.LBB2_4:
0x48: {  	s25 =	sadd.s32 s23, s16  }
0x49: {  	[sflag:s18] =	ssyncadd.s32 $0xFFFFC000;
	s23 =	smov.u32 s24;
	s26 =	sadd.s32 $0x10, s24  }
0x4a: {  	[tilespmem:s21], [sflag:$0x1] =	stream.linear.gather [hbm4b:s25+s3], $0x80, $0x38;
	[tilespmem:$0x19400] =	vst v63  }
0x4b: {  	p0 =	sne.s32 s24, $0x210;
	_ =	swait.ge [sflag:s18], $0x80  }
0x4c: {  	[sflag:s18] =	ssyncset.done $0x0  }
0x4d: {  	[sflag:s18] =	ssyncadd.s32 $0xFFFFFF80  }
0x4e: {  	[tilespmem:s17], [sflag:$0x1] =	stream.linear.gather [hbm4b:s22+s3], $0x4000, $0x38;
	[tilespmem:$0x19400] =	vst v63  }
0x4f: {  	_ =	swait.ge [sflag:s18], $0x4000  }
.Ltmp1:
0x50: {  	[sflag:s18] =	ssyncset.done $0x0;
	(pc) =	sbr.rel @p0 .LBB2_4-.Ltmp1, $4  }
0x51: {  	[sflag:s18] =	ssyncadd.s32 $0xFFFFC000  }
0x52: {  	[spmem:s2] =	stream.indirect.scatter.add.f32 [tilespmem:s17], [sflag:$0x1], $0x80, s21, s19, $0xb8;
	[tilespmem:$0x19400] =	vst v63  }
0x53: {  	s24 =	smov.u32 s26;
	_ =	swait.ge [sflag:s18], $0x4000  }
0x54: {  	s22 =	sadd.s32 $0x800, s22;
	s21 =	sadd.s32 $0x80, s21;
	[sflag:s18] =	ssyncset.done $0x0  }
0x55: {  	s23 =	sadd.s32 s23, s16;
	[sflag:s18] =	ssyncadd.s32 $0xFFFFC000  }
0x56: {  	[tilespmem:s21], [sflag:$0x1] =	stream.linear.gather [hbm4b:s23+s3], $0x80, $0x38;
	[tilespmem:$0x19400] =	vst v63  }
0x57: {  	_ =	swait.ge [sflag:s18], $0x80  }
0x58: {  	[sflag:s18] =	ssyncset.done $0x0  }
0x59: {  	[sflag:s18] =	ssyncadd.s32 $0xFFFFFF80  }
0x5a: {  	[tilespmem:s17], [sflag:$0x1] =	stream.linear.gather [hbm4b:s22+s3], $0x4000, $0x38;
	[tilespmem:$0x19400] =	vst v63  }
0x5b: {  	_ =	swait.ge [sflag:s18], $0x4000  }
0x5c: {  	[sflag:s18] =	ssyncset.done $0x0  }
0x5d: {  	[sflag:s18] =	ssyncadd.s32 $0xFFFFC000  }
0x5e: {  	[spmem:s2] =	stream.indirect.scatter.add.f32 [tilespmem:s17], [sflag:$0x1], $0x80, s21, s19, $0xb8;
	[tilespmem:$0x19400] =	vst v63  }
0x5f: {  	_ =	swait.ge [sflag:s18], $0x4000  }
0x60: {  	[sflag:s18] =	ssyncset.done $0x0  }
0x61: {  	s25 =	sshll.u32 s0, $0x6;
	[sflag:s18] =	ssyncadd.s32 $0xFFFFC000  }
0x62: {  	s26 =	sshrl.u32 s4, $0x3;
	s21 =	sor.u32 $0x1C01, s25;
	[bflag:$0x0] =	sbarrier.arrive $0xFFFF  }
0x63: {  	[hbm:s9], [sflag:s21] =	dma.local [spmem:s26], $0x800  }
0x64: {  	_ =	swait.ge [sflag:s18], $0x800  }
0x65: {  	[sflag:s18] =	ssyncset.done $0x0  }
0x66: {  	s28 =	sshrl.u32 s5, $0x3;
	[sflag:s18] =	ssyncadd.s32 $0xFFFFF800  }
0x67: {  	[hbm:s10], [sflag:s21] =	dma.local [spmem:s28], $0x800  }
0x68: {  	_ =	swait.ge [sflag:s18], $0x800  }
0x69: {  	[sflag:s18] =	ssyncset.done $0x0  }
0x6a: {  	s29 =	sshrl.u32 s6, $0x3;
	[sflag:s18] =	ssyncadd.s32 $0xFFFFF800  }
0x6b: {  	[hbm:s11], [sflag:s21] =	dma.local [spmem:s29], $0x800  }
0x6c: {  	_ =	swait.ge [sflag:s18], $0x800  }
0x6d: {  	[sflag:s18] =	ssyncset.done $0x0  }
0x6e: {  	s30 =	sshrl.u32 s7, $0x3;
	[sflag:s18] =	ssyncadd.s32 $0xFFFFF800  }
0x6f: {  	[hbm:s12], [sflag:s21] =	dma.local [spmem:s30], $0x800  }
0x70: {  	s20 =	sadd.s32 $0x1, s20;
	_ =	swait.ge [sflag:s18], $0x800  }
0x71: {  	p0 =	sne.s32 s20, s14;
	[sflag:s18] =	ssyncset.done $0x0  }
.Ltmp2:
0x72: {  	s31 =	sshrl.u32 s8, $0x3;
	[sflag:s18] =	ssyncadd.s32 $0xFFFFF800;
	(pc) =	sbr.rel @p0 .LBB2_1-.Ltmp2, $4  }
0x73: {  	[hbm:s13], [sflag:s21] =	dma.local [spmem:s31], $0x800  }
0x74: {  	_ =	swait.ge [sflag:s18], $0x800  }
0x75: {  	[sflag:s18] =	ssyncset.done $0x0  }
0x76: {  	[sflag:s18] =	ssyncadd.s32 $0xFFFFF800  }
0x77: {  	_ =	sfence.sel $0x180000  }
0x78: {  	[bflag:$0x0] =	sbarrier.arrive $0xFFFF  }
0x79: {  	p0 =	sne.s32 s0, $0x0;
	_ =	strace $0x90000050  }
0x7a: {  	s0 =	sadd.s32 @!p0 $0x100000, s1;
	[bflag:$0x2] =	sbarrier.arrive $0xFFFF  }
0x7b: {  	[sflag:s0] =	ssyncadd.tile.s32 @!p0 $0x1;
	_ =	shalt  }
.Lfunc_end2:
_tile_overlayer_lowered:
.L_overlay_start_2:
0x7c: {  	(tag) =	ssettag $0x2  }
0x7d: {  	s0 =	rddreg [dreg:$0x0];
	s2 =	stileid.u32  }
0x7e: {  	s1 =	rddreg [dreg:$0x1];
	p0 =	sne.s32 s2, $0x0  }
0x7f: {  	s3 =	rddreg [dreg:$0x2];
	[bflag:$0x3] =	sbarrier.arrive $0xFFFF;
	s2 =	simm.s32 @!p0 $0x1C01  }
0x80: {  	[timem:s3], [sflag:s2] =	dma.local @!p0 [hbm:s0], s1  }
0x81: {  	s0 =	simm.s32 @!p0 $0x1  }
0x82: {  	_ =	swait.ge @!p0 [sflag:s0], s1  }
0x83: {  	s1 =	ssub.s32 @!p0 $0x0, s1;
	[sflag:s0] =	ssyncset.done @!p0 $0x0  }
0x84: {  	[sflag:s0] =	ssyncadd.s32 @!p0 s1  }
0x85: {  	[bflag:$0x3] =	sbarrier.arrive $0xFFFF  }
0x86: {  	_ =	shalt  }

</sc_bundles>
